<compile_context>
chip_gen: v7x
topology: tpu7x:2x2x1
jax: 0.10.2.dev20260603
libtpu: 0.0.44.dev20260713+nightly
codegen_flags: <defaults>
</compile_context>

<pallas_src>
import functools
import math

import jax
import jax.numpy as jnp
import numpy as np
from jax import lax
from jax.experimental import pallas as pl
from jax.experimental.pallas import tpu as pltpu
from jax.experimental.pallas import tpu_sc as plsc

MAX_LEN = 5000
DIM = 1024
N = 16384
B = 8
SCALE = math.sqrt(DIM)

LANES = 16
NUM_CHUNKS = N // LANES
NUM_CORES = 2
NUM_SUBCORES = 16
NUM_WORKERS = NUM_CORES * NUM_SUBCORES
CPW = 6
STATIC_ROWS = LANES
WIN_ROW = STATIC_ROWS
ZROW = 2 * LANES
PBUF_ROWS = 2 * LANES + 1
PE_ROWS = 2047

BLK = 512
SC_BLOCKS = 6
TC_BLOCKS = N // BLK - SC_BLOCKS
SC_CHUNKS = SC_BLOCKS * BLK // LANES
PE_TC_ROWS = 2048


def _pe_table() -> np.ndarray:
    pe = np.zeros((MAX_LEN + 1, DIM), dtype=np.float32)
    position = np.arange(0, MAX_LEN, dtype=np.float32)[:, None]
    div_term = np.exp(
        np.arange(0, DIM, 2, dtype=np.float32) * -(math.log(10000.0) / DIM))
    pe[:MAX_LEN, 0::2] = np.sin(position * div_term)
    pe[:MAX_LEN, 1::2] = np.cos(position * div_term)
    return pe


_PE = _pe_table()


def _meta_body(mask_ref, out_ref, pidx_ref):
    m = mask_ref[...]
    x = m
    for sh in (1, 2, 4, 8):
        x = x + jnp.concatenate(
            [jnp.zeros((NUM_CHUNKS, sh), jnp.int32), x[:, :-sh]], axis=1)
    rowm = x[:, LANES - 1:LANES]
    y = rowm
    for sh in (1, 2, 4, 8, 16, 32, 64, 128, 256, 512):
        y = y + jnp.concatenate(
            [jnp.zeros((sh, 1), jnp.int32), y[:-sh, :]], axis=0)
    k0 = y - rowm
    rank = k0 + x - 1
    col = lax.broadcasted_iota(jnp.int32, (NUM_CHUNKS, LANES), 1)
    bmod = col & 7
    cums, starts = [], []
    running = jnp.zeros((), jnp.int32)
    for b in range(B):
        sl_b = jnp.sum(jnp.where(bmod == b, m, 0))
        starts.append(running)
        running = running + sl_b
        cums.append(running)
    batchv = jnp.zeros((NUM_CHUNKS, LANES), jnp.int32)
    batch0 = jnp.zeros((NUM_CHUNKS, 1), jnp.int32)
    for b in range(B):
        batchv = batchv + (rank >= cums[b]).astype(jnp.int32)
        batch0 = batch0 + (k0 >= cums[b]).astype(jnp.int32)
    batchv = jnp.minimum(batchv, B - 1)
    batch0 = jnp.minimum(batch0, B - 1)
    startv = jnp.zeros((NUM_CHUNKS, LANES), jnp.int32)
    start0 = jnp.zeros((NUM_CHUNKS, 1), jnp.int32)
    for b in range(B):
        startv = startv + jnp.where(batchv == b, starts[b], 0)
        start0 = start0 + jnp.where(batch0 == b, starts[b], 0)
    pos = rank - startv
    w0 = jnp.clip(k0 - start0, 1, PE_ROWS + 1 - LANES)
    active = m > 0
    loff = jnp.where(active,
                     jnp.where(pos >= w0, pos - w0 + WIN_ROW, pos),
                     ZROW)
    out_ref[...] = jnp.concatenate(
        [jnp.broadcast_to(w0, (NUM_CHUNKS, LANES)), loff], axis=1)
    pidx_ref[...] = jnp.where(active, pos, PE_TC_ROWS)


def _chunk_meta(mask_i32):
    return pl.pallas_call(
        _meta_body,
        out_shape=(
            jax.ShapeDtypeStruct((NUM_CHUNKS, 2 * LANES), jnp.int32),
            jax.ShapeDtypeStruct((NUM_CHUNKS, LANES), jnp.int32),
        ),
    )(mask_i32)


CHUNK_ELEMS = LANES * DIM
UNROLL = 8


def _sc_body(emb_hbm, meta_hbm, pe_hbm, out_hbm,
             eb0, eb1, pb0, pb1, mb0, mb1,
             es0, es1, gs0, gs1, ss0, ss1, ms0, ms1):
    eb, pb, mb = (eb0, eb1), (pb0, pb1), (mb0, mb1)
    es, gs, ss, ms = (es0, es1), (gs0, gs1), (ss0, ss1), (ms0, ms1)
    wid = lax.axis_index("s") * NUM_CORES + lax.axis_index("c")
    gbase = wid * CPW

    for i in (0, 1):
        pltpu.sync_copy(pe_hbm.at[pl.ds(0, STATIC_ROWS * DIM)],
                        pb[i].at[pl.ds(0, STATIC_ROWS * DIM)])
        pltpu.sync_copy(pe_hbm.at[pl.ds(MAX_LEN * DIM, DIM)],
                        pb[i].at[pl.ds(ZROW * DIM, DIM)])

    def start_meta(ch, b):
        pltpu.async_copy(meta_hbm.at[pl.ds((gbase + ch) * 2 * LANES,
                                           2 * LANES)], mb[b], ms[b])

    def wait_meta(ch, b):
        pltpu.make_async_copy(meta_hbm.at[pl.ds(0, 2 * LANES)],
                              mb[b], ms[b]).wait()

    def start_emb(ch, b):
        r0 = (gbase + ch) * LANES
        pltpu.async_copy(emb_hbm.at[pl.ds(r0, LANES)], eb[b], es[b])

    def wait_emb(b):
        pltpu.make_async_copy(emb_hbm.at[pl.ds(0, LANES)],
                              eb[b], es[b]).wait()

    def start_window(b):
        w0 = jnp.max(mb[b][pl.ds(0, LANES)])
        pltpu.async_copy(pe_hbm.at[pl.ds(w0 * DIM, LANES * DIM)],
                         pb[b].at[pl.ds(WIN_ROW * DIM, LANES * DIM)], gs[b])

    def wait_window(b):
        pltpu.make_async_copy(pe_hbm.at[pl.ds(0, LANES * DIM)],
                              pb[b].at[pl.ds(WIN_ROW * DIM, LANES * DIM)],
                              gs[b]).wait()

    def wait_store(ch, b):
        r0 = (gbase + ch) * LANES
        pltpu.make_async_copy(eb[b], out_hbm.at[pl.ds(r0, LANES)],
                              ss[b]).wait()

    def step(ch, b):
        nb = 1 - b

        @pl.when(ch >= 1)
        def _():
            wait_store(ch - 1, nb)

        @pl.when(ch + 1 < CPW)
        def _():
            start_emb(ch + 1, nb)
            wait_meta(ch + 1, nb)
            start_window(nb)

        wait_emb(b)
        wait_window(b)

        lvec = mb[b][pl.ds(LANES, LANES)]
        riota = lax.broadcasted_iota(jnp.int32, (LANES,), 0)

        def row_fn(r, carry):
            loff_r = jnp.max(jnp.where(riota == r, lvec, 0))
            pbase = loff_r * DIM
            for c0 in range(0, DIM, LANES):
                e = eb[b][r, pl.ds(c0, LANES)]
                p = pb[b][pl.ds(pbase + c0, LANES)]
                eb[b][r, pl.ds(c0, LANES)] = e * SCALE + p
            return carry

        lax.fori_loop(0, LANES, row_fn, 0)

        r0 = (gbase + ch) * LANES
        pltpu.async_copy(eb[b], out_hbm.at[pl.ds(r0, LANES)], ss[b])

        @pl.when(ch + 2 < CPW)
        def _():
            start_meta(ch + 2, b)

    start_meta(0, 0)
    start_meta(1, 1)
    start_emb(0, 0)
    wait_meta(0, 0)
    start_window(0)

    def pair_fn(pair, carry):
        step(2 * pair, 0)
        step(2 * pair + 1, 1)
        return carry

    lax.fori_loop(0, CPW // 2, pair_fn, 0)
    wait_store(CPW - 1, 1)


@functools.cache
def _sc_apply():
    return pl.kernel(
        _sc_body,
        mesh=plsc.VectorSubcoreMesh(core_axis_name="c", subcore_axis_name="s"),
        compiler_params=pltpu.CompilerParams(needs_layout_passes=False),
        out_type=jax.ShapeDtypeStruct((N, DIM), jnp.float32),
        scratch_types=[
            pltpu.VMEM((LANES, DIM), jnp.float32),
            pltpu.VMEM((LANES, DIM), jnp.float32),
            pltpu.VMEM((PBUF_ROWS * DIM,), jnp.float32),
            pltpu.VMEM((PBUF_ROWS * DIM,), jnp.float32),
            pltpu.VMEM((2 * LANES,), jnp.int32),
            pltpu.VMEM((2 * LANES,), jnp.int32),
            pltpu.SemaphoreType.DMA, pltpu.SemaphoreType.DMA,
            pltpu.SemaphoreType.DMA, pltpu.SemaphoreType.DMA,
            pltpu.SemaphoreType.DMA, pltpu.SemaphoreType.DMA,
            pltpu.SemaphoreType.DMA, pltpu.SemaphoreType.DMA,
        ],
    )


def _tc_body(out_in_ref, emb_ref, pidx_ref, pe_ref, out_ref):
    del out_in_ref
    pidx = pidx_ref[0, 0, :].reshape(BLK, 1)
    iota = lax.broadcasted_iota(jnp.int32, (BLK, PE_TC_ROWS), 1)
    onehot = (pidx == iota).astype(jnp.bfloat16)
    pe_sel = lax.dot_general(onehot, pe_ref[...], (((1,), (0,)), ((), ())),
                             preferred_element_type=jnp.float32)
    out_ref[...] = emb_ref[...] * SCALE + pe_sel


@functools.cache
def _tc_apply():
    return pl.pallas_call(
        _tc_body,
        grid=(TC_BLOCKS,),
        in_specs=[
            pl.BlockSpec((8, 128), lambda j: (0, 0)),
            pl.BlockSpec((BLK, DIM), lambda j: (SC_BLOCKS + j, 0)),
            pl.BlockSpec((1, 1, BLK), lambda j: (SC_BLOCKS + j, 0, 0)),
            pl.BlockSpec((PE_TC_ROWS, DIM), lambda j: (0, 0)),
        ],
        out_specs=pl.BlockSpec((BLK, DIM), lambda j: (SC_BLOCKS + j, 0)),
        out_shape=jax.ShapeDtypeStruct((N, DIM), jnp.float32),
        input_output_aliases={0: 0},
    )


def kernel(emb, position_mask):
    mask_i32 = position_mask.reshape(NUM_CHUNKS, LANES).astype(jnp.int32)
    meta, pidx = _chunk_meta(mask_i32)
    emb2d = emb.reshape(N, DIM)
    out_sc = _sc_apply()(emb2d, meta.reshape(-1),
                         jnp.asarray(_PE).reshape(-1))
    out_tc = _tc_apply()(
        out_sc,
        emb2d,
        pidx.reshape(N // BLK, 1, BLK),
        jnp.asarray(_PE[:PE_TC_ROWS].astype(np.dtype(jnp.bfloat16))),
    )
    return out_tc.reshape(emb.shape)

# --- scband reference (transcript-rebuilt; emitter-appended) ---
"""Pipeline reference for scband-segment-position-encoding-36593121362438 (READ-ONLY COPY).

The authoritative reference and input builder live on the scoring server;
editing this copy changes nothing except your own understanding.
"""

import math
import jax, jax.numpy as jnp
import numpy as np

MAX_LEN = 5000
DIM = 1024

def _make_pe(max_len, dim):
    pe = np.zeros((max_len, dim), dtype=np.float32)
    position = np.arange(0, max_len, dtype=np.float32)[:, None]
    div_term = np.exp(np.arange(0, dim, 2, dtype=np.float32) * -(math.log(10000.0) / dim))
    pe[:, 0::2] = np.sin(position * div_term)
    pe[:, 1::2] = np.cos(position * div_term)
    return jnp.asarray(pe)  # [max_len, dim]


def setup_inputs(seed: int = 0) -> dict:
    key = jax.random.key(seed)
    k1, k2 = jax.random.split(key)
    S, L, B, D = 16, 128, 8, DIM
    emb = jax.random.normal(k1, (S, L, B, D), dtype=jnp.float32)
    position_mask = jax.random.randint(k2, (S, L, B), 0, 2).astype(jnp.bool_)
    return {"emb": emb, "position_mask": position_mask}


def reference(emb, position_mask):
    # emb: [S, L, B, D], position_mask: bool [S, L, B]
    D = emb.shape[-1]
    B = emb.shape[2]
    pe = _make_pe(MAX_LEN, D)
    emb = emb * math.sqrt(D)
    # per-batch sequence lengths
    seq_len = position_mask.sum(axis=0).sum(axis=0)  # [B]
    N = position_mask.size
    cum = jnp.cumsum(seq_len)          # [B], cumulative lengths (batch-major)
    start = cum - seq_len              # [B], start offset of each batch's segment
    ks = jnp.arange(N)
    batch_of_k = jnp.clip(jnp.searchsorted(cum, ks, side='right'), 0, B - 1)
    pos_rows_full = ks - start[batch_of_k]  # pos_rows[k] for every possible rank k
    # torch boolean-mask assignment flattens emb in (s, l, b) row-major order
    flat_mask = position_mask.reshape(-1)
    rank = jnp.clip(jnp.cumsum(flat_mask) - 1, 0, N - 1)  # rank of each flat slot
    pos = pos_rows_full[rank]
    position_embedding = jnp.take(pe, pos, axis=0)  # [N, D]
    emb_flat = emb.reshape(-1, D)
    emb_flat = emb_flat + position_embedding * flat_mask[:, None].astype(emb_flat.dtype)
    out = emb_flat.reshape(emb.shape)
    # dropout p=0.0 -> identity (eval semantics)
    return out

if __name__ == "__main__":
    import jax
    _d = setup_inputs()
    print(jax.jit(kernel)(*tuple(_d.values())))

</pallas_src>

<mosaic_0001>
#map = affine_map<(d0, d1) -> (0, 0)>
#map1 = affine_map<(d0, d1) -> (0)>
module attributes {stable_mosaic.version = 14 : i64} {
  func.func @_sc_body(%arg0: i32, %arg1: i32, %arg2: memref<16384x1024xf32, #tpu.memory_space<hbm>>, %arg3: memref<32768xi32, #tpu.memory_space<hbm>>, %arg4: memref<5121024xf32, #tpu.memory_space<hbm>>, %arg5: memref<16384x1024xf32, #tpu.memory_space<hbm>>, %arg6: memref<16x1024xf32, #tpu.memory_space<vmem>>, %arg7: memref<16x1024xf32, #tpu.memory_space<vmem>>, %arg8: memref<33792xf32, #tpu.memory_space<vmem>>, %arg9: memref<33792xf32, #tpu.memory_space<vmem>>, %arg10: memref<32xi32, #tpu.memory_space<vmem>>, %arg11: memref<32xi32, #tpu.memory_space<vmem>>, %arg12: memref<!tpu.dma_semaphore, #tpu.memory_space<semaphore_mem>>, %arg13: memref<!tpu.dma_semaphore, #tpu.memory_space<semaphore_mem>>, %arg14: memref<!tpu.dma_semaphore, #tpu.memory_space<semaphore_mem>>, %arg15: memref<!tpu.dma_semaphore, #tpu.memory_space<semaphore_mem>>, %arg16: memref<!tpu.dma_semaphore, #tpu.memory_space<semaphore_mem>>, %arg17: memref<!tpu.dma_semaphore, #tpu.memory_space<semaphore_mem>>, %arg18: memref<!tpu.dma_semaphore, #tpu.memory_space<semaphore_mem>>, %arg19: memref<!tpu.dma_semaphore, #tpu.memory_space<semaphore_mem>>) attributes {dimension_semantics = [#tpu.dimension_semantics<core_parallel>, #tpu.dimension_semantics<subcore_parallel>], iteration_bounds = array<i64: 2, 16>, scalar_prefetch = 0 : i64, scratch_operands = 14 : i64, tpu.core_type = #tpu.core_type<sc_vector_subcore>, window_params = [{transform_indices = #map}, {transform_indices = #map1}, {transform_indices = #map1}, {transform_indices = #map}]} {
    %mul3A = arith.constant 2 : i32
    %mul3A_0 = arith.muli %arg1, %mul3A : i32
    %add3A = arith.addi %mul3A_0, %arg0 : i32
    %mul3A_1 = arith.constant 6 : i32
    %mul3A_2 = arith.muli %add3A, %mul3A_1 : i32
    "tpu.region"() ({
      %run_scoped3A = tpu.sem_alloc : memref<!tpu.dma_semaphore, #tpu.memory_space<semaphore_mem>>
      %dma_start3A_58 = arith.constant 0 : i32
      %dma_start3A_59 = tpu.memref_slice %arg8[%dma_start3A_58] : memref<33792xf32, #tpu.memory_space<vmem>> -> memref<16384xf32, #tpu.memory_space<vmem>>
      %dma_start3A_60 = arith.constant 0 : i32
      %dma_start3A_61 = tpu.memref_slice %arg4[%dma_start3A_60] : memref<5121024xf32, #tpu.memory_space<hbm>> -> memref<16384xf32, #tpu.memory_space<hbm>>
      %dma_start3A_62 = arith.constant 0 : i32
      %dma_start3A_63 = tpu.memref_slice %arg8[%dma_start3A_62] : memref<33792xf32, #tpu.memory_space<vmem>> -> memref<16384xf32, #tpu.memory_space<vmem>>
      %dma_start3A_64 = arith.constant 0 : i32
      %dma_start3A_65 = tpu.memref_slice %arg4[%dma_start3A_64] : memref<5121024xf32, #tpu.memory_space<hbm>> -> memref<16384xf32, #tpu.memory_space<hbm>>
      tpu.enqueue_dma source(%dma_start3A_65 : memref<16384xf32, #tpu.memory_space<hbm>>) target(%dma_start3A_63 : memref<16384xf32, #tpu.memory_space<vmem>>) target_semaphore(%run_scoped3A : memref<!tpu.dma_semaphore, #tpu.memory_space<semaphore_mem>>)
      %dma_wait3A_66 = arith.constant 0 : i32
      %dma_wait3A_67 = tpu.memref_slice %arg8[%dma_wait3A_66] : memref<33792xf32, #tpu.memory_space<vmem>> -> memref<16384xf32, #tpu.memory_space<vmem>>
      %dma_wait3A_68 = arith.constant 0 : i32
      %dma_wait3A_69 = tpu.memref_slice %arg4[%dma_wait3A_68] : memref<5121024xf32, #tpu.memory_space<hbm>> -> memref<16384xf32, #tpu.memory_space<hbm>>
      %dma_wait3A_70 = arith.constant 0 : i32
      %dma_wait3A_71 = tpu.memref_slice %arg8[%dma_wait3A_70] : memref<33792xf32, #tpu.memory_space<vmem>> -> memref<16384xf32, #tpu.memory_space<vmem>>
      %dma_wait3A_72 = arith.constant 0 : i32
      %dma_wait3A_73 = tpu.memref_slice %arg4[%dma_wait3A_72] : memref<5121024xf32, #tpu.memory_space<hbm>> -> memref<16384xf32, #tpu.memory_space<hbm>>
      tpu.wait_dma2 semaphore(%run_scoped3A : memref<!tpu.dma_semaphore, #tpu.memory_space<semaphore_mem>>) src(%dma_wait3A_73 : memref<16384xf32, #tpu.memory_space<hbm>>) dst(%dma_wait3A_71 : memref<16384xf32, #tpu.memory_space<vmem>>)
      tpu.yield
    }) : () -> ()
    "tpu.region"() ({
      %run_scoped3A = tpu.sem_alloc : memref<!tpu.dma_semaphore, #tpu.memory_space<semaphore_mem>>
      %dma_start3A_58 = arith.constant 32768 : i32
      %dma_start3A_59 = tpu.memref_slice %arg8[%dma_start3A_58] : memref<33792xf32, #tpu.memory_space<vmem>> -> memref<1024xf32, #tpu.memory_space<vmem>>
      %dma_start3A_60 = arith.constant 5120000 : i32
      %dma_start3A_61 = tpu.memref_slice %arg4[%dma_start3A_60] : memref<5121024xf32, #tpu.memory_space<hbm>> -> memref<1024xf32, #tpu.memory_space<hbm>>
      %dma_start3A_62 = arith.constant 32768 : i32
      %dma_start3A_63 = tpu.memref_slice %arg8[%dma_start3A_62] : memref<33792xf32, #tpu.memory_space<vmem>> -> memref<1024xf32, #tpu.memory_space<vmem>>
      %dma_start3A_64 = arith.constant 5120000 : i32
      %dma_start3A_65 = tpu.memref_slice %arg4[%dma_start3A_64] : memref<5121024xf32, #tpu.memory_space<hbm>> -> memref<1024xf32, #tpu.memory_space<hbm>>
      tpu.enqueue_dma source(%dma_start3A_65 : memref<1024xf32, #tpu.memory_space<hbm>>) target(%dma_start3A_63 : memref<1024xf32, #tpu.memory_space<vmem>>) target_semaphore(%run_scoped3A : memref<!tpu.dma_semaphore, #tpu.memory_space<semaphore_mem>>)
      %dma_wait3A_66 = arith.constant 32768 : i32
      %dma_wait3A_67 = tpu.memref_slice %arg8[%dma_wait3A_66] : memref<33792xf32, #tpu.memory_space<vmem>> -> memref<1024xf32, #tpu.memory_space<vmem>>
      %dma_wait3A_68 = arith.constant 5120000 : i32
      %dma_wait3A_69 = tpu.memref_slice %arg4[%dma_wait3A_68] : memref<5121024xf32, #tpu.memory_space<hbm>> -> memref<1024xf32, #tpu.memory_space<hbm>>
      %dma_wait3A_70 = arith.constant 32768 : i32
      %dma_wait3A_71 = tpu.memref_slice %arg8[%dma_wait3A_70] : memref<33792xf32, #tpu.memory_space<vmem>> -> memref<1024xf32, #tpu.memory_space<vmem>>
      %dma_wait3A_72 = arith.constant 5120000 : i32
      %dma_wait3A_73 = tpu.memref_slice %arg4[%dma_wait3A_72] : memref<5121024xf32, #tpu.memory_space<hbm>> -> memref<1024xf32, #tpu.memory_space<hbm>>
      tpu.wait_dma2 semaphore(%run_scoped3A : memref<!tpu.dma_semaphore, #tpu.memory_space<semaphore_mem>>) src(%dma_wait3A_73 : memref<1024xf32, #tpu.memory_space<hbm>>) dst(%dma_wait3A_71 : memref<1024xf32, #tpu.memory_space<vmem>>)
      tpu.yield
    }) : () -> ()
    "tpu.region"() ({
      %run_scoped3A = tpu.sem_alloc : memref<!tpu.dma_semaphore, #tpu.memory_space<semaphore_mem>>
      %dma_start3A_58 = arith.constant 0 : i32
      %dma_start3A_59 = tpu.memref_slice %arg9[%dma_start3A_58] : memref<33792xf32, #tpu.memory_space<vmem>> -> memref<16384xf32, #tpu.memory_space<vmem>>
      %dma_start3A_60 = arith.constant 0 : i32
      %dma_start3A_61 = tpu.memref_slice %arg4[%dma_start3A_60] : memref<5121024xf32, #tpu.memory_space<hbm>> -> memref<16384xf32, #tpu.memory_space<hbm>>
      %dma_start3A_62 = arith.constant 0 : i32
      %dma_start3A_63 = tpu.memref_slice %arg9[%dma_start3A_62] : memref<33792xf32, #tpu.memory_space<vmem>> -> memref<16384xf32, #tpu.memory_space<vmem>>
      %dma_start3A_64 = arith.constant 0 : i32
      %dma_start3A_65 = tpu.memref_slice %arg4[%dma_start3A_64] : memref<5121024xf32, #tpu.memory_space<hbm>> -> memref<16384xf32, #tpu.memory_space<hbm>>
      tpu.enqueue_dma source(%dma_start3A_65 : memref<16384xf32, #tpu.memory_space<hbm>>) target(%dma_start3A_63 : memref<16384xf32, #tpu.memory_space<vmem>>) target_semaphore(%run_scoped3A : memref<!tpu.dma_semaphore, #tpu.memory_space<semaphore_mem>>)
      %dma_wait3A_66 = arith.constant 0 : i32
      %dma_wait3A_67 = tpu.memref_slice %arg9[%dma_wait3A_66] : memref<33792xf32, #tpu.memory_space<vmem>> -> memref<16384xf32, #tpu.memory_space<vmem>>
      %dma_wait3A_68 = arith.constant 0 : i32
      %dma_wait3A_69 = tpu.memref_slice %arg4[%dma_wait3A_68] : memref<5121024xf32, #tpu.memory_space<hbm>> -> memref<16384xf32, #tpu.memory_space<hbm>>
      %dma_wait3A_70 = arith.constant 0 : i32
      %dma_wait3A_71 = tpu.memref_slice %arg9[%dma_wait3A_70] : memref<33792xf32, #tpu.memory_space<vmem>> -> memref<16384xf32, #tpu.memory_space<vmem>>
      %dma_wait3A_72 = arith.constant 0 : i32
      %dma_wait3A_73 = tpu.memref_slice %arg4[%dma_wait3A_72] : memref<5121024xf32, #tpu.memory_space<hbm>> -> memref<16384xf32, #tpu.memory_space<hbm>>
      tpu.wait_dma2 semaphore(%run_scoped3A : memref<!tpu.dma_semaphore, #tpu.memory_space<semaphore_mem>>) src(%dma_wait3A_73 : memref<16384xf32, #tpu.memory_space<hbm>>) dst(%dma_wait3A_71 : memref<16384xf32, #tpu.memory_space<vmem>>)
      tpu.yield
    }) : () -> ()
    "tpu.region"() ({
      %run_scoped3A = tpu.sem_alloc : memref<!tpu.dma_semaphore, #tpu.memory_space<semaphore_mem>>
      %dma_start3A_58 = arith.constant 32768 : i32
      %dma_start3A_59 = tpu.memref_slice %arg9[%dma_start3A_58] : memref<33792xf32, #tpu.memory_space<vmem>> -> memref<1024xf32, #tpu.memory_space<vmem>>
      %dma_start3A_60 = arith.constant 5120000 : i32
      %dma_start3A_61 = tpu.memref_slice %arg4[%dma_start3A_60] : memref<5121024xf32, #tpu.memory_space<hbm>> -> memref<1024xf32, #tpu.memory_space<hbm>>
      %dma_start3A_62 = arith.constant 32768 : i32
      %dma_start3A_63 = tpu.memref_slice %arg9[%dma_start3A_62] : memref<33792xf32, #tpu.memory_space<vmem>> -> memref<1024xf32, #tpu.memory_space<vmem>>
      %dma_start3A_64 = arith.constant 5120000 : i32
      %dma_start3A_65 = tpu.memref_slice %arg4[%dma_start3A_64] : memref<5121024xf32, #tpu.memory_space<hbm>> -> memref<1024xf32, #tpu.memory_space<hbm>>
      tpu.enqueue_dma source(%dma_start3A_65 : memref<1024xf32, #tpu.memory_space<hbm>>) target(%dma_start3A_63 : memref<1024xf32, #tpu.memory_space<vmem>>) target_semaphore(%run_scoped3A : memref<!tpu.dma_semaphore, #tpu.memory_space<semaphore_mem>>)
      %dma_wait3A_66 = arith.constant 32768 : i32
      %dma_wait3A_67 = tpu.memref_slice %arg9[%dma_wait3A_66] : memref<33792xf32, #tpu.memory_space<vmem>> -> memref<1024xf32, #tpu.memory_space<vmem>>
      %dma_wait3A_68 = arith.constant 5120000 : i32
      %dma_wait3A_69 = tpu.memref_slice %arg4[%dma_wait3A_68] : memref<5121024xf32, #tpu.memory_space<hbm>> -> memref<1024xf32, #tpu.memory_space<hbm>>
      %dma_wait3A_70 = arith.constant 32768 : i32
      %dma_wait3A_71 = tpu.memref_slice %arg9[%dma_wait3A_70] : memref<33792xf32, #tpu.memory_space<vmem>> -> memref<1024xf32, #tpu.memory_space<vmem>>
      %dma_wait3A_72 = arith.constant 5120000 : i32
      %dma_wait3A_73 = tpu.memref_slice %arg4[%dma_wait3A_72] : memref<5121024xf32, #tpu.memory_space<hbm>> -> memref<1024xf32, #tpu.memory_space<hbm>>
      tpu.wait_dma2 semaphore(%run_scoped3A : memref<!tpu.dma_semaphore, #tpu.memory_space<semaphore_mem>>) src(%dma_wait3A_73 : memref<1024xf32, #tpu.memory_space<hbm>>) dst(%dma_wait3A_71 : memref<1024xf32, #tpu.memory_space<vmem>>)
      tpu.yield
    }) : () -> ()
    %add3A_3 = arith.constant 0 : i32
    %add3A_4 = arith.addi %mul3A_2, %add3A_3 : i32
    %mul3A_5 = arith.constant 2 : i32
    %mul3A_6 = arith.muli %add3A_4, %mul3A_5 : i32
    %mul3A_7 = arith.constant 16 : i32
    %mul3A_8 = arith.muli %mul3A_6, %mul3A_7 : i32
    %dma_start3A = tpu.memref_slice %arg3[%mul3A_8] : memref<32768xi32, #tpu.memory_space<hbm>> -> memref<32xi32, #tpu.memory_space<hbm>>
    %dma_start3A_9 = tpu.memref_slice %arg3[%mul3A_8] : memref<32768xi32, #tpu.memory_space<hbm>> -> memref<32xi32, #tpu.memory_space<hbm>>
    tpu.enqueue_dma source(%dma_start3A_9 : memref<32xi32, #tpu.memory_space<hbm>>) target(%arg10 : memref<32xi32, #tpu.memory_space<vmem>>) target_semaphore(%arg18 : memref<!tpu.dma_semaphore, #tpu.memory_space<semaphore_mem>>)
    %add3A_10 = arith.constant 1 : i32
    %add3A_11 = arith.addi %mul3A_2, %add3A_10 : i32
    %mul3A_12 = arith.constant 2 : i32
    %mul3A_13 = arith.muli %add3A_11, %mul3A_12 : i32
    %mul3A_14 = arith.constant 16 : i32
    %mul3A_15 = arith.muli %mul3A_13, %mul3A_14 : i32
    %dma_start3A_16 = tpu.memref_slice %arg3[%mul3A_15] : memref<32768xi32, #tpu.memory_space<hbm>> -> memref<32xi32, #tpu.memory_space<hbm>>
    %dma_start3A_17 = tpu.memref_slice %arg3[%mul3A_15] : memref<32768xi32, #tpu.memory_space<hbm>> -> memref<32xi32, #tpu.memory_space<hbm>>
    tpu.enqueue_dma source(%dma_start3A_17 : memref<32xi32, #tpu.memory_space<hbm>>) target(%arg11 : memref<32xi32, #tpu.memory_space<vmem>>) target_semaphore(%arg19 : memref<!tpu.dma_semaphore, #tpu.memory_space<semaphore_mem>>)
    %add3A_18 = arith.constant 0 : i32
    %add3A_19 = arith.addi %mul3A_2, %add3A_18 : i32
    %mul3A_20 = arith.constant 16 : i32
    %mul3A_21 = arith.muli %add3A_19, %mul3A_20 : i32
    %dma_start3A_22 = arith.constant 0 : i32
    %dma_start3A_23 = tpu.memref_slice %arg2[%mul3A_21, %dma_start3A_22] : memref<16384x1024xf32, #tpu.memory_space<hbm>> -> memref<16x1024xf32, #tpu.memory_space<hbm>>
    %dma_start3A_24 = arith.constant 0 : i32
    %dma_start3A_25 = tpu.memref_slice %arg2[%mul3A_21, %dma_start3A_24] : memref<16384x1024xf32, #tpu.memory_space<hbm>> -> memref<16x1024xf32, #tpu.memory_space<hbm>>
    tpu.enqueue_dma source(%dma_start3A_25 : memref<16x1024xf32, #tpu.memory_space<hbm>>) target(%arg6 : memref<16x1024xf32, #tpu.memory_space<vmem>>) target_semaphore(%arg12 : memref<!tpu.dma_semaphore, #tpu.memory_space<semaphore_mem>>)
    %dma_wait3A = arith.constant 0 : i32
    %dma_wait3A_26 = tpu.memref_slice %arg3[%dma_wait3A] : memref<32768xi32, #tpu.memory_space<hbm>> -> memref<32xi32, #tpu.memory_space<hbm>>
    %dma_wait3A_27 = arith.constant 0 : i32
    %dma_wait3A_28 = tpu.memref_slice %arg3[%dma_wait3A_27] : memref<32768xi32, #tpu.memory_space<hbm>> -> memref<32xi32, #tpu.memory_space<hbm>>
    tpu.wait_dma2 semaphore(%arg18 : memref<!tpu.dma_semaphore, #tpu.memory_space<semaphore_mem>>) src(%dma_wait3A_28 : memref<32xi32, #tpu.memory_space<hbm>>) dst(%arg10 : memref<32xi32, #tpu.memory_space<vmem>>)
    %get3A = arith.constant 0 : index
    %get3A_29 = tpu.vector_load %arg10[%get3A] {strides = array<i32>} : memref<32xi32, #tpu.memory_space<vmem>>, vector<16xi32>,
    %reduce_max3A = arith.constant true
    %reduce_max3A_30 = vector.broadcast %reduce_max3A : i1 to vector<16xi1>
    %reduce_max3A_31 = arith.constant -2147483648 : i32
    %reduce_max3A_32 = vector.broadcast %reduce_max3A_31 : i32 to vector<16xi32>
    %reduce_max3A_33 = arith.xori %get3A_29, %reduce_max3A_32 : vector<16xi32>
    %reduce_max3A_34 = tpu.scan <max>, %reduce_max3A_33 masked %reduce_max3A_30 : vector<16xi32>, vector<16xi1> -> vector<16xi32>
    %reduce_max3A_35 = arith.xori %reduce_max3A_34, %reduce_max3A_32 : vector<16xi32>
    %reduce_max3A_36 = vector.extract %reduce_max3A_35[15] : i32 from vector<16xi32>
    %mul3A_37 = arith.constant 1024 : i32
    %mul3A_38 = arith.muli %reduce_max3A_36, %mul3A_37 : i32
    %dma_start3A_39 = arith.constant 16384 : i32
    %dma_start3A_40 = tpu.memref_slice %arg8[%dma_start3A_39] : memref<33792xf32, #tpu.memory_space<vmem>> -> memref<16384xf32, #tpu.memory_space<vmem>>
    %dma_start3A_41 = tpu.memref_slice %arg4[%mul3A_38] : memref<5121024xf32, #tpu.memory_space<hbm>> -> memref<16384xf32, #tpu.memory_space<hbm>>
    %dma_start3A_42 = arith.constant 16384 : i32
    %dma_start3A_43 = tpu.memref_slice %arg8[%dma_start3A_42] : memref<33792xf32, #tpu.memory_space<vmem>> -> memref<16384xf32, #tpu.memory_space<vmem>>
    %dma_start3A_44 = tpu.memref_slice %arg4[%mul3A_38] : memref<5121024xf32, #tpu.memory_space<hbm>> -> memref<16384xf32, #tpu.memory_space<hbm>>
    tpu.enqueue_dma source(%dma_start3A_44 : memref<16384xf32, #tpu.memory_space<hbm>>) target(%dma_start3A_43 : memref<16384xf32, #tpu.memory_space<vmem>>) target_semaphore(%arg14 : memref<!tpu.dma_semaphore, #tpu.memory_space<semaphore_mem>>)
    %scan3A = arith.constant 0 : i32
    %scan3A_45 = arith.constant 0 : i32
    %scan3A_46 = arith.constant 3 : i32
    %scan3A_47 = arith.addi %scan3A_45, %scan3A_46 : i32
    %scan3A_48 = arith.constant 1 : i32
    scf.for %scan3A_58 = %scan3A_45 to %scan3A_47 step %scan3A_48  : i32 {
      %mul3A_59 = arith.constant 2 : i32
      %mul3A_60 = arith.muli %mul3A_59, %scan3A_58 : i32
      %ge3A = arith.constant 1 : i32
      %ge3A_61 = arith.cmpi sge, %mul3A_60, %ge3A : i32
      %convert_element_type3A = arith.extui %ge3A_61 : i1 to i32
      %cond3A = arith.constant 0 : i32
      %cond3A_62 = arith.cmpi ne, %convert_element_type3A, %cond3A : i32
      scf.if %cond3A_62 {
        %sub3A = arith.constant 1 : i32
        %sub3A_158 = arith.subi %mul3A_60, %sub3A : i32
        %add3A_159 = arith.addi %mul3A_2, %sub3A_158 : i32
        %mul3A_160 = arith.constant 16 : i32
        %mul3A_161 = arith.muli %add3A_159, %mul3A_160 : i32
        %dma_wait3A_162 = arith.constant 0 : i32
        %dma_wait3A_163 = tpu.memref_slice %arg5[%mul3A_161, %dma_wait3A_162] : memref<16384x1024xf32, #tpu.memory_space<hbm>> -> memref<16x1024xf32, #tpu.memory_space<hbm>>
        %dma_wait3A_164 = arith.constant 0 : i32
        %dma_wait3A_165 = tpu.memref_slice %arg5[%mul3A_161, %dma_wait3A_164] : memref<16384x1024xf32, #tpu.memory_space<hbm>> -> memref<16x1024xf32, #tpu.memory_space<hbm>>
        tpu.wait_dma2 semaphore(%arg17 : memref<!tpu.dma_semaphore, #tpu.memory_space<semaphore_mem>>) src(%arg7 : memref<16x1024xf32, #tpu.memory_space<vmem>>) dst(%dma_wait3A_165 : memref<16x1024xf32, #tpu.memory_space<hbm>>)
      } else {
      }
      %add3A_63 = arith.constant 1 : i32
      %add3A_64 = arith.addi %mul3A_60, %add3A_63 : i32
      %lt3A = arith.constant 6 : i32
      %lt3A_65 = arith.cmpi slt, %add3A_64, %lt3A : i32
      %convert_element_type3A_66 = arith.extui %lt3A_65 : i1 to i32
      %cond3A_67 = arith.constant 0 : i32
      %cond3A_68 = arith.cmpi ne, %convert_element_type3A_66, %cond3A_67 : i32
      scf.if %cond3A_68 {
        %add3A_158 = arith.constant 1 : i32
        %add3A_159 = arith.addi %mul3A_60, %add3A_158 : i32
        %add3A_160 = arith.addi %mul3A_2, %add3A_159 : i32
        %mul3A_161 = arith.constant 16 : i32
        %mul3A_162 = arith.muli %add3A_160, %mul3A_161 : i32
        %dma_start3A_163 = arith.constant 0 : i32
        %dma_start3A_164 = tpu.memref_slice %arg2[%mul3A_162, %dma_start3A_163] : memref<16384x1024xf32, #tpu.memory_space<hbm>> -> memref<16x1024xf32, #tpu.memory_space<hbm>>
        %dma_start3A_165 = arith.constant 0 : i32
        %dma_start3A_166 = tpu.memref_slice %arg2[%mul3A_162, %dma_start3A_165] : memref<16384x1024xf32, #tpu.memory_space<hbm>> -> memref<16x1024xf32, #tpu.memory_space<hbm>>
        tpu.enqueue_dma source(%dma_start3A_166 : memref<16x1024xf32, #tpu.memory_space<hbm>>) target(%arg7 : memref<16x1024xf32, #tpu.memory_space<vmem>>) target_semaphore(%arg13 : memref<!tpu.dma_semaphore, #tpu.memory_space<semaphore_mem>>)
        %add3A_167 = arith.constant 1 : i32
        %add3A_168 = arith.addi %mul3A_60, %add3A_167 : i32
        %dma_wait3A_169 = arith.constant 0 : i32
        %dma_wait3A_170 = tpu.memref_slice %arg3[%dma_wait3A_169] : memref<32768xi32, #tpu.memory_space<hbm>> -> memref<32xi32, #tpu.memory_space<hbm>>
        %dma_wait3A_171 = arith.constant 0 : i32
        %dma_wait3A_172 = tpu.memref_slice %arg3[%dma_wait3A_171] : memref<32768xi32, #tpu.memory_space<hbm>> -> memref<32xi32, #tpu.memory_space<hbm>>
        tpu.wait_dma2 semaphore(%arg19 : memref<!tpu.dma_semaphore, #tpu.memory_space<semaphore_mem>>) src(%dma_wait3A_172 : memref<32xi32, #tpu.memory_space<hbm>>) dst(%arg11 : memref<32xi32, #tpu.memory_space<vmem>>)
        %get3A_173 = arith.constant 0 : index
        %get3A_174 = tpu.vector_load %arg11[%get3A_173] {strides = array<i32>} : memref<32xi32, #tpu.memory_space<vmem>>, vector<16xi32>,
        %reduce_max3A_175 = arith.constant true
        %reduce_max3A_176 = vector.broadcast %reduce_max3A_175 : i1 to vector<16xi1>
        %reduce_max3A_177 = arith.constant -2147483648 : i32
        %reduce_max3A_178 = vector.broadcast %reduce_max3A_177 : i32 to vector<16xi32>
        %reduce_max3A_179 = arith.xori %get3A_174, %reduce_max3A_178 : vector<16xi32>
        %reduce_max3A_180 = tpu.scan <max>, %reduce_max3A_179 masked %reduce_max3A_176 : vector<16xi32>, vector<16xi1> -> vector<16xi32>
        %reduce_max3A_181 = arith.xori %reduce_max3A_180, %reduce_max3A_178 : vector<16xi32>
        %reduce_max3A_182 = vector.extract %reduce_max3A_181[15] : i32 from vector<16xi32>
        %mul3A_183 = arith.constant 1024 : i32
        %mul3A_184 = arith.muli %reduce_max3A_182, %mul3A_183 : i32
        %dma_start3A_185 = arith.constant 16384 : i32
        %dma_start3A_186 = tpu.memref_slice %arg9[%dma_start3A_185] : memref<33792xf32, #tpu.memory_space<vmem>> -> memref<16384xf32, #tpu.memory_space<vmem>>
        %dma_start3A_187 = tpu.memref_slice %arg4[%mul3A_184] : memref<5121024xf32, #tpu.memory_space<hbm>> -> memref<16384xf32, #tpu.memory_space<hbm>>
        %dma_start3A_188 = arith.constant 16384 : i32
        %dma_start3A_189 = tpu.memref_slice %arg9[%dma_start3A_188] : memref<33792xf32, #tpu.memory_space<vmem>> -> memref<16384xf32, #tpu.memory_space<vmem>>
        %dma_start3A_190 = tpu.memref_slice %arg4[%mul3A_184] : memref<5121024xf32, #tpu.memory_space<hbm>> -> memref<16384xf32, #tpu.memory_space<hbm>>
        tpu.enqueue_dma source(%dma_start3A_190 : memref<16384xf32, #tpu.memory_space<hbm>>) target(%dma_start3A_189 : memref<16384xf32, #tpu.memory_space<vmem>>) target_semaphore(%arg15 : memref<!tpu.dma_semaphore, #tpu.memory_space<semaphore_mem>>)
      } else {
      }
      %dma_wait3A_69 = arith.constant 0 : i32
      %dma_wait3A_70 = arith.constant 0 : i32
      %dma_wait3A_71 = tpu.memref_slice %arg2[%dma_wait3A_69, %dma_wait3A_70] : memref<16384x1024xf32, #tpu.memory_space<hbm>> -> memref<16x1024xf32, #tpu.memory_space<hbm>>
      %dma_wait3A_72 = arith.constant 0 : i32
      %dma_wait3A_73 = arith.constant 0 : i32
      %dma_wait3A_74 = tpu.memref_slice %arg2[%dma_wait3A_72, %dma_wait3A_73] : memref<16384x1024xf32, #tpu.memory_space<hbm>> -> memref<16x1024xf32, #tpu.memory_space<hbm>>
      tpu.wait_dma2 semaphore(%arg12 : memref<!tpu.dma_semaphore, #tpu.memory_space<semaphore_mem>>) src(%dma_wait3A_74 : memref<16x1024xf32, #tpu.memory_space<hbm>>) dst(%arg6 : memref<16x1024xf32, #tpu.memory_space<vmem>>)
      %dma_wait3A_75 = arith.constant 16384 : i32
      %dma_wait3A_76 = tpu.memref_slice %arg8[%dma_wait3A_75] : memref<33792xf32, #tpu.memory_space<vmem>> -> memref<16384xf32, #tpu.memory_space<vmem>>
      %dma_wait3A_77 = arith.constant 0 : i32
      %dma_wait3A_78 = tpu.memref_slice %arg4[%dma_wait3A_77] : memref<5121024xf32, #tpu.memory_space<hbm>> -> memref<16384xf32, #tpu.memory_space<hbm>>
      %dma_wait3A_79 = arith.constant 16384 : i32
      %dma_wait3A_80 = tpu.memref_slice %arg8[%dma_wait3A_79] : memref<33792xf32, #tpu.memory_space<vmem>> -> memref<16384xf32, #tpu.memory_space<vmem>>
      %dma_wait3A_81 = arith.constant 0 : i32
      %dma_wait3A_82 = tpu.memref_slice %arg4[%dma_wait3A_81] : memref<5121024xf32, #tpu.memory_space<hbm>> -> memref<16384xf32, #tpu.memory_space<hbm>>
      tpu.wait_dma2 semaphore(%arg14 : memref<!tpu.dma_semaphore, #tpu.memory_space<semaphore_mem>>) src(%dma_wait3A_82 : memref<16384xf32, #tpu.memory_space<hbm>>) dst(%dma_wait3A_80 : memref<16384xf32, #tpu.memory_space<vmem>>)
      %get3A_83 = arith.constant 16 : index
      %get3A_84 = tpu.vector_load %arg10[%get3A_83] {strides = array<i32>} : memref<32xi32, #tpu.memory_space<vmem>>, vector<16xi32>,
      %iota3A = tpu.iota {dimensions = array<i32: 0>} : vector<16xi32>
      %scan3A_85 = arith.constant 0 : i32
      %scan3A_86 = arith.constant 0 : i32
      %scan3A_87 = arith.constant 16 : i32
      %scan3A_88 = arith.addi %scan3A_86, %scan3A_87 : i32
      %scan3A_89 = arith.constant 1 : i32
      scf.for %scan3A_158 = %scan3A_86 to %scan3A_88 step %scan3A_89  : i32 {
        %eq3A = vector.broadcast %scan3A_158 : i32 to vector<16xi32>
        %eq3A_159 = arith.cmpi eq, %iota3A, %eq3A : vector<16xi32>
        %jit3A = arith.constant 0 : i32
        %broadcast_in_dim3A = vector.broadcast %jit3A : i32 to vector<16xi32>
        %select_n3A = arith.select %eq3A_159, %get3A_84, %broadcast_in_dim3A : vector<16xi1>, vector<16xi32>
        %reduce_max3A_160 = arith.constant true
        %reduce_max3A_161 = vector.broadcast %reduce_max3A_160 : i1 to vector<16xi1>
        %reduce_max3A_162 = arith.constant -2147483648 : i32
        %reduce_max3A_163 = vector.broadcast %reduce_max3A_162 : i32 to vector<16xi32>
        %reduce_max3A_164 = arith.xori %select_n3A, %reduce_max3A_163 : vector<16xi32>
        %reduce_max3A_165 = tpu.scan <max>, %reduce_max3A_164 masked %reduce_max3A_161 : vector<16xi32>, vector<16xi1> -> vector<16xi32>
        %reduce_max3A_166 = arith.xori %reduce_max3A_165, %reduce_max3A_163 : vector<16xi32>
        %reduce_max3A_167 = vector.extract %reduce_max3A_166[15] : i32 from vector<16xi32>
        %mul3A_168 = arith.constant 1024 : i32
        %mul3A_169 = arith.muli %reduce_max3A_167, %mul3A_168 : i32
        %get3A_170 = arith.index_cast %scan3A_158 : i32 to index
        %get3A_171 = arith.constant 0 : index
        %get3A_172 = tpu.vector_load %arg6[%get3A_170, %get3A_171] {strides = array<i32>} : memref<16x1024xf32, #tpu.memory_space<vmem>>, vector<16xf32>,
        %add3A_173 = arith.constant 0 : i32
        %add3A_174 = arith.addi %mul3A_169, %add3A_173 : i32
        %get3A_175 = arith.index_cast %add3A_174 : i32 to index
        %get3A_176 = tpu.vector_load %arg8[%get3A_175] {strides = array<i32>} : memref<33792xf32, #tpu.memory_space<vmem>>, vector<16xf32>,
        %mul3A_177 = arith.constant 3.200000e+01 : f32
        %mul3A_178 = vector.broadcast %mul3A_177 : f32 to vector<16xf32>
        %mul3A_179 = arith.mulf %get3A_172, %mul3A_178 : vector<16xf32>
        %add3A_180 = arith.addf %mul3A_179, %get3A_176 : vector<16xf32>
        %swap3A = arith.index_cast %scan3A_158 : i32 to index
        %swap3A_181 = arith.constant 0 : index
        %swap3A_182 = tpu.vector_load %arg6[%swap3A, %swap3A_181] {strides = array<i32>} : memref<16x1024xf32, #tpu.memory_space<vmem>>, vector<16xf32>,
        tpu.vector_store %arg6[%swap3A, %swap3A_181], %add3A_180 {strides = array<i32>} : memref<16x1024xf32, #tpu.memory_space<vmem>>, vector<16xf32>,
        %get3A_183 = arith.index_cast %scan3A_158 : i32 to index
        %get3A_184 = arith.constant 16 : index
        %get3A_185 = tpu.vector_load %arg6[%get3A_183, %get3A_184] {strides = array<i32>} : memref<16x1024xf32, #tpu.memory_space<vmem>>, vector<16xf32>,
        %add3A_186 = arith.constant 16 : i32
        %add3A_187 = arith.addi %mul3A_169, %add3A_186 : i32
        %get3A_188 = arith.index_cast %add3A_187 : i32 to index
        %get3A_189 = tpu.vector_load %arg8[%get3A_188] {strides = array<i32>} : memref<33792xf32, #tpu.memory_space<vmem>>, vector<16xf32>,
        %mul3A_190 = arith.constant 3.200000e+01 : f32
        %mul3A_191 = vector.broadcast %mul3A_190 : f32 to vector<16xf32>
        %mul3A_192 = arith.mulf %get3A_185, %mul3A_191 : vector<16xf32>
        %add3A_193 = arith.addf %mul3A_192, %get3A_189 : vector<16xf32>
        %swap3A_194 = arith.index_cast %scan3A_158 : i32 to index
        %swap3A_195 = arith.constant 16 : index
        %swap3A_196 = tpu.vector_load %arg6[%swap3A_194, %swap3A_195] {strides = array<i32>} : memref<16x1024xf32, #tpu.memory_space<vmem>>, vector<16xf32>,
        tpu.vector_store %arg6[%swap3A_194, %swap3A_195], %add3A_193 {strides = array<i32>} : memref<16x1024xf32, #tpu.memory_space<vmem>>, vector<16xf32>,
        %get3A_197 = arith.index_cast %scan3A_158 : i32 to index
        %get3A_198 = arith.constant 32 : index
        %get3A_199 = tpu.vector_load %arg6[%get3A_197, %get3A_198] {strides = array<i32>} : memref<16x1024xf32, #tpu.memory_space<vmem>>, vector<16xf32>,
        %add3A_200 = arith.constant 32 : i32
        %add3A_201 = arith.addi %mul3A_169, %add3A_200 : i32
        %get3A_202 = arith.index_cast %add3A_201 : i32 to index
        %get3A_203 = tpu.vector_load %arg8[%get3A_202] {strides = array<i32>} : memref<33792xf32, #tpu.memory_space<vmem>>, vector<16xf32>,
        %mul3A_204 = arith.constant 3.200000e+01 : f32
        %mul3A_205 = vector.broadcast %mul3A_204 : f32 to vector<16xf32>
        %mul3A_206 = arith.mulf %get3A_199, %mul3A_205 : vector<16xf32>
        %add3A_207 = arith.addf %mul3A_206, %get3A_203 : vector<16xf32>
        %swap3A_208 = arith.index_cast %scan3A_158 : i32 to index
        %swap3A_209 = arith.constant 32 : index
        %swap3A_210 = tpu.vector_load %arg6[%swap3A_208, %swap3A_209] {strides = array<i32>} : memref<16x1024xf32, #tpu.memory_space<vmem>>, vector<16xf32>,
        tpu.vector_store %arg6[%swap3A_208, %swap3A_209], %add3A_207 {strides = array<i32>} : memref<16x1024xf32, #tpu.memory_space<vmem>>, vector<16xf32>,
        %get3A_211 = arith.index_cast %scan3A_158 : i32 to index
        %get3A_212 = arith.constant 48 : index
        %get3A_213 = tpu.vector_load %arg6[%get3A_211, %get3A_212] {strides = array<i32>} : memref<16x1024xf32, #tpu.memory_space<vmem>>, vector<16xf32>,
        %add3A_214 = arith.constant 48 : i32
        %add3A_215 = arith.addi %mul3A_169, %add3A_214 : i32
        %get3A_216 = arith.index_cast %add3A_215 : i32 to index
        %get3A_217 = tpu.vector_load %arg8[%get3A_216] {strides = array<i32>} : memref<33792xf32, #tpu.memory_space<vmem>>, vector<16xf32>,
        %mul3A_218 = arith.constant 3.200000e+01 : f32
        %mul3A_219 = vector.broadcast %mul3A_218 : f32 to vector<16xf32>
        %mul3A_220 = arith.mulf %get3A_213, %mul3A_219 : vector<16xf32>
        %add3A_221 = arith.addf %mul3A_220, %get3A_217 : vector<16xf32>
        %swap3A_222 = arith.index_cast %scan3A_158 : i32 to index
        %swap3A_223 = arith.constant 48 : index
        %swap3A_224 = tpu.vector_load %arg6[%swap3A_222, %swap3A_223] {strides = array<i32>} : memref<16x1024xf32, #tpu.memory_space<vmem>>, vector<16xf32>,
        tpu.vector_store %arg6[%swap3A_222, %swap3A_223], %add3A_221 {strides = array<i32>} : memref<16x1024xf32, #tpu.memory_space<vmem>>, vector<16xf32>,
        %get3A_225 = arith.index_cast %scan3A_158 : i32 to index
        %get3A_226 = arith.constant 64 : index
        %get3A_227 = tpu.vector_load %arg6[%get3A_225, %get3A_226] {strides = array<i32>} : memref<16x1024xf32, #tpu.memory_space<vmem>>, vector<16xf32>,
        %add3A_228 = arith.constant 64 : i32
        %add3A_229 = arith.addi %mul3A_169, %add3A_228 : i32
        %get3A_230 = arith.index_cast %add3A_229 : i32 to index
        %get3A_231 = tpu.vector_load %arg8[%get3A_230] {strides = array<i32>} : memref<33792xf32, #tpu.memory_space<vmem>>, vector<16xf32>,
        %mul3A_232 = arith.constant 3.200000e+01 : f32
        %mul3A_233 = vector.broadcast %mul3A_232 : f32 to vector<16xf32>
        %mul3A_234 = arith.mulf %get3A_227, %mul3A_233 : vector<16xf32>
        %add3A_235 = arith.addf %mul3A_234, %get3A_231 : vector<16xf32>
        %swap3A_236 = arith.index_cast %scan3A_158 : i32 to index
        %swap3A_237 = arith.constant 64 : index
        %swap3A_238 = tpu.vector_load %arg6[%swap3A_236, %swap3A_237] {strides = array<i32>} : memref<16x1024xf32, #tpu.memory_space<vmem>>, vector<16xf32>,
        tpu.vector_store %arg6[%swap3A_236, %swap3A_237], %add3A_235 {strides = array<i32>} : memref<16x1024xf32, #tpu.memory_space<vmem>>, vector<16xf32>,
        %get3A_239 = arith.index_cast %scan3A_158 : i32 to index
        %get3A_240 = arith.constant 80 : index
        %get3A_241 = tpu.vector_load %arg6[%get3A_239, %get3A_240] {strides = array<i32>} : memref<16x1024xf32, #tpu.memory_space<vmem>>, vector<16xf32>,
        %add3A_242 = arith.constant 80 : i32
        %add3A_243 = arith.addi %mul3A_169, %add3A_242 : i32
        %get3A_244 = arith.index_cast %add3A_243 : i32 to index
        %get3A_245 = tpu.vector_load %arg8[%get3A_244] {strides = array<i32>} : memref<33792xf32, #tpu.memory_space<vmem>>, vector<16xf32>,
        %mul3A_246 = arith.constant 3.200000e+01 : f32
        %mul3A_247 = vector.broadcast %mul3A_246 : f32 to vector<16xf32>
        %mul3A_248 = arith.mulf %get3A_241, %mul3A_247 : vector<16xf32>
        %add3A_249 = arith.addf %mul3A_248, %get3A_245 : vector<16xf32>
        %swap3A_250 = arith.index_cast %scan3A_158 : i32 to index
        %swap3A_251 = arith.constant 80 : index
        %swap3A_252 = tpu.vector_load %arg6[%swap3A_250, %swap3A_251] {strides = array<i32>} : memref<16x1024xf32, #tpu.memory_space<vmem>>, vector<16xf32>,
        tpu.vector_store %arg6[%swap3A_250, %swap3A_251], %add3A_249 {strides = array<i32>} : memref<16x1024xf32, #tpu.memory_space<vmem>>, vector<16xf32>,
        %get3A_253 = arith.index_cast %scan3A_158 : i32 to index
        %get3A_254 = arith.constant 96 : index
        %get3A_255 = tpu.vector_load %arg6[%get3A_253, %get3A_254] {strides = array<i32>} : memref<16x1024xf32, #tpu.memory_space<vmem>>, vector<16xf32>,
        %add3A_256 = arith.constant 96 : i32
        %add3A_257 = arith.addi %mul3A_169, %add3A_256 : i32
        %get3A_258 = arith.index_cast %add3A_257 : i32 to index
        %get3A_259 = tpu.vector_load %arg8[%get3A_258] {strides = array<i32>} : memref<33792xf32, #tpu.memory_space<vmem>>, vector<16xf32>,
        %mul3A_260 = arith.constant 3.200000e+01 : f32
        %mul3A_261 = vector.broadcast %mul3A_260 : f32 to vector<16xf32>
        %mul3A_262 = arith.mulf %get3A_255, %mul3A_261 : vector<16xf32>
        %add3A_263 = arith.addf %mul3A_262, %get3A_259 : vector<16xf32>
        %swap3A_264 = arith.index_cast %scan3A_158 : i32 to index
        %swap3A_265 = arith.constant 96 : index
        %swap3A_266 = tpu.vector_load %arg6[%swap3A_264, %swap3A_265] {strides = array<i32>} : memref<16x1024xf32, #tpu.memory_space<vmem>>, vector<16xf32>,
        tpu.vector_store %arg6[%swap3A_264, %swap3A_265], %add3A_263 {strides = array<i32>} : memref<16x1024xf32, #tpu.memory_space<vmem>>, vector<16xf32>,
        %get3A_267 = arith.index_cast %scan3A_158 : i32 to index
        %get3A_268 = arith.constant 112 : index
        %get3A_269 = tpu.vector_load %arg6[%get3A_267, %get3A_268] {strides = array<i32>} : memref<16x1024xf32, #tpu.memory_space<vmem>>, vector<16xf32>,
        %add3A_270 = arith.constant 112 : i32
        %add3A_271 = arith.addi %mul3A_169, %add3A_270 : i32
        %get3A_272 = arith.index_cast %add3A_271 : i32 to index
        %get3A_273 = tpu.vector_load %arg8[%get3A_272] {strides = array<i32>} : memref<33792xf32, #tpu.memory_space<vmem>>, vector<16xf32>,
        %mul3A_274 = arith.constant 3.200000e+01 : f32
        %mul3A_275 = vector.broadcast %mul3A_274 : f32 to vector<16xf32>
        %mul3A_276 = arith.mulf %get3A_269, %mul3A_275 : vector<16xf32>
        %add3A_277 = arith.addf %mul3A_276, %get3A_273 : vector<16xf32>
        %swap3A_278 = arith.index_cast %scan3A_158 : i32 to index
        %swap3A_279 = arith.constant 112 : index
        %swap3A_280 = tpu.vector_load %arg6[%swap3A_278, %swap3A_279] {strides = array<i32>} : memref<16x1024xf32, #tpu.memory_space<vmem>>, vector<16xf32>,
        tpu.vector_store %arg6[%swap3A_278, %swap3A_279], %add3A_277 {strides = array<i32>} : memref<16x1024xf32, #tpu.memory_space<vmem>>, vector<16xf32>,
        %get3A_281 = arith.index_cast %scan3A_158 : i32 to index
        %get3A_282 = arith.constant 128 : index
        %get3A_283 = tpu.vector_load %arg6[%get3A_281, %get3A_282] {strides = array<i32>} : memref<16x1024xf32, #tpu.memory_space<vmem>>, vector<16xf32>,
        %add3A_284 = arith.constant 128 : i32
        %add3A_285 = arith.addi %mul3A_169, %add3A_284 : i32
        %get3A_286 = arith.index_cast %add3A_285 : i32 to index
        %get3A_287 = tpu.vector_load %arg8[%get3A_286] {strides = array<i32>} : memref<33792xf32, #tpu.memory_space<vmem>>, vector<16xf32>,
        %mul3A_288 = arith.constant 3.200000e+01 : f32
        %mul3A_289 = vector.broadcast %mul3A_288 : f32 to vector<16xf32>
        %mul3A_290 = arith.mulf %get3A_283, %mul3A_289 : vector<16xf32>
        %add3A_291 = arith.addf %mul3A_290, %get3A_287 : vector<16xf32>
        %swap3A_292 = arith.index_cast %scan3A_158 : i32 to index
        %swap3A_293 = arith.constant 128 : index
        %swap3A_294 = tpu.vector_load %arg6[%swap3A_292, %swap3A_293] {strides = array<i32>} : memref<16x1024xf32, #tpu.memory_space<vmem>>, vector<16xf32>,
        tpu.vector_store %arg6[%swap3A_292, %swap3A_293], %add3A_291 {strides = array<i32>} : memref<16x1024xf32, #tpu.memory_space<vmem>>, vector<16xf32>,
        %get3A_295 = arith.index_cast %scan3A_158 : i32 to index
        %get3A_296 = arith.constant 144 : index
        %get3A_297 = tpu.vector_load %arg6[%get3A_295, %get3A_296] {strides = array<i32>} : memref<16x1024xf32, #tpu.memory_space<vmem>>, vector<16xf32>,
        %add3A_298 = arith.constant 144 : i32
        %add3A_299 = arith.addi %mul3A_169, %add3A_298 : i32
        %get3A_300 = arith.index_cast %add3A_299 : i32 to index
        %get3A_301 = tpu.vector_load %arg8[%get3A_300] {strides = array<i32>} : memref<33792xf32, #tpu.memory_space<vmem>>, vector<16xf32>,
        %mul3A_302 = arith.constant 3.200000e+01 : f32
        %mul3A_303 = vector.broadcast %mul3A_302 : f32 to vector<16xf32>
        %mul3A_304 = arith.mulf %get3A_297, %mul3A_303 : vector<16xf32>
        %add3A_305 = arith.addf %mul3A_304, %get3A_301 : vector<16xf32>
        %swap3A_306 = arith.index_cast %scan3A_158 : i32 to index
        %swap3A_307 = arith.constant 144 : index
        %swap3A_308 = tpu.vector_load %arg6[%swap3A_306, %swap3A_307] {strides = array<i32>} : memref<16x1024xf32, #tpu.memory_space<vmem>>, vector<16xf32>,
        tpu.vector_store %arg6[%swap3A_306, %swap3A_307], %add3A_305 {strides = array<i32>} : memref<16x1024xf32, #tpu.memory_space<vmem>>, vector<16xf32>,
        %get3A_309 = arith.index_cast %scan3A_158 : i32 to index
        %get3A_310 = arith.constant 160 : index
        %get3A_311 = tpu.vector_load %arg6[%get3A_309, %get3A_310] {strides = array<i32>} : memref<16x1024xf32, #tpu.memory_space<vmem>>, vector<16xf32>,
        %add3A_312 = arith.constant 160 : i32
        %add3A_313 = arith.addi %mul3A_169, %add3A_312 : i32
        %get3A_314 = arith.index_cast %add3A_313 : i32 to index
        %get3A_315 = tpu.vector_load %arg8[%get3A_314] {strides = array<i32>} : memref<33792xf32, #tpu.memory_space<vmem>>, vector<16xf32>,
        %mul3A_316 = arith.constant 3.200000e+01 : f32
        %mul3A_317 = vector.broadcast %mul3A_316 : f32 to vector<16xf32>
        %mul3A_318 = arith.mulf %get3A_311, %mul3A_317 : vector<16xf32>
        %add3A_319 = arith.addf %mul3A_318, %get3A_315 : vector<16xf32>
        %swap3A_320 = arith.index_cast %scan3A_158 : i32 to index
        %swap3A_321 = arith.constant 160 : index
        %swap3A_322 = tpu.vector_load %arg6[%swap3A_320, %swap3A_321] {strides = array<i32>} : memref<16x1024xf32, #tpu.memory_space<vmem>>, vector<16xf32>,
        tpu.vector_store %arg6[%swap3A_320, %swap3A_321], %add3A_319 {strides = array<i32>} : memref<16x1024xf32, #tpu.memory_space<vmem>>, vector<16xf32>,
        %get3A_323 = arith.index_cast %scan3A_158 : i32 to index
        %get3A_324 = arith.constant 176 : index
        %get3A_325 = tpu.vector_load %arg6[%get3A_323, %get3A_324] {strides = array<i32>} : memref<16x1024xf32, #tpu.memory_space<vmem>>, vector<16xf32>,
        %add3A_326 = arith.constant 176 : i32
        %add3A_327 = arith.addi %mul3A_169, %add3A_326 : i32
        %get3A_328 = arith.index_cast %add3A_327 : i32 to index
        %get3A_329 = tpu.vector_load %arg8[%get3A_328] {strides = array<i32>} : memref<33792xf32, #tpu.memory_space<vmem>>, vector<16xf32>,
        %mul3A_330 = arith.constant 3.200000e+01 : f32
        %mul3A_331 = vector.broadcast %mul3A_330 : f32 to vector<16xf32>
        %mul3A_332 = arith.mulf %get3A_325, %mul3A_331 : vector<16xf32>
        %add3A_333 = arith.addf %mul3A_332, %get3A_329 : vector<16xf32>
        %swap3A_334 = arith.index_cast %scan3A_158 : i32 to index
        %swap3A_335 = arith.constant 176 : index
        %swap3A_336 = tpu.vector_load %arg6[%swap3A_334, %swap3A_335] {strides = array<i32>} : memref<16x1024xf32, #tpu.memory_space<vmem>>, vector<16xf32>,
        tpu.vector_store %arg6[%swap3A_334, %swap3A_335], %add3A_333 {strides = array<i32>} : memref<16x1024xf32, #tpu.memory_space<vmem>>, vector<16xf32>,
        %get3A_337 = arith.index_cast %scan3A_158 : i32 to index
        %get3A_338 = arith.constant 192 : index
        %get3A_339 = tpu.vector_load %arg6[%get3A_337, %get3A_338] {strides = array<i32>} : memref<16x1024xf32, #tpu.memory_space<vmem>>, vector<16xf32>,
        %add3A_340 = arith.constant 192 : i32
        %add3A_341 = arith.addi %mul3A_169, %add3A_340 : i32
        %get3A_342 = arith.index_cast %add3A_341 : i32 to index
        %get3A_343 = tpu.vector_load %arg8[%get3A_342] {strides = array<i32>} : memref<33792xf32, #tpu.memory_space<vmem>>, vector<16xf32>,
        %mul3A_344 = arith.constant 3.200000e+01 : f32
        %mul3A_345 = vector.broadcast %mul3A_344 : f32 to vector<16xf32>
        %mul3A_346 = arith.mulf %get3A_339, %mul3A_345 : vector<16xf32>
        %add3A_347 = arith.addf %mul3A_346, %get3A_343 : vector<16xf32>
        %swap3A_348 = arith.index_cast %scan3A_158 : i32 to index
        %swap3A_349 = arith.constant 192 : index
        %swap3A_350 = tpu.vector_load %arg6[%swap3A_348, %swap3A_349] {strides = array<i32>} : memref<16x1024xf32, #tpu.memory_space<vmem>>, vector<16xf32>,
        tpu.vector_store %arg6[%swap3A_348, %swap3A_349], %add3A_347 {strides = array<i32>} : memref<16x1024xf32, #tpu.memory_space<vmem>>, vector<16xf32>,
        %get3A_351 = arith.index_cast %scan3A_158 : i32 to index
        %get3A_352 = arith.constant 208 : index
        %get3A_353 = tpu.vector_load %arg6[%get3A_351, %get3A_352] {strides = array<i32>} : memref<16x1024xf32, #tpu.memory_space<vmem>>, vector<16xf32>,
        %add3A_354 = arith.constant 208 : i32
        %add3A_355 = arith.addi %mul3A_169, %add3A_354 : i32
        %get3A_356 = arith.index_cast %add3A_355 : i32 to index
        %get3A_357 = tpu.vector_load %arg8[%get3A_356] {strides = array<i32>} : memref<33792xf32, #tpu.memory_space<vmem>>, vector<16xf32>,
        %mul3A_358 = arith.constant 3.200000e+01 : f32
        %mul3A_359 = vector.broadcast %mul3A_358 : f32 to vector<16xf32>
        %mul3A_360 = arith.mulf %get3A_353, %mul3A_359 : vector<16xf32>
        %add3A_361 = arith.addf %mul3A_360, %get3A_357 : vector<16xf32>
        %swap3A_362 = arith.index_cast %scan3A_158 : i32 to index
        %swap3A_363 = arith.constant 208 : index
        %swap3A_364 = tpu.vector_load %arg6[%swap3A_362, %swap3A_363] {strides = array<i32>} : memref<16x1024xf32, #tpu.memory_space<vmem>>, vector<16xf32>,
        tpu.vector_store %arg6[%swap3A_362, %swap3A_363], %add3A_361 {strides = array<i32>} : memref<16x1024xf32, #tpu.memory_space<vmem>>, vector<16xf32>,
        %get3A_365 = arith.index_cast %scan3A_158 : i32 to index
        %get3A_366 = arith.constant 224 : index
        %get3A_367 = tpu.vector_load %arg6[%get3A_365, %get3A_366] {strides = array<i32>} : memref<16x1024xf32, #tpu.memory_space<vmem>>, vector<16xf32>,
        %add3A_368 = arith.constant 224 : i32
        %add3A_369 = arith.addi %mul3A_169, %add3A_368 : i32
        %get3A_370 = arith.index_cast %add3A_369 : i32 to index
        %get3A_371 = tpu.vector_load %arg8[%get3A_370] {strides = array<i32>} : memref<33792xf32, #tpu.memory_space<vmem>>, vector<16xf32>,
        %mul3A_372 = arith.constant 3.200000e+01 : f32
        %mul3A_373 = vector.broadcast %mul3A_372 : f32 to vector<16xf32>
        %mul3A_374 = arith.mulf %get3A_367, %mul3A_373 : vector<16xf32>
        %add3A_375 = arith.addf %mul3A_374, %get3A_371 : vector<16xf32>
        %swap3A_376 = arith.index_cast %scan3A_158 : i32 to index
        %swap3A_377 = arith.constant 224 : index
        %swap3A_378 = tpu.vector_load %arg6[%swap3A_376, %swap3A_377] {strides = array<i32>} : memref<16x1024xf32, #tpu.memory_space<vmem>>, vector<16xf32>,
        tpu.vector_store %arg6[%swap3A_376, %swap3A_377], %add3A_375 {strides = array<i32>} : memref<16x1024xf32, #tpu.memory_space<vmem>>, vector<16xf32>,
        %get3A_379 = arith.index_cast %scan3A_158 : i32 to index
        %get3A_380 = arith.constant 240 : index
        %get3A_381 = tpu.vector_load %arg6[%get3A_379, %get3A_380] {strides = array<i32>} : memref<16x1024xf32, #tpu.memory_space<vmem>>, vector<16xf32>,
        %add3A_382 = arith.constant 240 : i32
        %add3A_383 = arith.addi %mul3A_169, %add3A_382 : i32
        %get3A_384 = arith.index_cast %add3A_383 : i32 to index
        %get3A_385 = tpu.vector_load %arg8[%get3A_384] {strides = array<i32>} : memref<33792xf32, #tpu.memory_space<vmem>>, vector<16xf32>,
        %mul3A_386 = arith.constant 3.200000e+01 : f32
        %mul3A_387 = vector.broadcast %mul3A_386 : f32 to vector<16xf32>
        %mul3A_388 = arith.mulf %get3A_381, %mul3A_387 : vector<16xf32>
        %add3A_389 = arith.addf %mul3A_388, %get3A_385 : vector<16xf32>
        %swap3A_390 = arith.index_cast %scan3A_158 : i32 to index
        %swap3A_391 = arith.constant 240 : index
        %swap3A_392 = tpu.vector_load %arg6[%swap3A_390, %swap3A_391] {strides = array<i32>} : memref<16x1024xf32, #tpu.memory_space<vmem>>, vector<16xf32>,
        tpu.vector_store %arg6[%swap3A_390, %swap3A_391], %add3A_389 {strides = array<i32>} : memref<16x1024xf32, #tpu.memory_space<vmem>>, vector<16xf32>,
        %get3A_393 = arith.index_cast %scan3A_158 : i32 to index
        %get3A_394 = arith.constant 256 : index
        %get3A_395 = tpu.vector_load %arg6[%get3A_393, %get3A_394] {strides = array<i32>} : memref<16x1024xf32, #tpu.memory_space<vmem>>, vector<16xf32>,
        %add3A_396 = arith.constant 256 : i32
        %add3A_397 = arith.addi %mul3A_169, %add3A_396 : i32
        %get3A_398 = arith.index_cast %add3A_397 : i32 to index
        %get3A_399 = tpu.vector_load %arg8[%get3A_398] {strides = array<i32>} : memref<33792xf32, #tpu.memory_space<vmem>>, vector<16xf32>,
        %mul3A_400 = arith.constant 3.200000e+01 : f32
        %mul3A_401 = vector.broadcast %mul3A_400 : f32 to vector<16xf32>
        %mul3A_402 = arith.mulf %get3A_395, %mul3A_401 : vector<16xf32>
        %add3A_403 = arith.addf %mul3A_402, %get3A_399 : vector<16xf32>
        %swap3A_404 = arith.index_cast %scan3A_158 : i32 to index
        %swap3A_405 = arith.constant 256 : index
        %swap3A_406 = tpu.vector_load %arg6[%swap3A_404, %swap3A_405] {strides = array<i32>} : memref<16x1024xf32, #tpu.memory_space<vmem>>, vector<16xf32>,
        tpu.vector_store %arg6[%swap3A_404, %swap3A_405], %add3A_403 {strides = array<i32>} : memref<16x1024xf32, #tpu.memory_space<vmem>>, vector<16xf32>,
        %get3A_407 = arith.index_cast %scan3A_158 : i32 to index
        %get3A_408 = arith.constant 272 : index
        %get3A_409 = tpu.vector_load %arg6[%get3A_407, %get3A_408] {strides = array<i32>} : memref<16x1024xf32, #tpu.memory_space<vmem>>, vector<16xf32>,
        %add3A_410 = arith.constant 272 : i32
        %add3A_411 = arith.addi %mul3A_169, %add3A_410 : i32
        %get3A_412 = arith.index_cast %add3A_411 : i32 to index
        %get3A_413 = tpu.vector_load %arg8[%get3A_412] {strides = array<i32>} : memref<33792xf32, #tpu.memory_space<vmem>>, vector<16xf32>,
        %mul3A_414 = arith.constant 3.200000e+01 : f32
        %mul3A_415 = vector.broadcast %mul3A_414 : f32 to vector<16xf32>
        %mul3A_416 = arith.mulf %get3A_409, %mul3A_415 : vector<16xf32>
        %add3A_417 = arith.addf %mul3A_416, %get3A_413 : vector<16xf32>
        %swap3A_418 = arith.index_cast %scan3A_158 : i32 to index
        %swap3A_419 = arith.constant 272 : index
        %swap3A_420 = tpu.vector_load %arg6[%swap3A_418, %swap3A_419] {strides = array<i32>} : memref<16x1024xf32, #tpu.memory_space<vmem>>, vector<16xf32>,
        tpu.vector_store %arg6[%swap3A_418, %swap3A_419], %add3A_417 {strides = array<i32>} : memref<16x1024xf32, #tpu.memory_space<vmem>>, vector<16xf32>,
        %get3A_421 = arith.index_cast %scan3A_158 : i32 to index
        %get3A_422 = arith.constant 288 : index
        %get3A_423 = tpu.vector_load %arg6[%get3A_421, %get3A_422] {strides = array<i32>} : memref<16x1024xf32, #tpu.memory_space<vmem>>, vector<16xf32>,
        %add3A_424 = arith.constant 288 : i32
        %add3A_425 = arith.addi %mul3A_169, %add3A_424 : i32
        %get3A_426 = arith.index_cast %add3A_425 : i32 to index
        %get3A_427 = tpu.vector_load %arg8[%get3A_426] {strides = array<i32>} : memref<33792xf32, #tpu.memory_space<vmem>>, vector<16xf32>,
        %mul3A_428 = arith.constant 3.200000e+01 : f32
        %mul3A_429 = vector.broadcast %mul3A_428 : f32 to vector<16xf32>
        %mul3A_430 = arith.mulf %get3A_423, %mul3A_429 : vector<16xf32>
        %add3A_431 = arith.addf %mul3A_430, %get3A_427 : vector<16xf32>
        %swap3A_432 = arith.index_cast %scan3A_158 : i32 to index
        %swap3A_433 = arith.constant 288 : index
        %swap3A_434 = tpu.vector_load %arg6[%swap3A_432, %swap3A_433] {strides = array<i32>} : memref<16x1024xf32, #tpu.memory_space<vmem>>, vector<16xf32>,
        tpu.vector_store %arg6[%swap3A_432, %swap3A_433], %add3A_431 {strides = array<i32>} : memref<16x1024xf32, #tpu.memory_space<vmem>>, vector<16xf32>,
        %get3A_435 = arith.index_cast %scan3A_158 : i32 to index
        %get3A_436 = arith.constant 304 : index
        %get3A_437 = tpu.vector_load %arg6[%get3A_435, %get3A_436] {strides = array<i32>} : memref<16x1024xf32, #tpu.memory_space<vmem>>, vector<16xf32>,
        %add3A_438 = arith.constant 304 : i32
        %add3A_439 = arith.addi %mul3A_169, %add3A_438 : i32
        %get3A_440 = arith.index_cast %add3A_439 : i32 to index
        %get3A_441 = tpu.vector_load %arg8[%get3A_440] {strides = array<i32>} : memref<33792xf32, #tpu.memory_space<vmem>>, vector<16xf32>,
        %mul3A_442 = arith.constant 3.200000e+01 : f32
        %mul3A_443 = vector.broadcast %mul3A_442 : f32 to vector<16xf32>
        %mul3A_444 = arith.mulf %get3A_437, %mul3A_443 : vector<16xf32>
        %add3A_445 = arith.addf %mul3A_444, %get3A_441 : vector<16xf32>
        %swap3A_446 = arith.index_cast %scan3A_158 : i32 to index
        %swap3A_447 = arith.constant 304 : index
        %swap3A_448 = tpu.vector_load %arg6[%swap3A_446, %swap3A_447] {strides = array<i32>} : memref<16x1024xf32, #tpu.memory_space<vmem>>, vector<16xf32>,
        tpu.vector_store %arg6[%swap3A_446, %swap3A_447], %add3A_445 {strides = array<i32>} : memref<16x1024xf32, #tpu.memory_space<vmem>>, vector<16xf32>,
        %get3A_449 = arith.index_cast %scan3A_158 : i32 to index
        %get3A_450 = arith.constant 320 : index
        %get3A_451 = tpu.vector_load %arg6[%get3A_449, %get3A_450] {strides = array<i32>} : memref<16x1024xf32, #tpu.memory_space<vmem>>, vector<16xf32>,
        %add3A_452 = arith.constant 320 : i32
        %add3A_453 = arith.addi %mul3A_169, %add3A_452 : i32
        %get3A_454 = arith.index_cast %add3A_453 : i32 to index
        %get3A_455 = tpu.vector_load %arg8[%get3A_454] {strides = array<i32>} : memref<33792xf32, #tpu.memory_space<vmem>>, vector<16xf32>,
        %mul3A_456 = arith.constant 3.200000e+01 : f32
        %mul3A_457 = vector.broadcast %mul3A_456 : f32 to vector<16xf32>
        %mul3A_458 = arith.mulf %get3A_451, %mul3A_457 : vector<16xf32>
        %add3A_459 = arith.addf %mul3A_458, %get3A_455 : vector<16xf32>
        %swap3A_460 = arith.index_cast %scan3A_158 : i32 to index
        %swap3A_461 = arith.constant 320 : index
        %swap3A_462 = tpu.vector_load %arg6[%swap3A_460, %swap3A_461] {strides = array<i32>} : memref<16x1024xf32, #tpu.memory_space<vmem>>, vector<16xf32>,
        tpu.vector_store %arg6[%swap3A_460, %swap3A_461], %add3A_459 {strides = array<i32>} : memref<16x1024xf32, #tpu.memory_space<vmem>>, vector<16xf32>,
        %get3A_463 = arith.index_cast %scan3A_158 : i32 to index
        %get3A_464 = arith.constant 336 : index
        %get3A_465 = tpu.vector_load %arg6[%get3A_463, %get3A_464] {strides = array<i32>} : memref<16x1024xf32, #tpu.memory_space<vmem>>, vector<16xf32>,
        %add3A_466 = arith.constant 336 : i32
        %add3A_467 = arith.addi %mul3A_169, %add3A_466 : i32
        %get3A_468 = arith.index_cast %add3A_467 : i32 to index
        %get3A_469 = tpu.vector_load %arg8[%get3A_468] {strides = array<i32>} : memref<33792xf32, #tpu.memory_space<vmem>>, vector<16xf32>,
        %mul3A_470 = arith.constant 3.200000e+01 : f32
        %mul3A_471 = vector.broadcast %mul3A_470 : f32 to vector<16xf32>
        %mul3A_472 = arith.mulf %get3A_465, %mul3A_471 : vector<16xf32>
        %add3A_473 = arith.addf %mul3A_472, %get3A_469 : vector<16xf32>
        %swap3A_474 = arith.index_cast %scan3A_158 : i32 to index
        %swap3A_475 = arith.constant 336 : index
        %swap3A_476 = tpu.vector_load %arg6[%swap3A_474, %swap3A_475] {strides = array<i32>} : memref<16x1024xf32, #tpu.memory_space<vmem>>, vector<16xf32>,
        tpu.vector_store %arg6[%swap3A_474, %swap3A_475], %add3A_473 {strides = array<i32>} : memref<16x1024xf32, #tpu.memory_space<vmem>>, vector<16xf32>,
        %get3A_477 = arith.index_cast %scan3A_158 : i32 to index
        %get3A_478 = arith.constant 352 : index
        %get3A_479 = tpu.vector_load %arg6[%get3A_477, %get3A_478] {strides = array<i32>} : memref<16x1024xf32, #tpu.memory_space<vmem>>, vector<16xf32>,
        %add3A_480 = arith.constant 352 : i32
        %add3A_481 = arith.addi %mul3A_169, %add3A_480 : i32
        %get3A_482 = arith.index_cast %add3A_481 : i32 to index
        %get3A_483 = tpu.vector_load %arg8[%get3A_482] {strides = array<i32>} : memref<33792xf32, #tpu.memory_space<vmem>>, vector<16xf32>,
        %mul3A_484 = arith.constant 3.200000e+01 : f32
        %mul3A_485 = vector.broadcast %mul3A_484 : f32 to vector<16xf32>
        %mul3A_486 = arith.mulf %get3A_479, %mul3A_485 : vector<16xf32>
        %add3A_487 = arith.addf %mul3A_486, %get3A_483 : vector<16xf32>
        %swap3A_488 = arith.index_cast %scan3A_158 : i32 to index
        %swap3A_489 = arith.constant 352 : index
        %swap3A_490 = tpu.vector_load %arg6[%swap3A_488, %swap3A_489] {strides = array<i32>} : memref<16x1024xf32, #tpu.memory_space<vmem>>, vector<16xf32>,
        tpu.vector_store %arg6[%swap3A_488, %swap3A_489], %add3A_487 {strides = array<i32>} : memref<16x1024xf32, #tpu.memory_space<vmem>>, vector<16xf32>,
        %get3A_491 = arith.index_cast %scan3A_158 : i32 to index
        %get3A_492 = arith.constant 368 : index
        %get3A_493 = tpu.vector_load %arg6[%get3A_491, %get3A_492] {strides = array<i32>} : memref<16x1024xf32, #tpu.memory_space<vmem>>, vector<16xf32>,
        %add3A_494 = arith.constant 368 : i32
        %add3A_495 = arith.addi %mul3A_169, %add3A_494 : i32
        %get3A_496 = arith.index_cast %add3A_495 : i32 to index
        %get3A_497 = tpu.vector_load %arg8[%get3A_496] {strides = array<i32>} : memref<33792xf32, #tpu.memory_space<vmem>>, vector<16xf32>,
        %mul3A_498 = arith.constant 3.200000e+01 : f32
        %mul3A_499 = vector.broadcast %mul3A_498 : f32 to vector<16xf32>
        %mul3A_500 = arith.mulf %get3A_493, %mul3A_499 : vector<16xf32>
        %add3A_501 = arith.addf %mul3A_500, %get3A_497 : vector<16xf32>
        %swap3A_502 = arith.index_cast %scan3A_158 : i32 to index
        %swap3A_503 = arith.constant 368 : index
        %swap3A_504 = tpu.vector_load %arg6[%swap3A_502, %swap3A_503] {strides = array<i32>} : memref<16x1024xf32, #tpu.memory_space<vmem>>, vector<16xf32>,
        tpu.vector_store %arg6[%swap3A_502, %swap3A_503], %add3A_501 {strides = array<i32>} : memref<16x1024xf32, #tpu.memory_space<vmem>>, vector<16xf32>,
        %get3A_505 = arith.index_cast %scan3A_158 : i32 to index
        %get3A_506 = arith.constant 384 : index
        %get3A_507 = tpu.vector_load %arg6[%get3A_505, %get3A_506] {strides = array<i32>} : memref<16x1024xf32, #tpu.memory_space<vmem>>, vector<16xf32>,
        %add3A_508 = arith.constant 384 : i32
        %add3A_509 = arith.addi %mul3A_169, %add3A_508 : i32
        %get3A_510 = arith.index_cast %add3A_509 : i32 to index
        %get3A_511 = tpu.vector_load %arg8[%get3A_510] {strides = array<i32>} : memref<33792xf32, #tpu.memory_space<vmem>>, vector<16xf32>,
        %mul3A_512 = arith.constant 3.200000e+01 : f32
        %mul3A_513 = vector.broadcast %mul3A_512 : f32 to vector<16xf32>
        %mul3A_514 = arith.mulf %get3A_507, %mul3A_513 : vector<16xf32>
        %add3A_515 = arith.addf %mul3A_514, %get3A_511 : vector<16xf32>
        %swap3A_516 = arith.index_cast %scan3A_158 : i32 to index
        %swap3A_517 = arith.constant 384 : index
        %swap3A_518 = tpu.vector_load %arg6[%swap3A_516, %swap3A_517] {strides = array<i32>} : memref<16x1024xf32, #tpu.memory_space<vmem>>, vector<16xf32>,
        tpu.vector_store %arg6[%swap3A_516, %swap3A_517], %add3A_515 {strides = array<i32>} : memref<16x1024xf32, #tpu.memory_space<vmem>>, vector<16xf32>,
        %get3A_519 = arith.index_cast %scan3A_158 : i32 to index
        %get3A_520 = arith.constant 400 : index
        %get3A_521 = tpu.vector_load %arg6[%get3A_519, %get3A_520] {strides = array<i32>} : memref<16x1024xf32, #tpu.memory_space<vmem>>, vector<16xf32>,
        %add3A_522 = arith.constant 400 : i32
        %add3A_523 = arith.addi %mul3A_169, %add3A_522 : i32
        %get3A_524 = arith.index_cast %add3A_523 : i32 to index
        %get3A_525 = tpu.vector_load %arg8[%get3A_524] {strides = array<i32>} : memref<33792xf32, #tpu.memory_space<vmem>>, vector<16xf32>,
        %mul3A_526 = arith.constant 3.200000e+01 : f32
        %mul3A_527 = vector.broadcast %mul3A_526 : f32 to vector<16xf32>
        %mul3A_528 = arith.mulf %get3A_521, %mul3A_527 : vector<16xf32>
        %add3A_529 = arith.addf %mul3A_528, %get3A_525 : vector<16xf32>
        %swap3A_530 = arith.index_cast %scan3A_158 : i32 to index
        %swap3A_531 = arith.constant 400 : index
        %swap3A_532 = tpu.vector_load %arg6[%swap3A_530, %swap3A_531] {strides = array<i32>} : memref<16x1024xf32, #tpu.memory_space<vmem>>, vector<16xf32>,
        tpu.vector_store %arg6[%swap3A_530, %swap3A_531], %add3A_529 {strides = array<i32>} : memref<16x1024xf32, #tpu.memory_space<vmem>>, vector<16xf32>,
        %get3A_533 = arith.index_cast %scan3A_158 : i32 to index
        %get3A_534 = arith.constant 416 : index
        %get3A_535 = tpu.vector_load %arg6[%get3A_533, %get3A_534] {strides = array<i32>} : memref<16x1024xf32, #tpu.memory_space<vmem>>, vector<16xf32>,
        %add3A_536 = arith.constant 416 : i32
        %add3A_537 = arith.addi %mul3A_169, %add3A_536 : i32
        %get3A_538 = arith.index_cast %add3A_537 : i32 to index
        %get3A_539 = tpu.vector_load %arg8[%get3A_538] {strides = array<i32>} : memref<33792xf32, #tpu.memory_space<vmem>>, vector<16xf32>,
        %mul3A_540 = arith.constant 3.200000e+01 : f32
        %mul3A_541 = vector.broadcast %mul3A_540 : f32 to vector<16xf32>
        %mul3A_542 = arith.mulf %get3A_535, %mul3A_541 : vector<16xf32>
        %add3A_543 = arith.addf %mul3A_542, %get3A_539 : vector<16xf32>
        %swap3A_544 = arith.index_cast %scan3A_158 : i32 to index
        %swap3A_545 = arith.constant 416 : index
        %swap3A_546 = tpu.vector_load %arg6[%swap3A_544, %swap3A_545] {strides = array<i32>} : memref<16x1024xf32, #tpu.memory_space<vmem>>, vector<16xf32>,
        tpu.vector_store %arg6[%swap3A_544, %swap3A_545], %add3A_543 {strides = array<i32>} : memref<16x1024xf32, #tpu.memory_space<vmem>>, vector<16xf32>,
        %get3A_547 = arith.index_cast %scan3A_158 : i32 to index
        %get3A_548 = arith.constant 432 : index
        %get3A_549 = tpu.vector_load %arg6[%get3A_547, %get3A_548] {strides = array<i32>} : memref<16x1024xf32, #tpu.memory_space<vmem>>, vector<16xf32>,
        %add3A_550 = arith.constant 432 : i32
        %add3A_551 = arith.addi %mul3A_169, %add3A_550 : i32
        %get3A_552 = arith.index_cast %add3A_551 : i32 to index
        %get3A_553 = tpu.vector_load %arg8[%get3A_552] {strides = array<i32>} : memref<33792xf32, #tpu.memory_space<vmem>>, vector<16xf32>,
        %mul3A_554 = arith.constant 3.200000e+01 : f32
        %mul3A_555 = vector.broadcast %mul3A_554 : f32 to vector<16xf32>
        %mul3A_556 = arith.mulf %get3A_549, %mul3A_555 : vector<16xf32>
        %add3A_557 = arith.addf %mul3A_556, %get3A_553 : vector<16xf32>
        %swap3A_558 = arith.index_cast %scan3A_158 : i32 to index
        %swap3A_559 = arith.constant 432 : index
        %swap3A_560 = tpu.vector_load %arg6[%swap3A_558, %swap3A_559] {strides = array<i32>} : memref<16x1024xf32, #tpu.memory_space<vmem>>, vector<16xf32>,
        tpu.vector_store %arg6[%swap3A_558, %swap3A_559], %add3A_557 {strides = array<i32>} : memref<16x1024xf32, #tpu.memory_space<vmem>>, vector<16xf32>,
        %get3A_561 = arith.index_cast %scan3A_158 : i32 to index
        %get3A_562 = arith.constant 448 : index
        %get3A_563 = tpu.vector_load %arg6[%get3A_561, %get3A_562] {strides = array<i32>} : memref<16x1024xf32, #tpu.memory_space<vmem>>, vector<16xf32>,
        %add3A_564 = arith.constant 448 : i32
        %add3A_565 = arith.addi %mul3A_169, %add3A_564 : i32
        %get3A_566 = arith.index_cast %add3A_565 : i32 to index
        %get3A_567 = tpu.vector_load %arg8[%get3A_566] {strides = array<i32>} : memref<33792xf32, #tpu.memory_space<vmem>>, vector<16xf32>,
        %mul3A_568 = arith.constant 3.200000e+01 : f32
        %mul3A_569 = vector.broadcast %mul3A_568 : f32 to vector<16xf32>
        %mul3A_570 = arith.mulf %get3A_563, %mul3A_569 : vector<16xf32>
        %add3A_571 = arith.addf %mul3A_570, %get3A_567 : vector<16xf32>
        %swap3A_572 = arith.index_cast %scan3A_158 : i32 to index
        %swap3A_573 = arith.constant 448 : index
        %swap3A_574 = tpu.vector_load %arg6[%swap3A_572, %swap3A_573] {strides = array<i32>} : memref<16x1024xf32, #tpu.memory_space<vmem>>, vector<16xf32>,
        tpu.vector_store %arg6[%swap3A_572, %swap3A_573], %add3A_571 {strides = array<i32>} : memref<16x1024xf32, #tpu.memory_space<vmem>>, vector<16xf32>,
        %get3A_575 = arith.index_cast %scan3A_158 : i32 to index
        %get3A_576 = arith.constant 464 : index
        %get3A_577 = tpu.vector_load %arg6[%get3A_575, %get3A_576] {strides = array<i32>} : memref<16x1024xf32, #tpu.memory_space<vmem>>, vector<16xf32>,
        %add3A_578 = arith.constant 464 : i32
        %add3A_579 = arith.addi %mul3A_169, %add3A_578 : i32
        %get3A_580 = arith.index_cast %add3A_579 : i32 to index
        %get3A_581 = tpu.vector_load %arg8[%get3A_580] {strides = array<i32>} : memref<33792xf32, #tpu.memory_space<vmem>>, vector<16xf32>,
        %mul3A_582 = arith.constant 3.200000e+01 : f32
        %mul3A_583 = vector.broadcast %mul3A_582 : f32 to vector<16xf32>
        %mul3A_584 = arith.mulf %get3A_577, %mul3A_583 : vector<16xf32>
        %add3A_585 = arith.addf %mul3A_584, %get3A_581 : vector<16xf32>
        %swap3A_586 = arith.index_cast %scan3A_158 : i32 to index
        %swap3A_587 = arith.constant 464 : index
        %swap3A_588 = tpu.vector_load %arg6[%swap3A_586, %swap3A_587] {strides = array<i32>} : memref<16x1024xf32, #tpu.memory_space<vmem>>, vector<16xf32>,
        tpu.vector_store %arg6[%swap3A_586, %swap3A_587], %add3A_585 {strides = array<i32>} : memref<16x1024xf32, #tpu.memory_space<vmem>>, vector<16xf32>,
        %get3A_589 = arith.index_cast %scan3A_158 : i32 to index
        %get3A_590 = arith.constant 480 : index
        %get3A_591 = tpu.vector_load %arg6[%get3A_589, %get3A_590] {strides = array<i32>} : memref<16x1024xf32, #tpu.memory_space<vmem>>, vector<16xf32>,
        %add3A_592 = arith.constant 480 : i32
        %add3A_593 = arith.addi %mul3A_169, %add3A_592 : i32
        %get3A_594 = arith.index_cast %add3A_593 : i32 to index
        %get3A_595 = tpu.vector_load %arg8[%get3A_594] {strides = array<i32>} : memref<33792xf32, #tpu.memory_space<vmem>>, vector<16xf32>,
        %mul3A_596 = arith.constant 3.200000e+01 : f32
        %mul3A_597 = vector.broadcast %mul3A_596 : f32 to vector<16xf32>
        %mul3A_598 = arith.mulf %get3A_591, %mul3A_597 : vector<16xf32>
        %add3A_599 = arith.addf %mul3A_598, %get3A_595 : vector<16xf32>
        %swap3A_600 = arith.index_cast %scan3A_158 : i32 to index
        %swap3A_601 = arith.constant 480 : index
        %swap3A_602 = tpu.vector_load %arg6[%swap3A_600, %swap3A_601] {strides = array<i32>} : memref<16x1024xf32, #tpu.memory_space<vmem>>, vector<16xf32>,
        tpu.vector_store %arg6[%swap3A_600, %swap3A_601], %add3A_599 {strides = array<i32>} : memref<16x1024xf32, #tpu.memory_space<vmem>>, vector<16xf32>,
        %get3A_603 = arith.index_cast %scan3A_158 : i32 to index
        %get3A_604 = arith.constant 496 : index
        %get3A_605 = tpu.vector_load %arg6[%get3A_603, %get3A_604] {strides = array<i32>} : memref<16x1024xf32, #tpu.memory_space<vmem>>, vector<16xf32>,
        %add3A_606 = arith.constant 496 : i32
        %add3A_607 = arith.addi %mul3A_169, %add3A_606 : i32
        %get3A_608 = arith.index_cast %add3A_607 : i32 to index
        %get3A_609 = tpu.vector_load %arg8[%get3A_608] {strides = array<i32>} : memref<33792xf32, #tpu.memory_space<vmem>>, vector<16xf32>,
        %mul3A_610 = arith.constant 3.200000e+01 : f32
        %mul3A_611 = vector.broadcast %mul3A_610 : f32 to vector<16xf32>
        %mul3A_612 = arith.mulf %get3A_605, %mul3A_611 : vector<16xf32>
        %add3A_613 = arith.addf %mul3A_612, %get3A_609 : vector<16xf32>
        %swap3A_614 = arith.index_cast %scan3A_158 : i32 to index
        %swap3A_615 = arith.constant 496 : index
        %swap3A_616 = tpu.vector_load %arg6[%swap3A_614, %swap3A_615] {strides = array<i32>} : memref<16x1024xf32, #tpu.memory_space<vmem>>, vector<16xf32>,
        tpu.vector_store %arg6[%swap3A_614, %swap3A_615], %add3A_613 {strides = array<i32>} : memref<16x1024xf32, #tpu.memory_space<vmem>>, vector<16xf32>,
        %get3A_617 = arith.index_cast %scan3A_158 : i32 to index
        %get3A_618 = arith.constant 512 : index
        %get3A_619 = tpu.vector_load %arg6[%get3A_617, %get3A_618] {strides = array<i32>} : memref<16x1024xf32, #tpu.memory_space<vmem>>, vector<16xf32>,
        %add3A_620 = arith.constant 512 : i32
        %add3A_621 = arith.addi %mul3A_169, %add3A_620 : i32
        %get3A_622 = arith.index_cast %add3A_621 : i32 to index
        %get3A_623 = tpu.vector_load %arg8[%get3A_622] {strides = array<i32>} : memref<33792xf32, #tpu.memory_space<vmem>>, vector<16xf32>,
        %mul3A_624 = arith.constant 3.200000e+01 : f32
        %mul3A_625 = vector.broadcast %mul3A_624 : f32 to vector<16xf32>
        %mul3A_626 = arith.mulf %get3A_619, %mul3A_625 : vector<16xf32>
        %add3A_627 = arith.addf %mul3A_626, %get3A_623 : vector<16xf32>
        %swap3A_628 = arith.index_cast %scan3A_158 : i32 to index
        %swap3A_629 = arith.constant 512 : index
        %swap3A_630 = tpu.vector_load %arg6[%swap3A_628, %swap3A_629] {strides = array<i32>} : memref<16x1024xf32, #tpu.memory_space<vmem>>, vector<16xf32>,
        tpu.vector_store %arg6[%swap3A_628, %swap3A_629], %add3A_627 {strides = array<i32>} : memref<16x1024xf32, #tpu.memory_space<vmem>>, vector<16xf32>,
        %get3A_631 = arith.index_cast %scan3A_158 : i32 to index
        %get3A_632 = arith.constant 528 : index
        %get3A_633 = tpu.vector_load %arg6[%get3A_631, %get3A_632] {strides = array<i32>} : memref<16x1024xf32, #tpu.memory_space<vmem>>, vector<16xf32>,
        %add3A_634 = arith.constant 528 : i32
        %add3A_635 = arith.addi %mul3A_169, %add3A_634 : i32
        %get3A_636 = arith.index_cast %add3A_635 : i32 to index
        %get3A_637 = tpu.vector_load %arg8[%get3A_636] {strides = array<i32>} : memref<33792xf32, #tpu.memory_space<vmem>>, vector<16xf32>,
        %mul3A_638 = arith.constant 3.200000e+01 : f32
        %mul3A_639 = vector.broadcast %mul3A_638 : f32 to vector<16xf32>
        %mul3A_640 = arith.mulf %get3A_633, %mul3A_639 : vector<16xf32>
        %add3A_641 = arith.addf %mul3A_640, %get3A_637 : vector<16xf32>
        %swap3A_642 = arith.index_cast %scan3A_158 : i32 to index
        %swap3A_643 = arith.constant 528 : index
        %swap3A_644 = tpu.vector_load %arg6[%swap3A_642, %swap3A_643] {strides = array<i32>} : memref<16x1024xf32, #tpu.memory_space<vmem>>, vector<16xf32>,
        tpu.vector_store %arg6[%swap3A_642, %swap3A_643], %add3A_641 {strides = array<i32>} : memref<16x1024xf32, #tpu.memory_space<vmem>>, vector<16xf32>,
        %get3A_645 = arith.index_cast %scan3A_158 : i32 to index
        %get3A_646 = arith.constant 544 : index
        %get3A_647 = tpu.vector_load %arg6[%get3A_645, %get3A_646] {strides = array<i32>} : memref<16x1024xf32, #tpu.memory_space<vmem>>, vector<16xf32>,
        %add3A_648 = arith.constant 544 : i32
        %add3A_649 = arith.addi %mul3A_169, %add3A_648 : i32
        %get3A_650 = arith.index_cast %add3A_649 : i32 to index
        %get3A_651 = tpu.vector_load %arg8[%get3A_650] {strides = array<i32>} : memref<33792xf32, #tpu.memory_space<vmem>>, vector<16xf32>,
        %mul3A_652 = arith.constant 3.200000e+01 : f32
        %mul3A_653 = vector.broadcast %mul3A_652 : f32 to vector<16xf32>
        %mul3A_654 = arith.mulf %get3A_647, %mul3A_653 : vector<16xf32>
        %add3A_655 = arith.addf %mul3A_654, %get3A_651 : vector<16xf32>
        %swap3A_656 = arith.index_cast %scan3A_158 : i32 to index
        %swap3A_657 = arith.constant 544 : index
        %swap3A_658 = tpu.vector_load %arg6[%swap3A_656, %swap3A_657] {strides = array<i32>} : memref<16x1024xf32, #tpu.memory_space<vmem>>, vector<16xf32>,
        tpu.vector_store %arg6[%swap3A_656, %swap3A_657], %add3A_655 {strides = array<i32>} : memref<16x1024xf32, #tpu.memory_space<vmem>>, vector<16xf32>,
        %get3A_659 = arith.index_cast %scan3A_158 : i32 to index
        %get3A_660 = arith.constant 560 : index
        %get3A_661 = tpu.vector_load %arg6[%get3A_659, %get3A_660] {strides = array<i32>} : memref<16x1024xf32, #tpu.memory_space<vmem>>, vector<16xf32>,
        %add3A_662 = arith.constant 560 : i32
        %add3A_663 = arith.addi %mul3A_169, %add3A_662 : i32
        %get3A_664 = arith.index_cast %add3A_663 : i32 to index
        %get3A_665 = tpu.vector_load %arg8[%get3A_664] {strides = array<i32>} : memref<33792xf32, #tpu.memory_space<vmem>>, vector<16xf32>,
        %mul3A_666 = arith.constant 3.200000e+01 : f32
        %mul3A_667 = vector.broadcast %mul3A_666 : f32 to vector<16xf32>
        %mul3A_668 = arith.mulf %get3A_661, %mul3A_667 : vector<16xf32>
        %add3A_669 = arith.addf %mul3A_668, %get3A_665 : vector<16xf32>
        %swap3A_670 = arith.index_cast %scan3A_158 : i32 to index
        %swap3A_671 = arith.constant 560 : index
        %swap3A_672 = tpu.vector_load %arg6[%swap3A_670, %swap3A_671] {strides = array<i32>} : memref<16x1024xf32, #tpu.memory_space<vmem>>, vector<16xf32>,
        tpu.vector_store %arg6[%swap3A_670, %swap3A_671], %add3A_669 {strides = array<i32>} : memref<16x1024xf32, #tpu.memory_space<vmem>>, vector<16xf32>,
        %get3A_673 = arith.index_cast %scan3A_158 : i32 to index
        %get3A_674 = arith.constant 576 : index
        %get3A_675 = tpu.vector_load %arg6[%get3A_673, %get3A_674] {strides = array<i32>} : memref<16x1024xf32, #tpu.memory_space<vmem>>, vector<16xf32>,
        %add3A_676 = arith.constant 576 : i32
        %add3A_677 = arith.addi %mul3A_169, %add3A_676 : i32
        %get3A_678 = arith.index_cast %add3A_677 : i32 to index
        %get3A_679 = tpu.vector_load %arg8[%get3A_678] {strides = array<i32>} : memref<33792xf32, #tpu.memory_space<vmem>>, vector<16xf32>,
        %mul3A_680 = arith.constant 3.200000e+01 : f32
        %mul3A_681 = vector.broadcast %mul3A_680 : f32 to vector<16xf32>
        %mul3A_682 = arith.mulf %get3A_675, %mul3A_681 : vector<16xf32>
        %add3A_683 = arith.addf %mul3A_682, %get3A_679 : vector<16xf32>
        %swap3A_684 = arith.index_cast %scan3A_158 : i32 to index
        %swap3A_685 = arith.constant 576 : index
        %swap3A_686 = tpu.vector_load %arg6[%swap3A_684, %swap3A_685] {strides = array<i32>} : memref<16x1024xf32, #tpu.memory_space<vmem>>, vector<16xf32>,
        tpu.vector_store %arg6[%swap3A_684, %swap3A_685], %add3A_683 {strides = array<i32>} : memref<16x1024xf32, #tpu.memory_space<vmem>>, vector<16xf32>,
        %get3A_687 = arith.index_cast %scan3A_158 : i32 to index
        %get3A_688 = arith.constant 592 : index
        %get3A_689 = tpu.vector_load %arg6[%get3A_687, %get3A_688] {strides = array<i32>} : memref<16x1024xf32, #tpu.memory_space<vmem>>, vector<16xf32>,
        %add3A_690 = arith.constant 592 : i32
        %add3A_691 = arith.addi %mul3A_169, %add3A_690 : i32
        %get3A_692 = arith.index_cast %add3A_691 : i32 to index
        %get3A_693 = tpu.vector_load %arg8[%get3A_692] {strides = array<i32>} : memref<33792xf32, #tpu.memory_space<vmem>>, vector<16xf32>,
        %mul3A_694 = arith.constant 3.200000e+01 : f32
        %mul3A_695 = vector.broadcast %mul3A_694 : f32 to vector<16xf32>
        %mul3A_696 = arith.mulf %get3A_689, %mul3A_695 : vector<16xf32>
        %add3A_697 = arith.addf %mul3A_696, %get3A_693 : vector<16xf32>
        %swap3A_698 = arith.index_cast %scan3A_158 : i32 to index
        %swap3A_699 = arith.constant 592 : index
        %swap3A_700 = tpu.vector_load %arg6[%swap3A_698, %swap3A_699] {strides = array<i32>} : memref<16x1024xf32, #tpu.memory_space<vmem>>, vector<16xf32>,
        tpu.vector_store %arg6[%swap3A_698, %swap3A_699], %add3A_697 {strides = array<i32>} : memref<16x1024xf32, #tpu.memory_space<vmem>>, vector<16xf32>,
        %get3A_701 = arith.index_cast %scan3A_158 : i32 to index
        %get3A_702 = arith.constant 608 : index
        %get3A_703 = tpu.vector_load %arg6[%get3A_701, %get3A_702] {strides = array<i32>} : memref<16x1024xf32, #tpu.memory_space<vmem>>, vector<16xf32>,
        %add3A_704 = arith.constant 608 : i32
        %add3A_705 = arith.addi %mul3A_169, %add3A_704 : i32
        %get3A_706 = arith.index_cast %add3A_705 : i32 to index
        %get3A_707 = tpu.vector_load %arg8[%get3A_706] {strides = array<i32>} : memref<33792xf32, #tpu.memory_space<vmem>>, vector<16xf32>,
        %mul3A_708 = arith.constant 3.200000e+01 : f32
        %mul3A_709 = vector.broadcast %mul3A_708 : f32 to vector<16xf32>
        %mul3A_710 = arith.mulf %get3A_703, %mul3A_709 : vector<16xf32>
        %add3A_711 = arith.addf %mul3A_710, %get3A_707 : vector<16xf32>
        %swap3A_712 = arith.index_cast %scan3A_158 : i32 to index
        %swap3A_713 = arith.constant 608 : index
        %swap3A_714 = tpu.vector_load %arg6[%swap3A_712, %swap3A_713] {strides = array<i32>} : memref<16x1024xf32, #tpu.memory_space<vmem>>, vector<16xf32>,
        tpu.vector_store %arg6[%swap3A_712, %swap3A_713], %add3A_711 {strides = array<i32>} : memref<16x1024xf32, #tpu.memory_space<vmem>>, vector<16xf32>,
        %get3A_715 = arith.index_cast %scan3A_158 : i32 to index
        %get3A_716 = arith.constant 624 : index
        %get3A_717 = tpu.vector_load %arg6[%get3A_715, %get3A_716] {strides = array<i32>} : memref<16x1024xf32, #tpu.memory_space<vmem>>, vector<16xf32>,
        %add3A_718 = arith.constant 624 : i32
        %add3A_719 = arith.addi %mul3A_169, %add3A_718 : i32
        %get3A_720 = arith.index_cast %add3A_719 : i32 to index
        %get3A_721 = tpu.vector_load %arg8[%get3A_720] {strides = array<i32>} : memref<33792xf32, #tpu.memory_space<vmem>>, vector<16xf32>,
        %mul3A_722 = arith.constant 3.200000e+01 : f32
        %mul3A_723 = vector.broadcast %mul3A_722 : f32 to vector<16xf32>
        %mul3A_724 = arith.mulf %get3A_717, %mul3A_723 : vector<16xf32>
        %add3A_725 = arith.addf %mul3A_724, %get3A_721 : vector<16xf32>
        %swap3A_726 = arith.index_cast %scan3A_158 : i32 to index
        %swap3A_727 = arith.constant 624 : index
        %swap3A_728 = tpu.vector_load %arg6[%swap3A_726, %swap3A_727] {strides = array<i32>} : memref<16x1024xf32, #tpu.memory_space<vmem>>, vector<16xf32>,
        tpu.vector_store %arg6[%swap3A_726, %swap3A_727], %add3A_725 {strides = array<i32>} : memref<16x1024xf32, #tpu.memory_space<vmem>>, vector<16xf32>,
        %get3A_729 = arith.index_cast %scan3A_158 : i32 to index
        %get3A_730 = arith.constant 640 : index
        %get3A_731 = tpu.vector_load %arg6[%get3A_729, %get3A_730] {strides = array<i32>} : memref<16x1024xf32, #tpu.memory_space<vmem>>, vector<16xf32>,
        %add3A_732 = arith.constant 640 : i32
        %add3A_733 = arith.addi %mul3A_169, %add3A_732 : i32
        %get3A_734 = arith.index_cast %add3A_733 : i32 to index
        %get3A_735 = tpu.vector_load %arg8[%get3A_734] {strides = array<i32>} : memref<33792xf32, #tpu.memory_space<vmem>>, vector<16xf32>,
        %mul3A_736 = arith.constant 3.200000e+01 : f32
        %mul3A_737 = vector.broadcast %mul3A_736 : f32 to vector<16xf32>
        %mul3A_738 = arith.mulf %get3A_731, %mul3A_737 : vector<16xf32>
        %add3A_739 = arith.addf %mul3A_738, %get3A_735 : vector<16xf32>
        %swap3A_740 = arith.index_cast %scan3A_158 : i32 to index
        %swap3A_741 = arith.constant 640 : index
        %swap3A_742 = tpu.vector_load %arg6[%swap3A_740, %swap3A_741] {strides = array<i32>} : memref<16x1024xf32, #tpu.memory_space<vmem>>, vector<16xf32>,
        tpu.vector_store %arg6[%swap3A_740, %swap3A_741], %add3A_739 {strides = array<i32>} : memref<16x1024xf32, #tpu.memory_space<vmem>>, vector<16xf32>,
        %get3A_743 = arith.index_cast %scan3A_158 : i32 to index
        %get3A_744 = arith.constant 656 : index
        %get3A_745 = tpu.vector_load %arg6[%get3A_743, %get3A_744] {strides = array<i32>} : memref<16x1024xf32, #tpu.memory_space<vmem>>, vector<16xf32>,
        %add3A_746 = arith.constant 656 : i32
        %add3A_747 = arith.addi %mul3A_169, %add3A_746 : i32
        %get3A_748 = arith.index_cast %add3A_747 : i32 to index
        %get3A_749 = tpu.vector_load %arg8[%get3A_748] {strides = array<i32>} : memref<33792xf32, #tpu.memory_space<vmem>>, vector<16xf32>,
        %mul3A_750 = arith.constant 3.200000e+01 : f32
        %mul3A_751 = vector.broadcast %mul3A_750 : f32 to vector<16xf32>
        %mul3A_752 = arith.mulf %get3A_745, %mul3A_751 : vector<16xf32>
        %add3A_753 = arith.addf %mul3A_752, %get3A_749 : vector<16xf32>
        %swap3A_754 = arith.index_cast %scan3A_158 : i32 to index
        %swap3A_755 = arith.constant 656 : index
        %swap3A_756 = tpu.vector_load %arg6[%swap3A_754, %swap3A_755] {strides = array<i32>} : memref<16x1024xf32, #tpu.memory_space<vmem>>, vector<16xf32>,
        tpu.vector_store %arg6[%swap3A_754, %swap3A_755], %add3A_753 {strides = array<i32>} : memref<16x1024xf32, #tpu.memory_space<vmem>>, vector<16xf32>,
        %get3A_757 = arith.index_cast %scan3A_158 : i32 to index
        %get3A_758 = arith.constant 672 : index
        %get3A_759 = tpu.vector_load %arg6[%get3A_757, %get3A_758] {strides = array<i32>} : memref<16x1024xf32, #tpu.memory_space<vmem>>, vector<16xf32>,
        %add3A_760 = arith.constant 672 : i32
        %add3A_761 = arith.addi %mul3A_169, %add3A_760 : i32
        %get3A_762 = arith.index_cast %add3A_761 : i32 to index
        %get3A_763 = tpu.vector_load %arg8[%get3A_762] {strides = array<i32>} : memref<33792xf32, #tpu.memory_space<vmem>>, vector<16xf32>,
        %mul3A_764 = arith.constant 3.200000e+01 : f32
        %mul3A_765 = vector.broadcast %mul3A_764 : f32 to vector<16xf32>
        %mul3A_766 = arith.mulf %get3A_759, %mul3A_765 : vector<16xf32>
        %add3A_767 = arith.addf %mul3A_766, %get3A_763 : vector<16xf32>
        %swap3A_768 = arith.index_cast %scan3A_158 : i32 to index
        %swap3A_769 = arith.constant 672 : index
        %swap3A_770 = tpu.vector_load %arg6[%swap3A_768, %swap3A_769] {strides = array<i32>} : memref<16x1024xf32, #tpu.memory_space<vmem>>, vector<16xf32>,
        tpu.vector_store %arg6[%swap3A_768, %swap3A_769], %add3A_767 {strides = array<i32>} : memref<16x1024xf32, #tpu.memory_space<vmem>>, vector<16xf32>,
        %get3A_771 = arith.index_cast %scan3A_158 : i32 to index
        %get3A_772 = arith.constant 688 : index
        %get3A_773 = tpu.vector_load %arg6[%get3A_771, %get3A_772] {strides = array<i32>} : memref<16x1024xf32, #tpu.memory_space<vmem>>, vector<16xf32>,
        %add3A_774 = arith.constant 688 : i32
        %add3A_775 = arith.addi %mul3A_169, %add3A_774 : i32
        %get3A_776 = arith.index_cast %add3A_775 : i32 to index
        %get3A_777 = tpu.vector_load %arg8[%get3A_776] {strides = array<i32>} : memref<33792xf32, #tpu.memory_space<vmem>>, vector<16xf32>,
        %mul3A_778 = arith.constant 3.200000e+01 : f32
        %mul3A_779 = vector.broadcast %mul3A_778 : f32 to vector<16xf32>
        %mul3A_780 = arith.mulf %get3A_773, %mul3A_779 : vector<16xf32>
        %add3A_781 = arith.addf %mul3A_780, %get3A_777 : vector<16xf32>
        %swap3A_782 = arith.index_cast %scan3A_158 : i32 to index
        %swap3A_783 = arith.constant 688 : index
        %swap3A_784 = tpu.vector_load %arg6[%swap3A_782, %swap3A_783] {strides = array<i32>} : memref<16x1024xf32, #tpu.memory_space<vmem>>, vector<16xf32>,
        tpu.vector_store %arg6[%swap3A_782, %swap3A_783], %add3A_781 {strides = array<i32>} : memref<16x1024xf32, #tpu.memory_space<vmem>>, vector<16xf32>,
        %get3A_785 = arith.index_cast %scan3A_158 : i32 to index
        %get3A_786 = arith.constant 704 : index
        %get3A_787 = tpu.vector_load %arg6[%get3A_785, %get3A_786] {strides = array<i32>} : memref<16x1024xf32, #tpu.memory_space<vmem>>, vector<16xf32>,
        %add3A_788 = arith.constant 704 : i32
        %add3A_789 = arith.addi %mul3A_169, %add3A_788 : i32
        %get3A_790 = arith.index_cast %add3A_789 : i32 to index
        %get3A_791 = tpu.vector_load %arg8[%get3A_790] {strides = array<i32>} : memref<33792xf32, #tpu.memory_space<vmem>>, vector<16xf32>,
        %mul3A_792 = arith.constant 3.200000e+01 : f32
        %mul3A_793 = vector.broadcast %mul3A_792 : f32 to vector<16xf32>
        %mul3A_794 = arith.mulf %get3A_787, %mul3A_793 : vector<16xf32>
        %add3A_795 = arith.addf %mul3A_794, %get3A_791 : vector<16xf32>
        %swap3A_796 = arith.index_cast %scan3A_158 : i32 to index
        %swap3A_797 = arith.constant 704 : index
        %swap3A_798 = tpu.vector_load %arg6[%swap3A_796, %swap3A_797] {strides = array<i32>} : memref<16x1024xf32, #tpu.memory_space<vmem>>, vector<16xf32>,
        tpu.vector_store %arg6[%swap3A_796, %swap3A_797], %add3A_795 {strides = array<i32>} : memref<16x1024xf32, #tpu.memory_space<vmem>>, vector<16xf32>,
        %get3A_799 = arith.index_cast %scan3A_158 : i32 to index
        %get3A_800 = arith.constant 720 : index
        %get3A_801 = tpu.vector_load %arg6[%get3A_799, %get3A_800] {strides = array<i32>} : memref<16x1024xf32, #tpu.memory_space<vmem>>, vector<16xf32>,
        %add3A_802 = arith.constant 720 : i32
        %add3A_803 = arith.addi %mul3A_169, %add3A_802 : i32
        %get3A_804 = arith.index_cast %add3A_803 : i32 to index
        %get3A_805 = tpu.vector_load %arg8[%get3A_804] {strides = array<i32>} : memref<33792xf32, #tpu.memory_space<vmem>>, vector<16xf32>,
        %mul3A_806 = arith.constant 3.200000e+01 : f32
        %mul3A_807 = vector.broadcast %mul3A_806 : f32 to vector<16xf32>
        %mul3A_808 = arith.mulf %get3A_801, %mul3A_807 : vector<16xf32>
        %add3A_809 = arith.addf %mul3A_808, %get3A_805 : vector<16xf32>
        %swap3A_810 = arith.index_cast %scan3A_158 : i32 to index
        %swap3A_811 = arith.constant 720 : index
        %swap3A_812 = tpu.vector_load %arg6[%swap3A_810, %swap3A_811] {strides = array<i32>} : memref<16x1024xf32, #tpu.memory_space<vmem>>, vector<16xf32>,
        tpu.vector_store %arg6[%swap3A_810, %swap3A_811], %add3A_809 {strides = array<i32>} : memref<16x1024xf32, #tpu.memory_space<vmem>>, vector<16xf32>,
        %get3A_813 = arith.index_cast %scan3A_158 : i32 to index
        %get3A_814 = arith.constant 736 : index
        %get3A_815 = tpu.vector_load %arg6[%get3A_813, %get3A_814] {strides = array<i32>} : memref<16x1024xf32, #tpu.memory_space<vmem>>, vector<16xf32>,
        %add3A_816 = arith.constant 736 : i32
        %add3A_817 = arith.addi %mul3A_169, %add3A_816 : i32
        %get3A_818 = arith.index_cast %add3A_817 : i32 to index
        %get3A_819 = tpu.vector_load %arg8[%get3A_818] {strides = array<i32>} : memref<33792xf32, #tpu.memory_space<vmem>>, vector<16xf32>,
        %mul3A_820 = arith.constant 3.200000e+01 : f32
        %mul3A_821 = vector.broadcast %mul3A_820 : f32 to vector<16xf32>
        %mul3A_822 = arith.mulf %get3A_815, %mul3A_821 : vector<16xf32>
        %add3A_823 = arith.addf %mul3A_822, %get3A_819 : vector<16xf32>
        %swap3A_824 = arith.index_cast %scan3A_158 : i32 to index
        %swap3A_825 = arith.constant 736 : index
        %swap3A_826 = tpu.vector_load %arg6[%swap3A_824, %swap3A_825] {strides = array<i32>} : memref<16x1024xf32, #tpu.memory_space<vmem>>, vector<16xf32>,
        tpu.vector_store %arg6[%swap3A_824, %swap3A_825], %add3A_823 {strides = array<i32>} : memref<16x1024xf32, #tpu.memory_space<vmem>>, vector<16xf32>,
        %get3A_827 = arith.index_cast %scan3A_158 : i32 to index
        %get3A_828 = arith.constant 752 : index
        %get3A_829 = tpu.vector_load %arg6[%get3A_827, %get3A_828] {strides = array<i32>} : memref<16x1024xf32, #tpu.memory_space<vmem>>, vector<16xf32>,
        %add3A_830 = arith.constant 752 : i32
        %add3A_831 = arith.addi %mul3A_169, %add3A_830 : i32
        %get3A_832 = arith.index_cast %add3A_831 : i32 to index
        %get3A_833 = tpu.vector_load %arg8[%get3A_832] {strides = array<i32>} : memref<33792xf32, #tpu.memory_space<vmem>>, vector<16xf32>,
        %mul3A_834 = arith.constant 3.200000e+01 : f32
        %mul3A_835 = vector.broadcast %mul3A_834 : f32 to vector<16xf32>
        %mul3A_836 = arith.mulf %get3A_829, %mul3A_835 : vector<16xf32>
        %add3A_837 = arith.addf %mul3A_836, %get3A_833 : vector<16xf32>
        %swap3A_838 = arith.index_cast %scan3A_158 : i32 to index
        %swap3A_839 = arith.constant 752 : index
        %swap3A_840 = tpu.vector_load %arg6[%swap3A_838, %swap3A_839] {strides = array<i32>} : memref<16x1024xf32, #tpu.memory_space<vmem>>, vector<16xf32>,
        tpu.vector_store %arg6[%swap3A_838, %swap3A_839], %add3A_837 {strides = array<i32>} : memref<16x1024xf32, #tpu.memory_space<vmem>>, vector<16xf32>,
        %get3A_841 = arith.index_cast %scan3A_158 : i32 to index
        %get3A_842 = arith.constant 768 : index
        %get3A_843 = tpu.vector_load %arg6[%get3A_841, %get3A_842] {strides = array<i32>} : memref<16x1024xf32, #tpu.memory_space<vmem>>, vector<16xf32>,
        %add3A_844 = arith.constant 768 : i32
        %add3A_845 = arith.addi %mul3A_169, %add3A_844 : i32
        %get3A_846 = arith.index_cast %add3A_845 : i32 to index
        %get3A_847 = tpu.vector_load %arg8[%get3A_846] {strides = array<i32>} : memref<33792xf32, #tpu.memory_space<vmem>>, vector<16xf32>,
        %mul3A_848 = arith.constant 3.200000e+01 : f32
        %mul3A_849 = vector.broadcast %mul3A_848 : f32 to vector<16xf32>
        %mul3A_850 = arith.mulf %get3A_843, %mul3A_849 : vector<16xf32>
        %add3A_851 = arith.addf %mul3A_850, %get3A_847 : vector<16xf32>
        %swap3A_852 = arith.index_cast %scan3A_158 : i32 to index
        %swap3A_853 = arith.constant 768 : index
        %swap3A_854 = tpu.vector_load %arg6[%swap3A_852, %swap3A_853] {strides = array<i32>} : memref<16x1024xf32, #tpu.memory_space<vmem>>, vector<16xf32>,
        tpu.vector_store %arg6[%swap3A_852, %swap3A_853], %add3A_851 {strides = array<i32>} : memref<16x1024xf32, #tpu.memory_space<vmem>>, vector<16xf32>,
        %get3A_855 = arith.index_cast %scan3A_158 : i32 to index
        %get3A_856 = arith.constant 784 : index
        %get3A_857 = tpu.vector_load %arg6[%get3A_855, %get3A_856] {strides = array<i32>} : memref<16x1024xf32, #tpu.memory_space<vmem>>, vector<16xf32>,
        %add3A_858 = arith.constant 784 : i32
        %add3A_859 = arith.addi %mul3A_169, %add3A_858 : i32
        %get3A_860 = arith.index_cast %add3A_859 : i32 to index
        %get3A_861 = tpu.vector_load %arg8[%get3A_860] {strides = array<i32>} : memref<33792xf32, #tpu.memory_space<vmem>>, vector<16xf32>,
        %mul3A_862 = arith.constant 3.200000e+01 : f32
        %mul3A_863 = vector.broadcast %mul3A_862 : f32 to vector<16xf32>
        %mul3A_864 = arith.mulf %get3A_857, %mul3A_863 : vector<16xf32>
        %add3A_865 = arith.addf %mul3A_864, %get3A_861 : vector<16xf32>
        %swap3A_866 = arith.index_cast %scan3A_158 : i32 to index
        %swap3A_867 = arith.constant 784 : index
        %swap3A_868 = tpu.vector_load %arg6[%swap3A_866, %swap3A_867] {strides = array<i32>} : memref<16x1024xf32, #tpu.memory_space<vmem>>, vector<16xf32>,
        tpu.vector_store %arg6[%swap3A_866, %swap3A_867], %add3A_865 {strides = array<i32>} : memref<16x1024xf32, #tpu.memory_space<vmem>>, vector<16xf32>,
        %get3A_869 = arith.index_cast %scan3A_158 : i32 to index
        %get3A_870 = arith.constant 800 : index
        %get3A_871 = tpu.vector_load %arg6[%get3A_869, %get3A_870] {strides = array<i32>} : memref<16x1024xf32, #tpu.memory_space<vmem>>, vector<16xf32>,
        %add3A_872 = arith.constant 800 : i32
        %add3A_873 = arith.addi %mul3A_169, %add3A_872 : i32
        %get3A_874 = arith.index_cast %add3A_873 : i32 to index
        %get3A_875 = tpu.vector_load %arg8[%get3A_874] {strides = array<i32>} : memref<33792xf32, #tpu.memory_space<vmem>>, vector<16xf32>,
        %mul3A_876 = arith.constant 3.200000e+01 : f32
        %mul3A_877 = vector.broadcast %mul3A_876 : f32 to vector<16xf32>
        %mul3A_878 = arith.mulf %get3A_871, %mul3A_877 : vector<16xf32>
        %add3A_879 = arith.addf %mul3A_878, %get3A_875 : vector<16xf32>
        %swap3A_880 = arith.index_cast %scan3A_158 : i32 to index
        %swap3A_881 = arith.constant 800 : index
        %swap3A_882 = tpu.vector_load %arg6[%swap3A_880, %swap3A_881] {strides = array<i32>} : memref<16x1024xf32, #tpu.memory_space<vmem>>, vector<16xf32>,
        tpu.vector_store %arg6[%swap3A_880, %swap3A_881], %add3A_879 {strides = array<i32>} : memref<16x1024xf32, #tpu.memory_space<vmem>>, vector<16xf32>,
        %get3A_883 = arith.index_cast %scan3A_158 : i32 to index
        %get3A_884 = arith.constant 816 : index
        %get3A_885 = tpu.vector_load %arg6[%get3A_883, %get3A_884] {strides = array<i32>} : memref<16x1024xf32, #tpu.memory_space<vmem>>, vector<16xf32>,
        %add3A_886 = arith.constant 816 : i32
        %add3A_887 = arith.addi %mul3A_169, %add3A_886 : i32
        %get3A_888 = arith.index_cast %add3A_887 : i32 to index
        %get3A_889 = tpu.vector_load %arg8[%get3A_888] {strides = array<i32>} : memref<33792xf32, #tpu.memory_space<vmem>>, vector<16xf32>,
        %mul3A_890 = arith.constant 3.200000e+01 : f32
        %mul3A_891 = vector.broadcast %mul3A_890 : f32 to vector<16xf32>
        %mul3A_892 = arith.mulf %get3A_885, %mul3A_891 : vector<16xf32>
        %add3A_893 = arith.addf %mul3A_892, %get3A_889 : vector<16xf32>
        %swap3A_894 = arith.index_cast %scan3A_158 : i32 to index
        %swap3A_895 = arith.constant 816 : index
        %swap3A_896 = tpu.vector_load %arg6[%swap3A_894, %swap3A_895] {strides = array<i32>} : memref<16x1024xf32, #tpu.memory_space<vmem>>, vector<16xf32>,
        tpu.vector_store %arg6[%swap3A_894, %swap3A_895], %add3A_893 {strides = array<i32>} : memref<16x1024xf32, #tpu.memory_space<vmem>>, vector<16xf32>,
        %get3A_897 = arith.index_cast %scan3A_158 : i32 to index
        %get3A_898 = arith.constant 832 : index
        %get3A_899 = tpu.vector_load %arg6[%get3A_897, %get3A_898] {strides = array<i32>} : memref<16x1024xf32, #tpu.memory_space<vmem>>, vector<16xf32>,
        %add3A_900 = arith.constant 832 : i32
        %add3A_901 = arith.addi %mul3A_169, %add3A_900 : i32
        %get3A_902 = arith.index_cast %add3A_901 : i32 to index
        %get3A_903 = tpu.vector_load %arg8[%get3A_902] {strides = array<i32>} : memref<33792xf32, #tpu.memory_space<vmem>>, vector<16xf32>,
        %mul3A_904 = arith.constant 3.200000e+01 : f32
        %mul3A_905 = vector.broadcast %mul3A_904 : f32 to vector<16xf32>
        %mul3A_906 = arith.mulf %get3A_899, %mul3A_905 : vector<16xf32>
        %add3A_907 = arith.addf %mul3A_906, %get3A_903 : vector<16xf32>
        %swap3A_908 = arith.index_cast %scan3A_158 : i32 to index
        %swap3A_909 = arith.constant 832 : index
        %swap3A_910 = tpu.vector_load %arg6[%swap3A_908, %swap3A_909] {strides = array<i32>} : memref<16x1024xf32, #tpu.memory_space<vmem>>, vector<16xf32>,
        tpu.vector_store %arg6[%swap3A_908, %swap3A_909], %add3A_907 {strides = array<i32>} : memref<16x1024xf32, #tpu.memory_space<vmem>>, vector<16xf32>,
        %get3A_911 = arith.index_cast %scan3A_158 : i32 to index
        %get3A_912 = arith.constant 848 : index
        %get3A_913 = tpu.vector_load %arg6[%get3A_911, %get3A_912] {strides = array<i32>} : memref<16x1024xf32, #tpu.memory_space<vmem>>, vector<16xf32>,
        %add3A_914 = arith.constant 848 : i32
        %add3A_915 = arith.addi %mul3A_169, %add3A_914 : i32
        %get3A_916 = arith.index_cast %add3A_915 : i32 to index
        %get3A_917 = tpu.vector_load %arg8[%get3A_916] {strides = array<i32>} : memref<33792xf32, #tpu.memory_space<vmem>>, vector<16xf32>,
        %mul3A_918 = arith.constant 3.200000e+01 : f32
        %mul3A_919 = vector.broadcast %mul3A_918 : f32 to vector<16xf32>
        %mul3A_920 = arith.mulf %get3A_913, %mul3A_919 : vector<16xf32>
        %add3A_921 = arith.addf %mul3A_920, %get3A_917 : vector<16xf32>
        %swap3A_922 = arith.index_cast %scan3A_158 : i32 to index
        %swap3A_923 = arith.constant 848 : index
        %swap3A_924 = tpu.vector_load %arg6[%swap3A_922, %swap3A_923] {strides = array<i32>} : memref<16x1024xf32, #tpu.memory_space<vmem>>, vector<16xf32>,
        tpu.vector_store %arg6[%swap3A_922, %swap3A_923], %add3A_921 {strides = array<i32>} : memref<16x1024xf32, #tpu.memory_space<vmem>>, vector<16xf32>,
        %get3A_925 = arith.index_cast %scan3A_158 : i32 to index
        %get3A_926 = arith.constant 864 : index
        %get3A_927 = tpu.vector_load %arg6[%get3A_925, %get3A_926] {strides = array<i32>} : memref<16x1024xf32, #tpu.memory_space<vmem>>, vector<16xf32>,
        %add3A_928 = arith.constant 864 : i32
        %add3A_929 = arith.addi %mul3A_169, %add3A_928 : i32
        %get3A_930 = arith.index_cast %add3A_929 : i32 to index
        %get3A_931 = tpu.vector_load %arg8[%get3A_930] {strides = array<i32>} : memref<33792xf32, #tpu.memory_space<vmem>>, vector<16xf32>,
        %mul3A_932 = arith.constant 3.200000e+01 : f32
        %mul3A_933 = vector.broadcast %mul3A_932 : f32 to vector<16xf32>
        %mul3A_934 = arith.mulf %get3A_927, %mul3A_933 : vector<16xf32>
        %add3A_935 = arith.addf %mul3A_934, %get3A_931 : vector<16xf32>
        %swap3A_936 = arith.index_cast %scan3A_158 : i32 to index
        %swap3A_937 = arith.constant 864 : index
        %swap3A_938 = tpu.vector_load %arg6[%swap3A_936, %swap3A_937] {strides = array<i32>} : memref<16x1024xf32, #tpu.memory_space<vmem>>, vector<16xf32>,
        tpu.vector_store %arg6[%swap3A_936, %swap3A_937], %add3A_935 {strides = array<i32>} : memref<16x1024xf32, #tpu.memory_space<vmem>>, vector<16xf32>,
        %get3A_939 = arith.index_cast %scan3A_158 : i32 to index
        %get3A_940 = arith.constant 880 : index
        %get3A_941 = tpu.vector_load %arg6[%get3A_939, %get3A_940] {strides = array<i32>} : memref<16x1024xf32, #tpu.memory_space<vmem>>, vector<16xf32>,
        %add3A_942 = arith.constant 880 : i32
        %add3A_943 = arith.addi %mul3A_169, %add3A_942 : i32
        %get3A_944 = arith.index_cast %add3A_943 : i32 to index
        %get3A_945 = tpu.vector_load %arg8[%get3A_944] {strides = array<i32>} : memref<33792xf32, #tpu.memory_space<vmem>>, vector<16xf32>,
        %mul3A_946 = arith.constant 3.200000e+01 : f32
        %mul3A_947 = vector.broadcast %mul3A_946 : f32 to vector<16xf32>
        %mul3A_948 = arith.mulf %get3A_941, %mul3A_947 : vector<16xf32>
        %add3A_949 = arith.addf %mul3A_948, %get3A_945 : vector<16xf32>
        %swap3A_950 = arith.index_cast %scan3A_158 : i32 to index
        %swap3A_951 = arith.constant 880 : index
        %swap3A_952 = tpu.vector_load %arg6[%swap3A_950, %swap3A_951] {strides = array<i32>} : memref<16x1024xf32, #tpu.memory_space<vmem>>, vector<16xf32>,
        tpu.vector_store %arg6[%swap3A_950, %swap3A_951], %add3A_949 {strides = array<i32>} : memref<16x1024xf32, #tpu.memory_space<vmem>>, vector<16xf32>,
        %get3A_953 = arith.index_cast %scan3A_158 : i32 to index
        %get3A_954 = arith.constant 896 : index
        %get3A_955 = tpu.vector_load %arg6[%get3A_953, %get3A_954] {strides = array<i32>} : memref<16x1024xf32, #tpu.memory_space<vmem>>, vector<16xf32>,
        %add3A_956 = arith.constant 896 : i32
        %add3A_957 = arith.addi %mul3A_169, %add3A_956 : i32
        %get3A_958 = arith.index_cast %add3A_957 : i32 to index
        %get3A_959 = tpu.vector_load %arg8[%get3A_958] {strides = array<i32>} : memref<33792xf32, #tpu.memory_space<vmem>>, vector<16xf32>,
        %mul3A_960 = arith.constant 3.200000e+01 : f32
        %mul3A_961 = vector.broadcast %mul3A_960 : f32 to vector<16xf32>
        %mul3A_962 = arith.mulf %get3A_955, %mul3A_961 : vector<16xf32>
        %add3A_963 = arith.addf %mul3A_962, %get3A_959 : vector<16xf32>
        %swap3A_964 = arith.index_cast %scan3A_158 : i32 to index
        %swap3A_965 = arith.constant 896 : index
        %swap3A_966 = tpu.vector_load %arg6[%swap3A_964, %swap3A_965] {strides = array<i32>} : memref<16x1024xf32, #tpu.memory_space<vmem>>, vector<16xf32>,
        tpu.vector_store %arg6[%swap3A_964, %swap3A_965], %add3A_963 {strides = array<i32>} : memref<16x1024xf32, #tpu.memory_space<vmem>>, vector<16xf32>,
        %get3A_967 = arith.index_cast %scan3A_158 : i32 to index
        %get3A_968 = arith.constant 912 : index
        %get3A_969 = tpu.vector_load %arg6[%get3A_967, %get3A_968] {strides = array<i32>} : memref<16x1024xf32, #tpu.memory_space<vmem>>, vector<16xf32>,
        %add3A_970 = arith.constant 912 : i32
        %add3A_971 = arith.addi %mul3A_169, %add3A_970 : i32
        %get3A_972 = arith.index_cast %add3A_971 : i32 to index
        %get3A_973 = tpu.vector_load %arg8[%get3A_972] {strides = array<i32>} : memref<33792xf32, #tpu.memory_space<vmem>>, vector<16xf32>,
        %mul3A_974 = arith.constant 3.200000e+01 : f32
        %mul3A_975 = vector.broadcast %mul3A_974 : f32 to vector<16xf32>
        %mul3A_976 = arith.mulf %get3A_969, %mul3A_975 : vector<16xf32>
        %add3A_977 = arith.addf %mul3A_976, %get3A_973 : vector<16xf32>
        %swap3A_978 = arith.index_cast %scan3A_158 : i32 to index
        %swap3A_979 = arith.constant 912 : index
        %swap3A_980 = tpu.vector_load %arg6[%swap3A_978, %swap3A_979] {strides = array<i32>} : memref<16x1024xf32, #tpu.memory_space<vmem>>, vector<16xf32>,
        tpu.vector_store %arg6[%swap3A_978, %swap3A_979], %add3A_977 {strides = array<i32>} : memref<16x1024xf32, #tpu.memory_space<vmem>>, vector<16xf32>,
        %get3A_981 = arith.index_cast %scan3A_158 : i32 to index
        %get3A_982 = arith.constant 928 : index
        %get3A_983 = tpu.vector_load %arg6[%get3A_981, %get3A_982] {strides = array<i32>} : memref<16x1024xf32, #tpu.memory_space<vmem>>, vector<16xf32>,
        %add3A_984 = arith.constant 928 : i32
        %add3A_985 = arith.addi %mul3A_169, %add3A_984 : i32
        %get3A_986 = arith.index_cast %add3A_985 : i32 to index
        %get3A_987 = tpu.vector_load %arg8[%get3A_986] {strides = array<i32>} : memref<33792xf32, #tpu.memory_space<vmem>>, vector<16xf32>,
        %mul3A_988 = arith.constant 3.200000e+01 : f32
        %mul3A_989 = vector.broadcast %mul3A_988 : f32 to vector<16xf32>
        %mul3A_990 = arith.mulf %get3A_983, %mul3A_989 : vector<16xf32>
        %add3A_991 = arith.addf %mul3A_990, %get3A_987 : vector<16xf32>
        %swap3A_992 = arith.index_cast %scan3A_158 : i32 to index
        %swap3A_993 = arith.constant 928 : index
        %swap3A_994 = tpu.vector_load %arg6[%swap3A_992, %swap3A_993] {strides = array<i32>} : memref<16x1024xf32, #tpu.memory_space<vmem>>, vector<16xf32>,
        tpu.vector_store %arg6[%swap3A_992, %swap3A_993], %add3A_991 {strides = array<i32>} : memref<16x1024xf32, #tpu.memory_space<vmem>>, vector<16xf32>,
        %get3A_995 = arith.index_cast %scan3A_158 : i32 to index
        %get3A_996 = arith.constant 944 : index
        %get3A_997 = tpu.vector_load %arg6[%get3A_995, %get3A_996] {strides = array<i32>} : memref<16x1024xf32, #tpu.memory_space<vmem>>, vector<16xf32>,
        %add3A_998 = arith.constant 944 : i32
        %add3A_999 = arith.addi %mul3A_169, %add3A_998 : i32
        %get3A_1000 = arith.index_cast %add3A_999 : i32 to index
        %get3A_1001 = tpu.vector_load %arg8[%get3A_1000] {strides = array<i32>} : memref<33792xf32, #tpu.memory_space<vmem>>, vector<16xf32>,
        %mul3A_1002 = arith.constant 3.200000e+01 : f32
        %mul3A_1003 = vector.broadcast %mul3A_1002 : f32 to vector<16xf32>
        %mul3A_1004 = arith.mulf %get3A_997, %mul3A_1003 : vector<16xf32>
        %add3A_1005 = arith.addf %mul3A_1004, %get3A_1001 : vector<16xf32>
        %swap3A_1006 = arith.index_cast %scan3A_158 : i32 to index
        %swap3A_1007 = arith.constant 944 : index
        %swap3A_1008 = tpu.vector_load %arg6[%swap3A_1006, %swap3A_1007] {strides = array<i32>} : memref<16x1024xf32, #tpu.memory_space<vmem>>, vector<16xf32>,
        tpu.vector_store %arg6[%swap3A_1006, %swap3A_1007], %add3A_1005 {strides = array<i32>} : memref<16x1024xf32, #tpu.memory_space<vmem>>, vector<16xf32>,
        %get3A_1009 = arith.index_cast %scan3A_158 : i32 to index
        %get3A_1010 = arith.constant 960 : index
        %get3A_1011 = tpu.vector_load %arg6[%get3A_1009, %get3A_1010] {strides = array<i32>} : memref<16x1024xf32, #tpu.memory_space<vmem>>, vector<16xf32>,
        %add3A_1012 = arith.constant 960 : i32
        %add3A_1013 = arith.addi %mul3A_169, %add3A_1012 : i32
        %get3A_1014 = arith.index_cast %add3A_1013 : i32 to index
        %get3A_1015 = tpu.vector_load %arg8[%get3A_1014] {strides = array<i32>} : memref<33792xf32, #tpu.memory_space<vmem>>, vector<16xf32>,
        %mul3A_1016 = arith.constant 3.200000e+01 : f32
        %mul3A_1017 = vector.broadcast %mul3A_1016 : f32 to vector<16xf32>
        %mul3A_1018 = arith.mulf %get3A_1011, %mul3A_1017 : vector<16xf32>
        %add3A_1019 = arith.addf %mul3A_1018, %get3A_1015 : vector<16xf32>
        %swap3A_1020 = arith.index_cast %scan3A_158 : i32 to index
        %swap3A_1021 = arith.constant 960 : index
        %swap3A_1022 = tpu.vector_load %arg6[%swap3A_1020, %swap3A_1021] {strides = array<i32>} : memref<16x1024xf32, #tpu.memory_space<vmem>>, vector<16xf32>,
        tpu.vector_store %arg6[%swap3A_1020, %swap3A_1021], %add3A_1019 {strides = array<i32>} : memref<16x1024xf32, #tpu.memory_space<vmem>>, vector<16xf32>,
        %get3A_1023 = arith.index_cast %scan3A_158 : i32 to index
        %get3A_1024 = arith.constant 976 : index
        %get3A_1025 = tpu.vector_load %arg6[%get3A_1023, %get3A_1024] {strides = array<i32>} : memref<16x1024xf32, #tpu.memory_space<vmem>>, vector<16xf32>,
        %add3A_1026 = arith.constant 976 : i32
        %add3A_1027 = arith.addi %mul3A_169, %add3A_1026 : i32
        %get3A_1028 = arith.index_cast %add3A_1027 : i32 to index
        %get3A_1029 = tpu.vector_load %arg8[%get3A_1028] {strides = array<i32>} : memref<33792xf32, #tpu.memory_space<vmem>>, vector<16xf32>,
        %mul3A_1030 = arith.constant 3.200000e+01 : f32
        %mul3A_1031 = vector.broadcast %mul3A_1030 : f32 to vector<16xf32>
        %mul3A_1032 = arith.mulf %get3A_1025, %mul3A_1031 : vector<16xf32>
        %add3A_1033 = arith.addf %mul3A_1032, %get3A_1029 : vector<16xf32>
        %swap3A_1034 = arith.index_cast %scan3A_158 : i32 to index
        %swap3A_1035 = arith.constant 976 : index
        %swap3A_1036 = tpu.vector_load %arg6[%swap3A_1034, %swap3A_1035] {strides = array<i32>} : memref<16x1024xf32, #tpu.memory_space<vmem>>, vector<16xf32>,
        tpu.vector_store %arg6[%swap3A_1034, %swap3A_1035], %add3A_1033 {strides = array<i32>} : memref<16x1024xf32, #tpu.memory_space<vmem>>, vector<16xf32>,
        %get3A_1037 = arith.index_cast %scan3A_158 : i32 to index
        %get3A_1038 = arith.constant 992 : index
        %get3A_1039 = tpu.vector_load %arg6[%get3A_1037, %get3A_1038] {strides = array<i32>} : memref<16x1024xf32, #tpu.memory_space<vmem>>, vector<16xf32>,
        %add3A_1040 = arith.constant 992 : i32
        %add3A_1041 = arith.addi %mul3A_169, %add3A_1040 : i32
        %get3A_1042 = arith.index_cast %add3A_1041 : i32 to index
        %get3A_1043 = tpu.vector_load %arg8[%get3A_1042] {strides = array<i32>} : memref<33792xf32, #tpu.memory_space<vmem>>, vector<16xf32>,
        %mul3A_1044 = arith.constant 3.200000e+01 : f32
        %mul3A_1045 = vector.broadcast %mul3A_1044 : f32 to vector<16xf32>
        %mul3A_1046 = arith.mulf %get3A_1039, %mul3A_1045 : vector<16xf32>
        %add3A_1047 = arith.addf %mul3A_1046, %get3A_1043 : vector<16xf32>
        %swap3A_1048 = arith.index_cast %scan3A_158 : i32 to index
        %swap3A_1049 = arith.constant 992 : index
        %swap3A_1050 = tpu.vector_load %arg6[%swap3A_1048, %swap3A_1049] {strides = array<i32>} : memref<16x1024xf32, #tpu.memory_space<vmem>>, vector<16xf32>,
        tpu.vector_store %arg6[%swap3A_1048, %swap3A_1049], %add3A_1047 {strides = array<i32>} : memref<16x1024xf32, #tpu.memory_space<vmem>>, vector<16xf32>,
        %get3A_1051 = arith.index_cast %scan3A_158 : i32 to index
        %get3A_1052 = arith.constant 1008 : index
        %get3A_1053 = tpu.vector_load %arg6[%get3A_1051, %get3A_1052] {strides = array<i32>} : memref<16x1024xf32, #tpu.memory_space<vmem>>, vector<16xf32>,
        %add3A_1054 = arith.constant 1008 : i32
        %add3A_1055 = arith.addi %mul3A_169, %add3A_1054 : i32
        %get3A_1056 = arith.index_cast %add3A_1055 : i32 to index
        %get3A_1057 = tpu.vector_load %arg8[%get3A_1056] {strides = array<i32>} : memref<33792xf32, #tpu.memory_space<vmem>>, vector<16xf32>,
        %mul3A_1058 = arith.constant 3.200000e+01 : f32
        %mul3A_1059 = vector.broadcast %mul3A_1058 : f32 to vector<16xf32>
        %mul3A_1060 = arith.mulf %get3A_1053, %mul3A_1059 : vector<16xf32>
        %add3A_1061 = arith.addf %mul3A_1060, %get3A_1057 : vector<16xf32>
        %swap3A_1062 = arith.index_cast %scan3A_158 : i32 to index
        %swap3A_1063 = arith.constant 1008 : index
        %swap3A_1064 = tpu.vector_load %arg6[%swap3A_1062, %swap3A_1063] {strides = array<i32>} : memref<16x1024xf32, #tpu.memory_space<vmem>>, vector<16xf32>,
        tpu.vector_store %arg6[%swap3A_1062, %swap3A_1063], %add3A_1061 {strides = array<i32>} : memref<16x1024xf32, #tpu.memory_space<vmem>>, vector<16xf32>,
      }
      %scan3A_90 = arith.constant 16 : i32
      %add3A_91 = arith.addi %mul3A_2, %mul3A_60 : i32
      %mul3A_92 = arith.constant 16 : i32
      %mul3A_93 = arith.muli %add3A_91, %mul3A_92 : i32
      %dma_start3A_94 = arith.constant 0 : i32
      %dma_start3A_95 = tpu.memref_slice %arg5[%mul3A_93, %dma_start3A_94] : memref<16384x1024xf32, #tpu.memory_space<hbm>> -> memref<16x1024xf32, #tpu.memory_space<hbm>>
      %dma_start3A_96 = arith.constant 0 : i32
      %dma_start3A_97 = tpu.memref_slice %arg5[%mul3A_93, %dma_start3A_96] : memref<16384x1024xf32, #tpu.memory_space<hbm>> -> memref<16x1024xf32, #tpu.memory_space<hbm>>
      tpu.enqueue_dma source(%arg6 : memref<16x1024xf32, #tpu.memory_space<vmem>>) target(%dma_start3A_97 : memref<16x1024xf32, #tpu.memory_space<hbm>>) target_semaphore(%arg16 : memref<!tpu.dma_semaphore, #tpu.memory_space<semaphore_mem>>)
      %add3A_98 = arith.constant 2 : i32
      %add3A_99 = arith.addi %mul3A_60, %add3A_98 : i32
      %lt3A_100 = arith.constant 6 : i32
      %lt3A_101 = arith.cmpi slt, %add3A_99, %lt3A_100 : i32
      %convert_element_type3A_102 = arith.extui %lt3A_101 : i1 to i32
      %cond3A_103 = arith.constant 0 : i32
      %cond3A_104 = arith.cmpi ne, %convert_element_type3A_102, %cond3A_103 : i32
      scf.if %cond3A_104 {
        %add3A_158 = arith.constant 2 : i32
        %add3A_159 = arith.addi %mul3A_60, %add3A_158 : i32
        %add3A_160 = arith.addi %mul3A_2, %add3A_159 : i32
        %mul3A_161 = arith.constant 2 : i32
        %mul3A_162 = arith.muli %add3A_160, %mul3A_161 : i32
        %mul3A_163 = arith.constant 16 : i32
        %mul3A_164 = arith.muli %mul3A_162, %mul3A_163 : i32
        %dma_start3A_165 = tpu.memref_slice %arg3[%mul3A_164] : memref<32768xi32, #tpu.memory_space<hbm>> -> memref<32xi32, #tpu.memory_space<hbm>>
        %dma_start3A_166 = tpu.memref_slice %arg3[%mul3A_164] : memref<32768xi32, #tpu.memory_space<hbm>> -> memref<32xi32, #tpu.memory_space<hbm>>
        tpu.enqueue_dma source(%dma_start3A_166 : memref<32xi32, #tpu.memory_space<hbm>>) target(%arg10 : memref<32xi32, #tpu.memory_space<vmem>>) target_semaphore(%arg18 : memref<!tpu.dma_semaphore, #tpu.memory_space<semaphore_mem>>)
      } else {
      }
      %mul3A_105 = arith.constant 2 : i32
      %mul3A_106 = arith.muli %mul3A_105, %scan3A_58 : i32
      %add3A_107 = arith.constant 1 : i32
      %add3A_108 = arith.addi %mul3A_106, %add3A_107 : i32
      %ge3A_109 = arith.constant 1 : i32
      %ge3A_110 = arith.cmpi sge, %add3A_108, %ge3A_109 : i32
      %convert_element_type3A_111 = arith.extui %ge3A_110 : i1 to i32
      %cond3A_112 = arith.constant 0 : i32
      %cond3A_113 = arith.cmpi ne, %convert_element_type3A_111, %cond3A_112 : i32
      scf.if %cond3A_113 {
        %sub3A = arith.constant 1 : i32
        %sub3A_158 = arith.subi %add3A_108, %sub3A : i32
        %add3A_159 = arith.addi %mul3A_2, %sub3A_158 : i32
        %mul3A_160 = arith.constant 16 : i32
        %mul3A_161 = arith.muli %add3A_159, %mul3A_160 : i32
        %dma_wait3A_162 = arith.constant 0 : i32
        %dma_wait3A_163 = tpu.memref_slice %arg5[%mul3A_161, %dma_wait3A_162] : memref<16384x1024xf32, #tpu.memory_space<hbm>> -> memref<16x1024xf32, #tpu.memory_space<hbm>>
        %dma_wait3A_164 = arith.constant 0 : i32
        %dma_wait3A_165 = tpu.memref_slice %arg5[%mul3A_161, %dma_wait3A_164] : memref<16384x1024xf32, #tpu.memory_space<hbm>> -> memref<16x1024xf32, #tpu.memory_space<hbm>>
        tpu.wait_dma2 semaphore(%arg16 : memref<!tpu.dma_semaphore, #tpu.memory_space<semaphore_mem>>) src(%arg6 : memref<16x1024xf32, #tpu.memory_space<vmem>>) dst(%dma_wait3A_165 : memref<16x1024xf32, #tpu.memory_space<hbm>>)
      } else {
      }
      %add3A_114 = arith.constant 1 : i32
      %add3A_115 = arith.addi %add3A_108, %add3A_114 : i32
      %lt3A_116 = arith.constant 6 : i32
      %lt3A_117 = arith.cmpi slt, %add3A_115, %lt3A_116 : i32
      %convert_element_type3A_118 = arith.extui %lt3A_117 : i1 to i32
      %cond3A_119 = arith.constant 0 : i32
      %cond3A_120 = arith.cmpi ne, %convert_element_type3A_118, %cond3A_119 : i32
      scf.if %cond3A_120 {
        %add3A_158 = arith.constant 1 : i32
        %add3A_159 = arith.addi %add3A_108, %add3A_158 : i32
        %add3A_160 = arith.addi %mul3A_2, %add3A_159 : i32
        %mul3A_161 = arith.constant 16 : i32
        %mul3A_162 = arith.muli %add3A_160, %mul3A_161 : i32
        %dma_start3A_163 = arith.constant 0 : i32
        %dma_start3A_164 = tpu.memref_slice %arg2[%mul3A_162, %dma_start3A_163] : memref<16384x1024xf32, #tpu.memory_space<hbm>> -> memref<16x1024xf32, #tpu.memory_space<hbm>>
        %dma_start3A_165 = arith.constant 0 : i32
        %dma_start3A_166 = tpu.memref_slice %arg2[%mul3A_162, %dma_start3A_165] : memref<16384x1024xf32, #tpu.memory_space<hbm>> -> memref<16x1024xf32, #tpu.memory_space<hbm>>
        tpu.enqueue_dma source(%dma_start3A_166 : memref<16x1024xf32, #tpu.memory_space<hbm>>) target(%arg6 : memref<16x1024xf32, #tpu.memory_space<vmem>>) target_semaphore(%arg12 : memref<!tpu.dma_semaphore, #tpu.memory_space<semaphore_mem>>)
        %add3A_167 = arith.constant 1 : i32
        %add3A_168 = arith.addi %add3A_108, %add3A_167 : i32
        %dma_wait3A_169 = arith.constant 0 : i32
        %dma_wait3A_170 = tpu.memref_slice %arg3[%dma_wait3A_169] : memref<32768xi32, #tpu.memory_space<hbm>> -> memref<32xi32, #tpu.memory_space<hbm>>
        %dma_wait3A_171 = arith.constant 0 : i32
        %dma_wait3A_172 = tpu.memref_slice %arg3[%dma_wait3A_171] : memref<32768xi32, #tpu.memory_space<hbm>> -> memref<32xi32, #tpu.memory_space<hbm>>
        tpu.wait_dma2 semaphore(%arg18 : memref<!tpu.dma_semaphore, #tpu.memory_space<semaphore_mem>>) src(%dma_wait3A_172 : memref<32xi32, #tpu.memory_space<hbm>>) dst(%arg10 : memref<32xi32, #tpu.memory_space<vmem>>)
        %get3A_173 = arith.constant 0 : index
        %get3A_174 = tpu.vector_load %arg10[%get3A_173] {strides = array<i32>} : memref<32xi32, #tpu.memory_space<vmem>>, vector<16xi32>,
        %reduce_max3A_175 = arith.constant true
        %reduce_max3A_176 = vector.broadcast %reduce_max3A_175 : i1 to vector<16xi1>
        %reduce_max3A_177 = arith.constant -2147483648 : i32
        %reduce_max3A_178 = vector.broadcast %reduce_max3A_177 : i32 to vector<16xi32>
        %reduce_max3A_179 = arith.xori %get3A_174, %reduce_max3A_178 : vector<16xi32>
        %reduce_max3A_180 = tpu.scan <max>, %reduce_max3A_179 masked %reduce_max3A_176 : vector<16xi32>, vector<16xi1> -> vector<16xi32>
        %reduce_max3A_181 = arith.xori %reduce_max3A_180, %reduce_max3A_178 : vector<16xi32>
        %reduce_max3A_182 = vector.extract %reduce_max3A_181[15] : i32 from vector<16xi32>
        %mul3A_183 = arith.constant 1024 : i32
        %mul3A_184 = arith.muli %reduce_max3A_182, %mul3A_183 : i32
        %dma_start3A_185 = arith.constant 16384 : i32
        %dma_start3A_186 = tpu.memref_slice %arg8[%dma_start3A_185] : memref<33792xf32, #tpu.memory_space<vmem>> -> memref<16384xf32, #tpu.memory_space<vmem>>
        %dma_start3A_187 = tpu.memref_slice %arg4[%mul3A_184] : memref<5121024xf32, #tpu.memory_space<hbm>> -> memref<16384xf32, #tpu.memory_space<hbm>>
        %dma_start3A_188 = arith.constant 16384 : i32
        %dma_start3A_189 = tpu.memref_slice %arg8[%dma_start3A_188] : memref<33792xf32, #tpu.memory_space<vmem>> -> memref<16384xf32, #tpu.memory_space<vmem>>
        %dma_start3A_190 = tpu.memref_slice %arg4[%mul3A_184] : memref<5121024xf32, #tpu.memory_space<hbm>> -> memref<16384xf32, #tpu.memory_space<hbm>>
        tpu.enqueue_dma source(%dma_start3A_190 : memref<16384xf32, #tpu.memory_space<hbm>>) target(%dma_start3A_189 : memref<16384xf32, #tpu.memory_space<vmem>>) target_semaphore(%arg14 : memref<!tpu.dma_semaphore, #tpu.memory_space<semaphore_mem>>)
      } else {
      }
      %dma_wait3A_121 = arith.constant 0 : i32
      %dma_wait3A_122 = arith.constant 0 : i32
      %dma_wait3A_123 = tpu.memref_slice %arg2[%dma_wait3A_121, %dma_wait3A_122] : memref<16384x1024xf32, #tpu.memory_space<hbm>> -> memref<16x1024xf32, #tpu.memory_space<hbm>>
      %dma_wait3A_124 = arith.constant 0 : i32
      %dma_wait3A_125 = arith.constant 0 : i32
      %dma_wait3A_126 = tpu.memref_slice %arg2[%dma_wait3A_124, %dma_wait3A_125] : memref<16384x1024xf32, #tpu.memory_space<hbm>> -> memref<16x1024xf32, #tpu.memory_space<hbm>>
      tpu.wait_dma2 semaphore(%arg13 : memref<!tpu.dma_semaphore, #tpu.memory_space<semaphore_mem>>) src(%dma_wait3A_126 : memref<16x1024xf32, #tpu.memory_space<hbm>>) dst(%arg7 : memref<16x1024xf32, #tpu.memory_space<vmem>>)
      %dma_wait3A_127 = arith.constant 16384 : i32
      %dma_wait3A_128 = tpu.memref_slice %arg9[%dma_wait3A_127] : memref<33792xf32, #tpu.memory_space<vmem>> -> memref<16384xf32, #tpu.memory_space<vmem>>
      %dma_wait3A_129 = arith.constant 0 : i32
      %dma_wait3A_130 = tpu.memref_slice %arg4[%dma_wait3A_129] : memref<5121024xf32, #tpu.memory_space<hbm>> -> memref<16384xf32, #tpu.memory_space<hbm>>
      %dma_wait3A_131 = arith.constant 16384 : i32
      %dma_wait3A_132 = tpu.memref_slice %arg9[%dma_wait3A_131] : memref<33792xf32, #tpu.memory_space<vmem>> -> memref<16384xf32, #tpu.memory_space<vmem>>
      %dma_wait3A_133 = arith.constant 0 : i32
      %dma_wait3A_134 = tpu.memref_slice %arg4[%dma_wait3A_133] : memref<5121024xf32, #tpu.memory_space<hbm>> -> memref<16384xf32, #tpu.memory_space<hbm>>
      tpu.wait_dma2 semaphore(%arg15 : memref<!tpu.dma_semaphore, #tpu.memory_space<semaphore_mem>>) src(%dma_wait3A_134 : memref<16384xf32, #tpu.memory_space<hbm>>) dst(%dma_wait3A_132 : memref<16384xf32, #tpu.memory_space<vmem>>)
      %get3A_135 = arith.constant 16 : index
      %get3A_136 = tpu.vector_load %arg11[%get3A_135] {strides = array<i32>} : memref<32xi32, #tpu.memory_space<vmem>>, vector<16xi32>,
      %iota3A_137 = tpu.iota {dimensions = array<i32: 0>} : vector<16xi32>
      %scan3A_138 = arith.constant 0 : i32
      %scan3A_139 = arith.constant 0 : i32
      %scan3A_140 = arith.constant 16 : i32
      %scan3A_141 = arith.addi %scan3A_139, %scan3A_140 : i32
      %scan3A_142 = arith.constant 1 : i32
      scf.for %scan3A_158 = %scan3A_139 to %scan3A_141 step %scan3A_142  : i32 {
        %eq3A = vector.broadcast %scan3A_158 : i32 to vector<16xi32>
        %eq3A_159 = arith.cmpi eq, %iota3A_137, %eq3A : vector<16xi32>
        %jit3A = arith.constant 0 : i32
        %broadcast_in_dim3A = vector.broadcast %jit3A : i32 to vector<16xi32>
        %select_n3A = arith.select %eq3A_159, %get3A_136, %broadcast_in_dim3A : vector<16xi1>, vector<16xi32>
        %reduce_max3A_160 = arith.constant true
        %reduce_max3A_161 = vector.broadcast %reduce_max3A_160 : i1 to vector<16xi1>
        %reduce_max3A_162 = arith.constant -2147483648 : i32
        %reduce_max3A_163 = vector.broadcast %reduce_max3A_162 : i32 to vector<16xi32>
        %reduce_max3A_164 = arith.xori %select_n3A, %reduce_max3A_163 : vector<16xi32>
        %reduce_max3A_165 = tpu.scan <max>, %reduce_max3A_164 masked %reduce_max3A_161 : vector<16xi32>, vector<16xi1> -> vector<16xi32>
        %reduce_max3A_166 = arith.xori %reduce_max3A_165, %reduce_max3A_163 : vector<16xi32>
        %reduce_max3A_167 = vector.extract %reduce_max3A_166[15] : i32 from vector<16xi32>
        %mul3A_168 = arith.constant 1024 : i32
        %mul3A_169 = arith.muli %reduce_max3A_167, %mul3A_168 : i32
        %get3A_170 = arith.index_cast %scan3A_158 : i32 to index
        %get3A_171 = arith.constant 0 : index
        %get3A_172 = tpu.vector_load %arg7[%get3A_170, %get3A_171] {strides = array<i32>} : memref<16x1024xf32, #tpu.memory_space<vmem>>, vector<16xf32>,
        %add3A_173 = arith.constant 0 : i32
        %add3A_174 = arith.addi %mul3A_169, %add3A_173 : i32
        %get3A_175 = arith.index_cast %add3A_174 : i32 to index
        %get3A_176 = tpu.vector_load %arg9[%get3A_175] {strides = array<i32>} : memref<33792xf32, #tpu.memory_space<vmem>>, vector<16xf32>,
        %mul3A_177 = arith.constant 3.200000e+01 : f32
        %mul3A_178 = vector.broadcast %mul3A_177 : f32 to vector<16xf32>
        %mul3A_179 = arith.mulf %get3A_172, %mul3A_178 : vector<16xf32>
        %add3A_180 = arith.addf %mul3A_179, %get3A_176 : vector<16xf32>
        %swap3A = arith.index_cast %scan3A_158 : i32 to index
        %swap3A_181 = arith.constant 0 : index
        %swap3A_182 = tpu.vector_load %arg7[%swap3A, %swap3A_181] {strides = array<i32>} : memref<16x1024xf32, #tpu.memory_space<vmem>>, vector<16xf32>,
        tpu.vector_store %arg7[%swap3A, %swap3A_181], %add3A_180 {strides = array<i32>} : memref<16x1024xf32, #tpu.memory_space<vmem>>, vector<16xf32>,
        %get3A_183 = arith.index_cast %scan3A_158 : i32 to index
        %get3A_184 = arith.constant 16 : index
        %get3A_185 = tpu.vector_load %arg7[%get3A_183, %get3A_184] {strides = array<i32>} : memref<16x1024xf32, #tpu.memory_space<vmem>>, vector<16xf32>,
        %add3A_186 = arith.constant 16 : i32
        %add3A_187 = arith.addi %mul3A_169, %add3A_186 : i32
        %get3A_188 = arith.index_cast %add3A_187 : i32 to index
        %get3A_189 = tpu.vector_load %arg9[%get3A_188] {strides = array<i32>} : memref<33792xf32, #tpu.memory_space<vmem>>, vector<16xf32>,
        %mul3A_190 = arith.constant 3.200000e+01 : f32
        %mul3A_191 = vector.broadcast %mul3A_190 : f32 to vector<16xf32>
        %mul3A_192 = arith.mulf %get3A_185, %mul3A_191 : vector<16xf32>
        %add3A_193 = arith.addf %mul3A_192, %get3A_189 : vector<16xf32>
        %swap3A_194 = arith.index_cast %scan3A_158 : i32 to index
        %swap3A_195 = arith.constant 16 : index
        %swap3A_196 = tpu.vector_load %arg7[%swap3A_194, %swap3A_195] {strides = array<i32>} : memref<16x1024xf32, #tpu.memory_space<vmem>>, vector<16xf32>,
        tpu.vector_store %arg7[%swap3A_194, %swap3A_195], %add3A_193 {strides = array<i32>} : memref<16x1024xf32, #tpu.memory_space<vmem>>, vector<16xf32>,
        %get3A_197 = arith.index_cast %scan3A_158 : i32 to index
        %get3A_198 = arith.constant 32 : index
        %get3A_199 = tpu.vector_load %arg7[%get3A_197, %get3A_198] {strides = array<i32>} : memref<16x1024xf32, #tpu.memory_space<vmem>>, vector<16xf32>,
        %add3A_200 = arith.constant 32 : i32
        %add3A_201 = arith.addi %mul3A_169, %add3A_200 : i32
        %get3A_202 = arith.index_cast %add3A_201 : i32 to index
        %get3A_203 = tpu.vector_load %arg9[%get3A_202] {strides = array<i32>} : memref<33792xf32, #tpu.memory_space<vmem>>, vector<16xf32>,
        %mul3A_204 = arith.constant 3.200000e+01 : f32
        %mul3A_205 = vector.broadcast %mul3A_204 : f32 to vector<16xf32>
        %mul3A_206 = arith.mulf %get3A_199, %mul3A_205 : vector<16xf32>
        %add3A_207 = arith.addf %mul3A_206, %get3A_203 : vector<16xf32>
        %swap3A_208 = arith.index_cast %scan3A_158 : i32 to index
        %swap3A_209 = arith.constant 32 : index
        %swap3A_210 = tpu.vector_load %arg7[%swap3A_208, %swap3A_209] {strides = array<i32>} : memref<16x1024xf32, #tpu.memory_space<vmem>>, vector<16xf32>,
        tpu.vector_store %arg7[%swap3A_208, %swap3A_209], %add3A_207 {strides = array<i32>} : memref<16x1024xf32, #tpu.memory_space<vmem>>, vector<16xf32>,
        %get3A_211 = arith.index_cast %scan3A_158 : i32 to index
        %get3A_212 = arith.constant 48 : index
        %get3A_213 = tpu.vector_load %arg7[%get3A_211, %get3A_212] {strides = array<i32>} : memref<16x1024xf32, #tpu.memory_space<vmem>>, vector<16xf32>,
        %add3A_214 = arith.constant 48 : i32
        %add3A_215 = arith.addi %mul3A_169, %add3A_214 : i32
        %get3A_216 = arith.index_cast %add3A_215 : i32 to index
        %get3A_217 = tpu.vector_load %arg9[%get3A_216] {strides = array<i32>} : memref<33792xf32, #tpu.memory_space<vmem>>, vector<16xf32>,
        %mul3A_218 = arith.constant 3.200000e+01 : f32
        %mul3A_219 = vector.broadcast %mul3A_218 : f32 to vector<16xf32>
        %mul3A_220 = arith.mulf %get3A_213, %mul3A_219 : vector<16xf32>
        %add3A_221 = arith.addf %mul3A_220, %get3A_217 : vector<16xf32>
        %swap3A_222 = arith.index_cast %scan3A_158 : i32 to index
        %swap3A_223 = arith.constant 48 : index
        %swap3A_224 = tpu.vector_load %arg7[%swap3A_222, %swap3A_223] {strides = array<i32>} : memref<16x1024xf32, #tpu.memory_space<vmem>>, vector<16xf32>,
        tpu.vector_store %arg7[%swap3A_222, %swap3A_223], %add3A_221 {strides = array<i32>} : memref<16x1024xf32, #tpu.memory_space<vmem>>, vector<16xf32>,
        %get3A_225 = arith.index_cast %scan3A_158 : i32 to index
        %get3A_226 = arith.constant 64 : index
        %get3A_227 = tpu.vector_load %arg7[%get3A_225, %get3A_226] {strides = array<i32>} : memref<16x1024xf32, #tpu.memory_space<vmem>>, vector<16xf32>,
        %add3A_228 = arith.constant 64 : i32
        %add3A_229 = arith.addi %mul3A_169, %add3A_228 : i32
        %get3A_230 = arith.index_cast %add3A_229 : i32 to index
        %get3A_231 = tpu.vector_load %arg9[%get3A_230] {strides = array<i32>} : memref<33792xf32, #tpu.memory_space<vmem>>, vector<16xf32>,
        %mul3A_232 = arith.constant 3.200000e+01 : f32
        %mul3A_233 = vector.broadcast %mul3A_232 : f32 to vector<16xf32>
        %mul3A_234 = arith.mulf %get3A_227, %mul3A_233 : vector<16xf32>
        %add3A_235 = arith.addf %mul3A_234, %get3A_231 : vector<16xf32>
        %swap3A_236 = arith.index_cast %scan3A_158 : i32 to index
        %swap3A_237 = arith.constant 64 : index
        %swap3A_238 = tpu.vector_load %arg7[%swap3A_236, %swap3A_237] {strides = array<i32>} : memref<16x1024xf32, #tpu.memory_space<vmem>>, vector<16xf32>,
        tpu.vector_store %arg7[%swap3A_236, %swap3A_237], %add3A_235 {strides = array<i32>} : memref<16x1024xf32, #tpu.memory_space<vmem>>, vector<16xf32>,
        %get3A_239 = arith.index_cast %scan3A_158 : i32 to index
        %get3A_240 = arith.constant 80 : index
        %get3A_241 = tpu.vector_load %arg7[%get3A_239, %get3A_240] {strides = array<i32>} : memref<16x1024xf32, #tpu.memory_space<vmem>>, vector<16xf32>,
        %add3A_242 = arith.constant 80 : i32
        %add3A_243 = arith.addi %mul3A_169, %add3A_242 : i32
        %get3A_244 = arith.index_cast %add3A_243 : i32 to index
        %get3A_245 = tpu.vector_load %arg9[%get3A_244] {strides = array<i32>} : memref<33792xf32, #tpu.memory_space<vmem>>, vector<16xf32>,
        %mul3A_246 = arith.constant 3.200000e+01 : f32
        %mul3A_247 = vector.broadcast %mul3A_246 : f32 to vector<16xf32>
        %mul3A_248 = arith.mulf %get3A_241, %mul3A_247 : vector<16xf32>
        %add3A_249 = arith.addf %mul3A_248, %get3A_245 : vector<16xf32>
        %swap3A_250 = arith.index_cast %scan3A_158 : i32 to index
        %swap3A_251 = arith.constant 80 : index
        %swap3A_252 = tpu.vector_load %arg7[%swap3A_250, %swap3A_251] {strides = array<i32>} : memref<16x1024xf32, #tpu.memory_space<vmem>>, vector<16xf32>,
        tpu.vector_store %arg7[%swap3A_250, %swap3A_251], %add3A_249 {strides = array<i32>} : memref<16x1024xf32, #tpu.memory_space<vmem>>, vector<16xf32>,
        %get3A_253 = arith.index_cast %scan3A_158 : i32 to index
        %get3A_254 = arith.constant 96 : index
        %get3A_255 = tpu.vector_load %arg7[%get3A_253, %get3A_254] {strides = array<i32>} : memref<16x1024xf32, #tpu.memory_space<vmem>>, vector<16xf32>,
        %add3A_256 = arith.constant 96 : i32
        %add3A_257 = arith.addi %mul3A_169, %add3A_256 : i32
        %get3A_258 = arith.index_cast %add3A_257 : i32 to index
        %get3A_259 = tpu.vector_load %arg9[%get3A_258] {strides = array<i32>} : memref<33792xf32, #tpu.memory_space<vmem>>, vector<16xf32>,
        %mul3A_260 = arith.constant 3.200000e+01 : f32
        %mul3A_261 = vector.broadcast %mul3A_260 : f32 to vector<16xf32>
        %mul3A_262 = arith.mulf %get3A_255, %mul3A_261 : vector<16xf32>
        %add3A_263 = arith.addf %mul3A_262, %get3A_259 : vector<16xf32>
        %swap3A_264 = arith.index_cast %scan3A_158 : i32 to index
        %swap3A_265 = arith.constant 96 : index
        %swap3A_266 = tpu.vector_load %arg7[%swap3A_264, %swap3A_265] {strides = array<i32>} : memref<16x1024xf32, #tpu.memory_space<vmem>>, vector<16xf32>,
        tpu.vector_store %arg7[%swap3A_264, %swap3A_265], %add3A_263 {strides = array<i32>} : memref<16x1024xf32, #tpu.memory_space<vmem>>, vector<16xf32>,
        %get3A_267 = arith.index_cast %scan3A_158 : i32 to index
        %get3A_268 = arith.constant 112 : index
        %get3A_269 = tpu.vector_load %arg7[%get3A_267, %get3A_268] {strides = array<i32>} : memref<16x1024xf32, #tpu.memory_space<vmem>>, vector<16xf32>,
        %add3A_270 = arith.constant 112 : i32
        %add3A_271 = arith.addi %mul3A_169, %add3A_270 : i32
        %get3A_272 = arith.index_cast %add3A_271 : i32 to index
        %get3A_273 = tpu.vector_load %arg9[%get3A_272] {strides = array<i32>} : memref<33792xf32, #tpu.memory_space<vmem>>, vector<16xf32>,
        %mul3A_274 = arith.constant 3.200000e+01 : f32
        %mul3A_275 = vector.broadcast %mul3A_274 : f32 to vector<16xf32>
        %mul3A_276 = arith.mulf %get3A_269, %mul3A_275 : vector<16xf32>
        %add3A_277 = arith.addf %mul3A_276, %get3A_273 : vector<16xf32>
        %swap3A_278 = arith.index_cast %scan3A_158 : i32 to index
        %swap3A_279 = arith.constant 112 : index
        %swap3A_280 = tpu.vector_load %arg7[%swap3A_278, %swap3A_279] {strides = array<i32>} : memref<16x1024xf32, #tpu.memory_space<vmem>>, vector<16xf32>,
        tpu.vector_store %arg7[%swap3A_278, %swap3A_279], %add3A_277 {strides = array<i32>} : memref<16x1024xf32, #tpu.memory_space<vmem>>, vector<16xf32>,
        %get3A_281 = arith.index_cast %scan3A_158 : i32 to index
        %get3A_282 = arith.constant 128 : index
        %get3A_283 = tpu.vector_load %arg7[%get3A_281, %get3A_282] {strides = array<i32>} : memref<16x1024xf32, #tpu.memory_space<vmem>>, vector<16xf32>,
        %add3A_284 = arith.constant 128 : i32
        %add3A_285 = arith.addi %mul3A_169, %add3A_284 : i32
        %get3A_286 = arith.index_cast %add3A_285 : i32 to index
        %get3A_287 = tpu.vector_load %arg9[%get3A_286] {strides = array<i32>} : memref<33792xf32, #tpu.memory_space<vmem>>, vector<16xf32>,
        %mul3A_288 = arith.constant 3.200000e+01 : f32
        %mul3A_289 = vector.broadcast %mul3A_288 : f32 to vector<16xf32>
        %mul3A_290 = arith.mulf %get3A_283, %mul3A_289 : vector<16xf32>
        %add3A_291 = arith.addf %mul3A_290, %get3A_287 : vector<16xf32>
        %swap3A_292 = arith.index_cast %scan3A_158 : i32 to index
        %swap3A_293 = arith.constant 128 : index
        %swap3A_294 = tpu.vector_load %arg7[%swap3A_292, %swap3A_293] {strides = array<i32>} : memref<16x1024xf32, #tpu.memory_space<vmem>>, vector<16xf32>,
        tpu.vector_store %arg7[%swap3A_292, %swap3A_293], %add3A_291 {strides = array<i32>} : memref<16x1024xf32, #tpu.memory_space<vmem>>, vector<16xf32>,
        %get3A_295 = arith.index_cast %scan3A_158 : i32 to index
        %get3A_296 = arith.constant 144 : index
        %get3A_297 = tpu.vector_load %arg7[%get3A_295, %get3A_296] {strides = array<i32>} : memref<16x1024xf32, #tpu.memory_space<vmem>>, vector<16xf32>,
        %add3A_298 = arith.constant 144 : i32
        %add3A_299 = arith.addi %mul3A_169, %add3A_298 : i32
        %get3A_300 = arith.index_cast %add3A_299 : i32 to index
        %get3A_301 = tpu.vector_load %arg9[%get3A_300] {strides = array<i32>} : memref<33792xf32, #tpu.memory_space<vmem>>, vector<16xf32>,
        %mul3A_302 = arith.constant 3.200000e+01 : f32
        %mul3A_303 = vector.broadcast %mul3A_302 : f32 to vector<16xf32>
        %mul3A_304 = arith.mulf %get3A_297, %mul3A_303 : vector<16xf32>
        %add3A_305 = arith.addf %mul3A_304, %get3A_301 : vector<16xf32>
        %swap3A_306 = arith.index_cast %scan3A_158 : i32 to index
        %swap3A_307 = arith.constant 144 : index
        %swap3A_308 = tpu.vector_load %arg7[%swap3A_306, %swap3A_307] {strides = array<i32>} : memref<16x1024xf32, #tpu.memory_space<vmem>>, vector<16xf32>,
        tpu.vector_store %arg7[%swap3A_306, %swap3A_307], %add3A_305 {strides = array<i32>} : memref<16x1024xf32, #tpu.memory_space<vmem>>, vector<16xf32>,
        %get3A_309 = arith.index_cast %scan3A_158 : i32 to index
        %get3A_310 = arith.constant 160 : index
        %get3A_311 = tpu.vector_load %arg7[%get3A_309, %get3A_310] {strides = array<i32>} : memref<16x1024xf32, #tpu.memory_space<vmem>>, vector<16xf32>,
        %add3A_312 = arith.constant 160 : i32
        %add3A_313 = arith.addi %mul3A_169, %add3A_312 : i32
        %get3A_314 = arith.index_cast %add3A_313 : i32 to index
        %get3A_315 = tpu.vector_load %arg9[%get3A_314] {strides = array<i32>} : memref<33792xf32, #tpu.memory_space<vmem>>, vector<16xf32>,
        %mul3A_316 = arith.constant 3.200000e+01 : f32
        %mul3A_317 = vector.broadcast %mul3A_316 : f32 to vector<16xf32>
        %mul3A_318 = arith.mulf %get3A_311, %mul3A_317 : vector<16xf32>
        %add3A_319 = arith.addf %mul3A_318, %get3A_315 : vector<16xf32>
        %swap3A_320 = arith.index_cast %scan3A_158 : i32 to index
        %swap3A_321 = arith.constant 160 : index
        %swap3A_322 = tpu.vector_load %arg7[%swap3A_320, %swap3A_321] {strides = array<i32>} : memref<16x1024xf32, #tpu.memory_space<vmem>>, vector<16xf32>,
        tpu.vector_store %arg7[%swap3A_320, %swap3A_321], %add3A_319 {strides = array<i32>} : memref<16x1024xf32, #tpu.memory_space<vmem>>, vector<16xf32>,
        %get3A_323 = arith.index_cast %scan3A_158 : i32 to index
        %get3A_324 = arith.constant 176 : index
        %get3A_325 = tpu.vector_load %arg7[%get3A_323, %get3A_324] {strides = array<i32>} : memref<16x1024xf32, #tpu.memory_space<vmem>>, vector<16xf32>,
        %add3A_326 = arith.constant 176 : i32
        %add3A_327 = arith.addi %mul3A_169, %add3A_326 : i32
        %get3A_328 = arith.index_cast %add3A_327 : i32 to index
        %get3A_329 = tpu.vector_load %arg9[%get3A_328] {strides = array<i32>} : memref<33792xf32, #tpu.memory_space<vmem>>, vector<16xf32>,
        %mul3A_330 = arith.constant 3.200000e+01 : f32
        %mul3A_331 = vector.broadcast %mul3A_330 : f32 to vector<16xf32>
        %mul3A_332 = arith.mulf %get3A_325, %mul3A_331 : vector<16xf32>
        %add3A_333 = arith.addf %mul3A_332, %get3A_329 : vector<16xf32>
        %swap3A_334 = arith.index_cast %scan3A_158 : i32 to index
        %swap3A_335 = arith.constant 176 : index
        %swap3A_336 = tpu.vector_load %arg7[%swap3A_334, %swap3A_335] {strides = array<i32>} : memref<16x1024xf32, #tpu.memory_space<vmem>>, vector<16xf32>,
        tpu.vector_store %arg7[%swap3A_334, %swap3A_335], %add3A_333 {strides = array<i32>} : memref<16x1024xf32, #tpu.memory_space<vmem>>, vector<16xf32>,
        %get3A_337 = arith.index_cast %scan3A_158 : i32 to index
        %get3A_338 = arith.constant 192 : index
        %get3A_339 = tpu.vector_load %arg7[%get3A_337, %get3A_338] {strides = array<i32>} : memref<16x1024xf32, #tpu.memory_space<vmem>>, vector<16xf32>,
        %add3A_340 = arith.constant 192 : i32
        %add3A_341 = arith.addi %mul3A_169, %add3A_340 : i32
        %get3A_342 = arith.index_cast %add3A_341 : i32 to index
        %get3A_343 = tpu.vector_load %arg9[%get3A_342] {strides = array<i32>} : memref<33792xf32, #tpu.memory_space<vmem>>, vector<16xf32>,
        %mul3A_344 = arith.constant 3.200000e+01 : f32
        %mul3A_345 = vector.broadcast %mul3A_344 : f32 to vector<16xf32>
        %mul3A_346 = arith.mulf %get3A_339, %mul3A_345 : vector<16xf32>
        %add3A_347 = arith.addf %mul3A_346, %get3A_343 : vector<16xf32>
        %swap3A_348 = arith.index_cast %scan3A_158 : i32 to index
        %swap3A_349 = arith.constant 192 : index
        %swap3A_350 = tpu.vector_load %arg7[%swap3A_348, %swap3A_349] {strides = array<i32>} : memref<16x1024xf32, #tpu.memory_space<vmem>>, vector<16xf32>,
        tpu.vector_store %arg7[%swap3A_348, %swap3A_349], %add3A_347 {strides = array<i32>} : memref<16x1024xf32, #tpu.memory_space<vmem>>, vector<16xf32>,
        %get3A_351 = arith.index_cast %scan3A_158 : i32 to index
        %get3A_352 = arith.constant 208 : index
        %get3A_353 = tpu.vector_load %arg7[%get3A_351, %get3A_352] {strides = array<i32>} : memref<16x1024xf32, #tpu.memory_space<vmem>>, vector<16xf32>,
        %add3A_354 = arith.constant 208 : i32
        %add3A_355 = arith.addi %mul3A_169, %add3A_354 : i32
        %get3A_356 = arith.index_cast %add3A_355 : i32 to index
        %get3A_357 = tpu.vector_load %arg9[%get3A_356] {strides = array<i32>} : memref<33792xf32, #tpu.memory_space<vmem>>, vector<16xf32>,
        %mul3A_358 = arith.constant 3.200000e+01 : f32
        %mul3A_359 = vector.broadcast %mul3A_358 : f32 to vector<16xf32>
        %mul3A_360 = arith.mulf %get3A_353, %mul3A_359 : vector<16xf32>
        %add3A_361 = arith.addf %mul3A_360, %get3A_357 : vector<16xf32>
        %swap3A_362 = arith.index_cast %scan3A_158 : i32 to index
        %swap3A_363 = arith.constant 208 : index
        %swap3A_364 = tpu.vector_load %arg7[%swap3A_362, %swap3A_363] {strides = array<i32>} : memref<16x1024xf32, #tpu.memory_space<vmem>>, vector<16xf32>,
        tpu.vector_store %arg7[%swap3A_362, %swap3A_363], %add3A_361 {strides = array<i32>} : memref<16x1024xf32, #tpu.memory_space<vmem>>, vector<16xf32>,
        %get3A_365 = arith.index_cast %scan3A_158 : i32 to index
        %get3A_366 = arith.constant 224 : index
        %get3A_367 = tpu.vector_load %arg7[%get3A_365, %get3A_366] {strides = array<i32>} : memref<16x1024xf32, #tpu.memory_space<vmem>>, vector<16xf32>,
        %add3A_368 = arith.constant 224 : i32
        %add3A_369 = arith.addi %mul3A_169, %add3A_368 : i32
        %get3A_370 = arith.index_cast %add3A_369 : i32 to index
        %get3A_371 = tpu.vector_load %arg9[%get3A_370] {strides = array<i32>} : memref<33792xf32, #tpu.memory_space<vmem>>, vector<16xf32>,
        %mul3A_372 = arith.constant 3.200000e+01 : f32
        %mul3A_373 = vector.broadcast %mul3A_372 : f32 to vector<16xf32>
        %mul3A_374 = arith.mulf %get3A_367, %mul3A_373 : vector<16xf32>
        %add3A_375 = arith.addf %mul3A_374, %get3A_371 : vector<16xf32>
        %swap3A_376 = arith.index_cast %scan3A_158 : i32 to index
        %swap3A_377 = arith.constant 224 : index
        %swap3A_378 = tpu.vector_load %arg7[%swap3A_376, %swap3A_377] {strides = array<i32>} : memref<16x1024xf32, #tpu.memory_space<vmem>>, vector<16xf32>,
        tpu.vector_store %arg7[%swap3A_376, %swap3A_377], %add3A_375 {strides = array<i32>} : memref<16x1024xf32, #tpu.memory_space<vmem>>, vector<16xf32>,
        %get3A_379 = arith.index_cast %scan3A_158 : i32 to index
        %get3A_380 = arith.constant 240 : index
        %get3A_381 = tpu.vector_load %arg7[%get3A_379, %get3A_380] {strides = array<i32>} : memref<16x1024xf32, #tpu.memory_space<vmem>>, vector<16xf32>,
        %add3A_382 = arith.constant 240 : i32
        %add3A_383 = arith.addi %mul3A_169, %add3A_382 : i32
        %get3A_384 = arith.index_cast %add3A_383 : i32 to index
        %get3A_385 = tpu.vector_load %arg9[%get3A_384] {strides = array<i32>} : memref<33792xf32, #tpu.memory_space<vmem>>, vector<16xf32>,
        %mul3A_386 = arith.constant 3.200000e+01 : f32
        %mul3A_387 = vector.broadcast %mul3A_386 : f32 to vector<16xf32>
        %mul3A_388 = arith.mulf %get3A_381, %mul3A_387 : vector<16xf32>
        %add3A_389 = arith.addf %mul3A_388, %get3A_385 : vector<16xf32>
        %swap3A_390 = arith.index_cast %scan3A_158 : i32 to index
        %swap3A_391 = arith.constant 240 : index
        %swap3A_392 = tpu.vector_load %arg7[%swap3A_390, %swap3A_391] {strides = array<i32>} : memref<16x1024xf32, #tpu.memory_space<vmem>>, vector<16xf32>,
        tpu.vector_store %arg7[%swap3A_390, %swap3A_391], %add3A_389 {strides = array<i32>} : memref<16x1024xf32, #tpu.memory_space<vmem>>, vector<16xf32>,
        %get3A_393 = arith.index_cast %scan3A_158 : i32 to index
        %get3A_394 = arith.constant 256 : index
        %get3A_395 = tpu.vector_load %arg7[%get3A_393, %get3A_394] {strides = array<i32>} : memref<16x1024xf32, #tpu.memory_space<vmem>>, vector<16xf32>,
        %add3A_396 = arith.constant 256 : i32
        %add3A_397 = arith.addi %mul3A_169, %add3A_396 : i32
        %get3A_398 = arith.index_cast %add3A_397 : i32 to index
        %get3A_399 = tpu.vector_load %arg9[%get3A_398] {strides = array<i32>} : memref<33792xf32, #tpu.memory_space<vmem>>, vector<16xf32>,
        %mul3A_400 = arith.constant 3.200000e+01 : f32
        %mul3A_401 = vector.broadcast %mul3A_400 : f32 to vector<16xf32>
        %mul3A_402 = arith.mulf %get3A_395, %mul3A_401 : vector<16xf32>
        %add3A_403 = arith.addf %mul3A_402, %get3A_399 : vector<16xf32>
        %swap3A_404 = arith.index_cast %scan3A_158 : i32 to index
        %swap3A_405 = arith.constant 256 : index
        %swap3A_406 = tpu.vector_load %arg7[%swap3A_404, %swap3A_405] {strides = array<i32>} : memref<16x1024xf32, #tpu.memory_space<vmem>>, vector<16xf32>,
        tpu.vector_store %arg7[%swap3A_404, %swap3A_405], %add3A_403 {strides = array<i32>} : memref<16x1024xf32, #tpu.memory_space<vmem>>, vector<16xf32>,
        %get3A_407 = arith.index_cast %scan3A_158 : i32 to index
        %get3A_408 = arith.constant 272 : index
        %get3A_409 = tpu.vector_load %arg7[%get3A_407, %get3A_408] {strides = array<i32>} : memref<16x1024xf32, #tpu.memory_space<vmem>>, vector<16xf32>,
        %add3A_410 = arith.constant 272 : i32
        %add3A_411 = arith.addi %mul3A_169, %add3A_410 : i32
        %get3A_412 = arith.index_cast %add3A_411 : i32 to index
        %get3A_413 = tpu.vector_load %arg9[%get3A_412] {strides = array<i32>} : memref<33792xf32, #tpu.memory_space<vmem>>, vector<16xf32>,
        %mul3A_414 = arith.constant 3.200000e+01 : f32
        %mul3A_415 = vector.broadcast %mul3A_414 : f32 to vector<16xf32>
        %mul3A_416 = arith.mulf %get3A_409, %mul3A_415 : vector<16xf32>
        %add3A_417 = arith.addf %mul3A_416, %get3A_413 : vector<16xf32>
        %swap3A_418 = arith.index_cast %scan3A_158 : i32 to index
        %swap3A_419 = arith.constant 272 : index
        %swap3A_420 = tpu.vector_load %arg7[%swap3A_418, %swap3A_419] {strides = array<i32>} : memref<16x1024xf32, #tpu.memory_space<vmem>>, vector<16xf32>,
        tpu.vector_store %arg7[%swap3A_418, %swap3A_419], %add3A_417 {strides = array<i32>} : memref<16x1024xf32, #tpu.memory_space<vmem>>, vector<16xf32>,
        %get3A_421 = arith.index_cast %scan3A_158 : i32 to index
        %get3A_422 = arith.constant 288 : index
        %get3A_423 = tpu.vector_load %arg7[%get3A_421, %get3A_422] {strides = array<i32>} : memref<16x1024xf32, #tpu.memory_space<vmem>>, vector<16xf32>,
        %add3A_424 = arith.constant 288 : i32
        %add3A_425 = arith.addi %mul3A_169, %add3A_424 : i32
        %get3A_426 = arith.index_cast %add3A_425 : i32 to index
        %get3A_427 = tpu.vector_load %arg9[%get3A_426] {strides = array<i32>} : memref<33792xf32, #tpu.memory_space<vmem>>, vector<16xf32>,
        %mul3A_428 = arith.constant 3.200000e+01 : f32
        %mul3A_429 = vector.broadcast %mul3A_428 : f32 to vector<16xf32>
        %mul3A_430 = arith.mulf %get3A_423, %mul3A_429 : vector<16xf32>
        %add3A_431 = arith.addf %mul3A_430, %get3A_427 : vector<16xf32>
        %swap3A_432 = arith.index_cast %scan3A_158 : i32 to index
        %swap3A_433 = arith.constant 288 : index
        %swap3A_434 = tpu.vector_load %arg7[%swap3A_432, %swap3A_433] {strides = array<i32>} : memref<16x1024xf32, #tpu.memory_space<vmem>>, vector<16xf32>,
        tpu.vector_store %arg7[%swap3A_432, %swap3A_433], %add3A_431 {strides = array<i32>} : memref<16x1024xf32, #tpu.memory_space<vmem>>, vector<16xf32>,
        %get3A_435 = arith.index_cast %scan3A_158 : i32 to index
        %get3A_436 = arith.constant 304 : index
        %get3A_437 = tpu.vector_load %arg7[%get3A_435, %get3A_436] {strides = array<i32>} : memref<16x1024xf32, #tpu.memory_space<vmem>>, vector<16xf32>,
        %add3A_438 = arith.constant 304 : i32
        %add3A_439 = arith.addi %mul3A_169, %add3A_438 : i32
        %get3A_440 = arith.index_cast %add3A_439 : i32 to index
        %get3A_441 = tpu.vector_load %arg9[%get3A_440] {strides = array<i32>} : memref<33792xf32, #tpu.memory_space<vmem>>, vector<16xf32>,
        %mul3A_442 = arith.constant 3.200000e+01 : f32
        %mul3A_443 = vector.broadcast %mul3A_442 : f32 to vector<16xf32>
        %mul3A_444 = arith.mulf %get3A_437, %mul3A_443 : vector<16xf32>
        %add3A_445 = arith.addf %mul3A_444, %get3A_441 : vector<16xf32>
        %swap3A_446 = arith.index_cast %scan3A_158 : i32 to index
        %swap3A_447 = arith.constant 304 : index
        %swap3A_448 = tpu.vector_load %arg7[%swap3A_446, %swap3A_447] {strides = array<i32>} : memref<16x1024xf32, #tpu.memory_space<vmem>>, vector<16xf32>,
        tpu.vector_store %arg7[%swap3A_446, %swap3A_447], %add3A_445 {strides = array<i32>} : memref<16x1024xf32, #tpu.memory_space<vmem>>, vector<16xf32>,
        %get3A_449 = arith.index_cast %scan3A_158 : i32 to index
        %get3A_450 = arith.constant 320 : index
        %get3A_451 = tpu.vector_load %arg7[%get3A_449, %get3A_450] {strides = array<i32>} : memref<16x1024xf32, #tpu.memory_space<vmem>>, vector<16xf32>,
        %add3A_452 = arith.constant 320 : i32
        %add3A_453 = arith.addi %mul3A_169, %add3A_452 : i32
        %get3A_454 = arith.index_cast %add3A_453 : i32 to index
        %get3A_455 = tpu.vector_load %arg9[%get3A_454] {strides = array<i32>} : memref<33792xf32, #tpu.memory_space<vmem>>, vector<16xf32>,
        %mul3A_456 = arith.constant 3.200000e+01 : f32
        %mul3A_457 = vector.broadcast %mul3A_456 : f32 to vector<16xf32>
        %mul3A_458 = arith.mulf %get3A_451, %mul3A_457 : vector<16xf32>
        %add3A_459 = arith.addf %mul3A_458, %get3A_455 : vector<16xf32>
        %swap3A_460 = arith.index_cast %scan3A_158 : i32 to index
        %swap3A_461 = arith.constant 320 : index
        %swap3A_462 = tpu.vector_load %arg7[%swap3A_460, %swap3A_461] {strides = array<i32>} : memref<16x1024xf32, #tpu.memory_space<vmem>>, vector<16xf32>,
        tpu.vector_store %arg7[%swap3A_460, %swap3A_461], %add3A_459 {strides = array<i32>} : memref<16x1024xf32, #tpu.memory_space<vmem>>, vector<16xf32>,
        %get3A_463 = arith.index_cast %scan3A_158 : i32 to index
        %get3A_464 = arith.constant 336 : index
        %get3A_465 = tpu.vector_load %arg7[%get3A_463, %get3A_464] {strides = array<i32>} : memref<16x1024xf32, #tpu.memory_space<vmem>>, vector<16xf32>,
        %add3A_466 = arith.constant 336 : i32
        %add3A_467 = arith.addi %mul3A_169, %add3A_466 : i32
        %get3A_468 = arith.index_cast %add3A_467 : i32 to index
        %get3A_469 = tpu.vector_load %arg9[%get3A_468] {strides = array<i32>} : memref<33792xf32, #tpu.memory_space<vmem>>, vector<16xf32>,
        %mul3A_470 = arith.constant 3.200000e+01 : f32
        %mul3A_471 = vector.broadcast %mul3A_470 : f32 to vector<16xf32>
        %mul3A_472 = arith.mulf %get3A_465, %mul3A_471 : vector<16xf32>
        %add3A_473 = arith.addf %mul3A_472, %get3A_469 : vector<16xf32>
        %swap3A_474 = arith.index_cast %scan3A_158 : i32 to index
        %swap3A_475 = arith.constant 336 : index
        %swap3A_476 = tpu.vector_load %arg7[%swap3A_474, %swap3A_475] {strides = array<i32>} : memref<16x1024xf32, #tpu.memory_space<vmem>>, vector<16xf32>,
        tpu.vector_store %arg7[%swap3A_474, %swap3A_475], %add3A_473 {strides = array<i32>} : memref<16x1024xf32, #tpu.memory_space<vmem>>, vector<16xf32>,
        %get3A_477 = arith.index_cast %scan3A_158 : i32 to index
        %get3A_478 = arith.constant 352 : index
        %get3A_479 = tpu.vector_load %arg7[%get3A_477, %get3A_478] {strides = array<i32>} : memref<16x1024xf32, #tpu.memory_space<vmem>>, vector<16xf32>,
        %add3A_480 = arith.constant 352 : i32
        %add3A_481 = arith.addi %mul3A_169, %add3A_480 : i32
        %get3A_482 = arith.index_cast %add3A_481 : i32 to index
        %get3A_483 = tpu.vector_load %arg9[%get3A_482] {strides = array<i32>} : memref<33792xf32, #tpu.memory_space<vmem>>, vector<16xf32>,
        %mul3A_484 = arith.constant 3.200000e+01 : f32
        %mul3A_485 = vector.broadcast %mul3A_484 : f32 to vector<16xf32>
        %mul3A_486 = arith.mulf %get3A_479, %mul3A_485 : vector<16xf32>
        %add3A_487 = arith.addf %mul3A_486, %get3A_483 : vector<16xf32>
        %swap3A_488 = arith.index_cast %scan3A_158 : i32 to index
        %swap3A_489 = arith.constant 352 : index
        %swap3A_490 = tpu.vector_load %arg7[%swap3A_488, %swap3A_489] {strides = array<i32>} : memref<16x1024xf32, #tpu.memory_space<vmem>>, vector<16xf32>,
        tpu.vector_store %arg7[%swap3A_488, %swap3A_489], %add3A_487 {strides = array<i32>} : memref<16x1024xf32, #tpu.memory_space<vmem>>, vector<16xf32>,
        %get3A_491 = arith.index_cast %scan3A_158 : i32 to index
        %get3A_492 = arith.constant 368 : index
        %get3A_493 = tpu.vector_load %arg7[%get3A_491, %get3A_492] {strides = array<i32>} : memref<16x1024xf32, #tpu.memory_space<vmem>>, vector<16xf32>,
        %add3A_494 = arith.constant 368 : i32
        %add3A_495 = arith.addi %mul3A_169, %add3A_494 : i32
        %get3A_496 = arith.index_cast %add3A_495 : i32 to index
        %get3A_497 = tpu.vector_load %arg9[%get3A_496] {strides = array<i32>} : memref<33792xf32, #tpu.memory_space<vmem>>, vector<16xf32>,
        %mul3A_498 = arith.constant 3.200000e+01 : f32
        %mul3A_499 = vector.broadcast %mul3A_498 : f32 to vector<16xf32>
        %mul3A_500 = arith.mulf %get3A_493, %mul3A_499 : vector<16xf32>
        %add3A_501 = arith.addf %mul3A_500, %get3A_497 : vector<16xf32>
        %swap3A_502 = arith.index_cast %scan3A_158 : i32 to index
        %swap3A_503 = arith.constant 368 : index
        %swap3A_504 = tpu.vector_load %arg7[%swap3A_502, %swap3A_503] {strides = array<i32>} : memref<16x1024xf32, #tpu.memory_space<vmem>>, vector<16xf32>,
        tpu.vector_store %arg7[%swap3A_502, %swap3A_503], %add3A_501 {strides = array<i32>} : memref<16x1024xf32, #tpu.memory_space<vmem>>, vector<16xf32>,
        %get3A_505 = arith.index_cast %scan3A_158 : i32 to index
        %get3A_506 = arith.constant 384 : index
        %get3A_507 = tpu.vector_load %arg7[%get3A_505, %get3A_506] {strides = array<i32>} : memref<16x1024xf32, #tpu.memory_space<vmem>>, vector<16xf32>,
        %add3A_508 = arith.constant 384 : i32
        %add3A_509 = arith.addi %mul3A_169, %add3A_508 : i32
        %get3A_510 = arith.index_cast %add3A_509 : i32 to index
        %get3A_511 = tpu.vector_load %arg9[%get3A_510] {strides = array<i32>} : memref<33792xf32, #tpu.memory_space<vmem>>, vector<16xf32>,
        %mul3A_512 = arith.constant 3.200000e+01 : f32
        %mul3A_513 = vector.broadcast %mul3A_512 : f32 to vector<16xf32>
        %mul3A_514 = arith.mulf %get3A_507, %mul3A_513 : vector<16xf32>
        %add3A_515 = arith.addf %mul3A_514, %get3A_511 : vector<16xf32>
        %swap3A_516 = arith.index_cast %scan3A_158 : i32 to index
        %swap3A_517 = arith.constant 384 : index
        %swap3A_518 = tpu.vector_load %arg7[%swap3A_516, %swap3A_517] {strides = array<i32>} : memref<16x1024xf32, #tpu.memory_space<vmem>>, vector<16xf32>,
        tpu.vector_store %arg7[%swap3A_516, %swap3A_517], %add3A_515 {strides = array<i32>} : memref<16x1024xf32, #tpu.memory_space<vmem>>, vector<16xf32>,
        %get3A_519 = arith.index_cast %scan3A_158 : i32 to index
        %get3A_520 = arith.constant 400 : index
        %get3A_521 = tpu.vector_load %arg7[%get3A_519, %get3A_520] {strides = array<i32>} : memref<16x1024xf32, #tpu.memory_space<vmem>>, vector<16xf32>,
        %add3A_522 = arith.constant 400 : i32
        %add3A_523 = arith.addi %mul3A_169, %add3A_522 : i32
        %get3A_524 = arith.index_cast %add3A_523 : i32 to index
        %get3A_525 = tpu.vector_load %arg9[%get3A_524] {strides = array<i32>} : memref<33792xf32, #tpu.memory_space<vmem>>, vector<16xf32>,
        %mul3A_526 = arith.constant 3.200000e+01 : f32
        %mul3A_527 = vector.broadcast %mul3A_526 : f32 to vector<16xf32>
        %mul3A_528 = arith.mulf %get3A_521, %mul3A_527 : vector<16xf32>
        %add3A_529 = arith.addf %mul3A_528, %get3A_525 : vector<16xf32>
        %swap3A_530 = arith.index_cast %scan3A_158 : i32 to index
        %swap3A_531 = arith.constant 400 : index
        %swap3A_532 = tpu.vector_load %arg7[%swap3A_530, %swap3A_531] {strides = array<i32>} : memref<16x1024xf32, #tpu.memory_space<vmem>>, vector<16xf32>,
        tpu.vector_store %arg7[%swap3A_530, %swap3A_531], %add3A_529 {strides = array<i32>} : memref<16x1024xf32, #tpu.memory_space<vmem>>, vector<16xf32>,
        %get3A_533 = arith.index_cast %scan3A_158 : i32 to index
        %get3A_534 = arith.constant 416 : index
        %get3A_535 = tpu.vector_load %arg7[%get3A_533, %get3A_534] {strides = array<i32>} : memref<16x1024xf32, #tpu.memory_space<vmem>>, vector<16xf32>,
        %add3A_536 = arith.constant 416 : i32
        %add3A_537 = arith.addi %mul3A_169, %add3A_536 : i32
        %get3A_538 = arith.index_cast %add3A_537 : i32 to index
        %get3A_539 = tpu.vector_load %arg9[%get3A_538] {strides = array<i32>} : memref<33792xf32, #tpu.memory_space<vmem>>, vector<16xf32>,
        %mul3A_540 = arith.constant 3.200000e+01 : f32
        %mul3A_541 = vector.broadcast %mul3A_540 : f32 to vector<16xf32>
        %mul3A_542 = arith.mulf %get3A_535, %mul3A_541 : vector<16xf32>
        %add3A_543 = arith.addf %mul3A_542, %get3A_539 : vector<16xf32>
        %swap3A_544 = arith.index_cast %scan3A_158 : i32 to index
        %swap3A_545 = arith.constant 416 : index
        %swap3A_546 = tpu.vector_load %arg7[%swap3A_544, %swap3A_545] {strides = array<i32>} : memref<16x1024xf32, #tpu.memory_space<vmem>>, vector<16xf32>,
        tpu.vector_store %arg7[%swap3A_544, %swap3A_545], %add3A_543 {strides = array<i32>} : memref<16x1024xf32, #tpu.memory_space<vmem>>, vector<16xf32>,
        %get3A_547 = arith.index_cast %scan3A_158 : i32 to index
        %get3A_548 = arith.constant 432 : index
        %get3A_549 = tpu.vector_load %arg7[%get3A_547, %get3A_548] {strides = array<i32>} : memref<16x1024xf32, #tpu.memory_space<vmem>>, vector<16xf32>,
        %add3A_550 = arith.constant 432 : i32
        %add3A_551 = arith.addi %mul3A_169, %add3A_550 : i32
        %get3A_552 = arith.index_cast %add3A_551 : i32 to index
        %get3A_553 = tpu.vector_load %arg9[%get3A_552] {strides = array<i32>} : memref<33792xf32, #tpu.memory_space<vmem>>, vector<16xf32>,
        %mul3A_554 = arith.constant 3.200000e+01 : f32
        %mul3A_555 = vector.broadcast %mul3A_554 : f32 to vector<16xf32>
        %mul3A_556 = arith.mulf %get3A_549, %mul3A_555 : vector<16xf32>
        %add3A_557 = arith.addf %mul3A_556, %get3A_553 : vector<16xf32>
        %swap3A_558 = arith.index_cast %scan3A_158 : i32 to index
        %swap3A_559 = arith.constant 432 : index
        %swap3A_560 = tpu.vector_load %arg7[%swap3A_558, %swap3A_559] {strides = array<i32>} : memref<16x1024xf32, #tpu.memory_space<vmem>>, vector<16xf32>,
        tpu.vector_store %arg7[%swap3A_558, %swap3A_559], %add3A_557 {strides = array<i32>} : memref<16x1024xf32, #tpu.memory_space<vmem>>, vector<16xf32>,
        %get3A_561 = arith.index_cast %scan3A_158 : i32 to index
        %get3A_562 = arith.constant 448 : index
        %get3A_563 = tpu.vector_load %arg7[%get3A_561, %get3A_562] {strides = array<i32>} : memref<16x1024xf32, #tpu.memory_space<vmem>>, vector<16xf32>,
        %add3A_564 = arith.constant 448 : i32
        %add3A_565 = arith.addi %mul3A_169, %add3A_564 : i32
        %get3A_566 = arith.index_cast %add3A_565 : i32 to index
        %get3A_567 = tpu.vector_load %arg9[%get3A_566] {strides = array<i32>} : memref<33792xf32, #tpu.memory_space<vmem>>, vector<16xf32>,
        %mul3A_568 = arith.constant 3.200000e+01 : f32
        %mul3A_569 = vector.broadcast %mul3A_568 : f32 to vector<16xf32>
        %mul3A_570 = arith.mulf %get3A_563, %mul3A_569 : vector<16xf32>
        %add3A_571 = arith.addf %mul3A_570, %get3A_567 : vector<16xf32>
        %swap3A_572 = arith.index_cast %scan3A_158 : i32 to index
        %swap3A_573 = arith.constant 448 : index
        %swap3A_574 = tpu.vector_load %arg7[%swap3A_572, %swap3A_573] {strides = array<i32>} : memref<16x1024xf32, #tpu.memory_space<vmem>>, vector<16xf32>,
        tpu.vector_store %arg7[%swap3A_572, %swap3A_573], %add3A_571 {strides = array<i32>} : memref<16x1024xf32, #tpu.memory_space<vmem>>, vector<16xf32>,
        %get3A_575 = arith.index_cast %scan3A_158 : i32 to index
        %get3A_576 = arith.constant 464 : index
        %get3A_577 = tpu.vector_load %arg7[%get3A_575, %get3A_576] {strides = array<i32>} : memref<16x1024xf32, #tpu.memory_space<vmem>>, vector<16xf32>,
        %add3A_578 = arith.constant 464 : i32
        %add3A_579 = arith.addi %mul3A_169, %add3A_578 : i32
        %get3A_580 = arith.index_cast %add3A_579 : i32 to index
        %get3A_581 = tpu.vector_load %arg9[%get3A_580] {strides = array<i32>} : memref<33792xf32, #tpu.memory_space<vmem>>, vector<16xf32>,
        %mul3A_582 = arith.constant 3.200000e+01 : f32
        %mul3A_583 = vector.broadcast %mul3A_582 : f32 to vector<16xf32>
        %mul3A_584 = arith.mulf %get3A_577, %mul3A_583 : vector<16xf32>
        %add3A_585 = arith.addf %mul3A_584, %get3A_581 : vector<16xf32>
        %swap3A_586 = arith.index_cast %scan3A_158 : i32 to index
        %swap3A_587 = arith.constant 464 : index
        %swap3A_588 = tpu.vector_load %arg7[%swap3A_586, %swap3A_587] {strides = array<i32>} : memref<16x1024xf32, #tpu.memory_space<vmem>>, vector<16xf32>,
        tpu.vector_store %arg7[%swap3A_586, %swap3A_587], %add3A_585 {strides = array<i32>} : memref<16x1024xf32, #tpu.memory_space<vmem>>, vector<16xf32>,
        %get3A_589 = arith.index_cast %scan3A_158 : i32 to index
        %get3A_590 = arith.constant 480 : index
        %get3A_591 = tpu.vector_load %arg7[%get3A_589, %get3A_590] {strides = array<i32>} : memref<16x1024xf32, #tpu.memory_space<vmem>>, vector<16xf32>,
        %add3A_592 = arith.constant 480 : i32
        %add3A_593 = arith.addi %mul3A_169, %add3A_592 : i32
        %get3A_594 = arith.index_cast %add3A_593 : i32 to index
        %get3A_595 = tpu.vector_load %arg9[%get3A_594] {strides = array<i32>} : memref<33792xf32, #tpu.memory_space<vmem>>, vector<16xf32>,
        %mul3A_596 = arith.constant 3.200000e+01 : f32
        %mul3A_597 = vector.broadcast %mul3A_596 : f32 to vector<16xf32>
        %mul3A_598 = arith.mulf %get3A_591, %mul3A_597 : vector<16xf32>
        %add3A_599 = arith.addf %mul3A_598, %get3A_595 : vector<16xf32>
        %swap3A_600 = arith.index_cast %scan3A_158 : i32 to index
        %swap3A_601 = arith.constant 480 : index
        %swap3A_602 = tpu.vector_load %arg7[%swap3A_600, %swap3A_601] {strides = array<i32>} : memref<16x1024xf32, #tpu.memory_space<vmem>>, vector<16xf32>,
        tpu.vector_store %arg7[%swap3A_600, %swap3A_601], %add3A_599 {strides = array<i32>} : memref<16x1024xf32, #tpu.memory_space<vmem>>, vector<16xf32>,
        %get3A_603 = arith.index_cast %scan3A_158 : i32 to index
        %get3A_604 = arith.constant 496 : index
        %get3A_605 = tpu.vector_load %arg7[%get3A_603, %get3A_604] {strides = array<i32>} : memref<16x1024xf32, #tpu.memory_space<vmem>>, vector<16xf32>,
        %add3A_606 = arith.constant 496 : i32
        %add3A_607 = arith.addi %mul3A_169, %add3A_606 : i32
        %get3A_608 = arith.index_cast %add3A_607 : i32 to index
        %get3A_609 = tpu.vector_load %arg9[%get3A_608] {strides = array<i32>} : memref<33792xf32, #tpu.memory_space<vmem>>, vector<16xf32>,
        %mul3A_610 = arith.constant 3.200000e+01 : f32
        %mul3A_611 = vector.broadcast %mul3A_610 : f32 to vector<16xf32>
        %mul3A_612 = arith.mulf %get3A_605, %mul3A_611 : vector<16xf32>
        %add3A_613 = arith.addf %mul3A_612, %get3A_609 : vector<16xf32>
        %swap3A_614 = arith.index_cast %scan3A_158 : i32 to index
        %swap3A_615 = arith.constant 496 : index
        %swap3A_616 = tpu.vector_load %arg7[%swap3A_614, %swap3A_615] {strides = array<i32>} : memref<16x1024xf32, #tpu.memory_space<vmem>>, vector<16xf32>,
        tpu.vector_store %arg7[%swap3A_614, %swap3A_615], %add3A_613 {strides = array<i32>} : memref<16x1024xf32, #tpu.memory_space<vmem>>, vector<16xf32>,
        %get3A_617 = arith.index_cast %scan3A_158 : i32 to index
        %get3A_618 = arith.constant 512 : index
        %get3A_619 = tpu.vector_load %arg7[%get3A_617, %get3A_618] {strides = array<i32>} : memref<16x1024xf32, #tpu.memory_space<vmem>>, vector<16xf32>,
        %add3A_620 = arith.constant 512 : i32
        %add3A_621 = arith.addi %mul3A_169, %add3A_620 : i32
        %get3A_622 = arith.index_cast %add3A_621 : i32 to index
        %get3A_623 = tpu.vector_load %arg9[%get3A_622] {strides = array<i32>} : memref<33792xf32, #tpu.memory_space<vmem>>, vector<16xf32>,
        %mul3A_624 = arith.constant 3.200000e+01 : f32
        %mul3A_625 = vector.broadcast %mul3A_624 : f32 to vector<16xf32>
        %mul3A_626 = arith.mulf %get3A_619, %mul3A_625 : vector<16xf32>
        %add3A_627 = arith.addf %mul3A_626, %get3A_623 : vector<16xf32>
        %swap3A_628 = arith.index_cast %scan3A_158 : i32 to index
        %swap3A_629 = arith.constant 512 : index
        %swap3A_630 = tpu.vector_load %arg7[%swap3A_628, %swap3A_629] {strides = array<i32>} : memref<16x1024xf32, #tpu.memory_space<vmem>>, vector<16xf32>,
        tpu.vector_store %arg7[%swap3A_628, %swap3A_629], %add3A_627 {strides = array<i32>} : memref<16x1024xf32, #tpu.memory_space<vmem>>, vector<16xf32>,
        %get3A_631 = arith.index_cast %scan3A_158 : i32 to index
        %get3A_632 = arith.constant 528 : index
        %get3A_633 = tpu.vector_load %arg7[%get3A_631, %get3A_632] {strides = array<i32>} : memref<16x1024xf32, #tpu.memory_space<vmem>>, vector<16xf32>,
        %add3A_634 = arith.constant 528 : i32
        %add3A_635 = arith.addi %mul3A_169, %add3A_634 : i32
        %get3A_636 = arith.index_cast %add3A_635 : i32 to index
        %get3A_637 = tpu.vector_load %arg9[%get3A_636] {strides = array<i32>} : memref<33792xf32, #tpu.memory_space<vmem>>, vector<16xf32>,
        %mul3A_638 = arith.constant 3.200000e+01 : f32
        %mul3A_639 = vector.broadcast %mul3A_638 : f32 to vector<16xf32>
        %mul3A_640 = arith.mulf %get3A_633, %mul3A_639 : vector<16xf32>
        %add3A_641 = arith.addf %mul3A_640, %get3A_637 : vector<16xf32>
        %swap3A_642 = arith.index_cast %scan3A_158 : i32 to index
        %swap3A_643 = arith.constant 528 : index
        %swap3A_644 = tpu.vector_load %arg7[%swap3A_642, %swap3A_643] {strides = array<i32>} : memref<16x1024xf32, #tpu.memory_space<vmem>>, vector<16xf32>,
        tpu.vector_store %arg7[%swap3A_642, %swap3A_643], %add3A_641 {strides = array<i32>} : memref<16x1024xf32, #tpu.memory_space<vmem>>, vector<16xf32>,
        %get3A_645 = arith.index_cast %scan3A_158 : i32 to index
        %get3A_646 = arith.constant 544 : index
        %get3A_647 = tpu.vector_load %arg7[%get3A_645, %get3A_646] {strides = array<i32>} : memref<16x1024xf32, #tpu.memory_space<vmem>>, vector<16xf32>,
        %add3A_648 = arith.constant 544 : i32
        %add3A_649 = arith.addi %mul3A_169, %add3A_648 : i32
        %get3A_650 = arith.index_cast %add3A_649 : i32 to index
        %get3A_651 = tpu.vector_load %arg9[%get3A_650] {strides = array<i32>} : memref<33792xf32, #tpu.memory_space<vmem>>, vector<16xf32>,
        %mul3A_652 = arith.constant 3.200000e+01 : f32
        %mul3A_653 = vector.broadcast %mul3A_652 : f32 to vector<16xf32>
        %mul3A_654 = arith.mulf %get3A_647, %mul3A_653 : vector<16xf32>
        %add3A_655 = arith.addf %mul3A_654, %get3A_651 : vector<16xf32>
        %swap3A_656 = arith.index_cast %scan3A_158 : i32 to index
        %swap3A_657 = arith.constant 544 : index
        %swap3A_658 = tpu.vector_load %arg7[%swap3A_656, %swap3A_657] {strides = array<i32>} : memref<16x1024xf32, #tpu.memory_space<vmem>>, vector<16xf32>,
        tpu.vector_store %arg7[%swap3A_656, %swap3A_657], %add3A_655 {strides = array<i32>} : memref<16x1024xf32, #tpu.memory_space<vmem>>, vector<16xf32>,
        %get3A_659 = arith.index_cast %scan3A_158 : i32 to index
        %get3A_660 = arith.constant 560 : index
        %get3A_661 = tpu.vector_load %arg7[%get3A_659, %get3A_660] {strides = array<i32>} : memref<16x1024xf32, #tpu.memory_space<vmem>>, vector<16xf32>,
        %add3A_662 = arith.constant 560 : i32
        %add3A_663 = arith.addi %mul3A_169, %add3A_662 : i32
        %get3A_664 = arith.index_cast %add3A_663 : i32 to index
        %get3A_665 = tpu.vector_load %arg9[%get3A_664] {strides = array<i32>} : memref<33792xf32, #tpu.memory_space<vmem>>, vector<16xf32>,
        %mul3A_666 = arith.constant 3.200000e+01 : f32
        %mul3A_667 = vector.broadcast %mul3A_666 : f32 to vector<16xf32>
        %mul3A_668 = arith.mulf %get3A_661, %mul3A_667 : vector<16xf32>
        %add3A_669 = arith.addf %mul3A_668, %get3A_665 : vector<16xf32>
        %swap3A_670 = arith.index_cast %scan3A_158 : i32 to index
        %swap3A_671 = arith.constant 560 : index
        %swap3A_672 = tpu.vector_load %arg7[%swap3A_670, %swap3A_671] {strides = array<i32>} : memref<16x1024xf32, #tpu.memory_space<vmem>>, vector<16xf32>,
        tpu.vector_store %arg7[%swap3A_670, %swap3A_671], %add3A_669 {strides = array<i32>} : memref<16x1024xf32, #tpu.memory_space<vmem>>, vector<16xf32>,
        %get3A_673 = arith.index_cast %scan3A_158 : i32 to index
        %get3A_674 = arith.constant 576 : index
        %get3A_675 = tpu.vector_load %arg7[%get3A_673, %get3A_674] {strides = array<i32>} : memref<16x1024xf32, #tpu.memory_space<vmem>>, vector<16xf32>,
        %add3A_676 = arith.constant 576 : i32
        %add3A_677 = arith.addi %mul3A_169, %add3A_676 : i32
        %get3A_678 = arith.index_cast %add3A_677 : i32 to index
        %get3A_679 = tpu.vector_load %arg9[%get3A_678] {strides = array<i32>} : memref<33792xf32, #tpu.memory_space<vmem>>, vector<16xf32>,
        %mul3A_680 = arith.constant 3.200000e+01 : f32
        %mul3A_681 = vector.broadcast %mul3A_680 : f32 to vector<16xf32>
        %mul3A_682 = arith.mulf %get3A_675, %mul3A_681 : vector<16xf32>
        %add3A_683 = arith.addf %mul3A_682, %get3A_679 : vector<16xf32>
        %swap3A_684 = arith.index_cast %scan3A_158 : i32 to index
        %swap3A_685 = arith.constant 576 : index
        %swap3A_686 = tpu.vector_load %arg7[%swap3A_684, %swap3A_685] {strides = array<i32>} : memref<16x1024xf32, #tpu.memory_space<vmem>>, vector<16xf32>,
        tpu.vector_store %arg7[%swap3A_684, %swap3A_685], %add3A_683 {strides = array<i32>} : memref<16x1024xf32, #tpu.memory_space<vmem>>, vector<16xf32>,
        %get3A_687 = arith.index_cast %scan3A_158 : i32 to index
        %get3A_688 = arith.constant 592 : index
        %get3A_689 = tpu.vector_load %arg7[%get3A_687, %get3A_688] {strides = array<i32>} : memref<16x1024xf32, #tpu.memory_space<vmem>>, vector<16xf32>,
        %add3A_690 = arith.constant 592 : i32
        %add3A_691 = arith.addi %mul3A_169, %add3A_690 : i32
        %get3A_692 = arith.index_cast %add3A_691 : i32 to index
        %get3A_693 = tpu.vector_load %arg9[%get3A_692] {strides = array<i32>} : memref<33792xf32, #tpu.memory_space<vmem>>, vector<16xf32>,
        %mul3A_694 = arith.constant 3.200000e+01 : f32
        %mul3A_695 = vector.broadcast %mul3A_694 : f32 to vector<16xf32>
        %mul3A_696 = arith.mulf %get3A_689, %mul3A_695 : vector<16xf32>
        %add3A_697 = arith.addf %mul3A_696, %get3A_693 : vector<16xf32>
        %swap3A_698 = arith.index_cast %scan3A_158 : i32 to index
        %swap3A_699 = arith.constant 592 : index
        %swap3A_700 = tpu.vector_load %arg7[%swap3A_698, %swap3A_699] {strides = array<i32>} : memref<16x1024xf32, #tpu.memory_space<vmem>>, vector<16xf32>,
        tpu.vector_store %arg7[%swap3A_698, %swap3A_699], %add3A_697 {strides = array<i32>} : memref<16x1024xf32, #tpu.memory_space<vmem>>, vector<16xf32>,
        %get3A_701 = arith.index_cast %scan3A_158 : i32 to index
        %get3A_702 = arith.constant 608 : index
        %get3A_703 = tpu.vector_load %arg7[%get3A_701, %get3A_702] {strides = array<i32>} : memref<16x1024xf32, #tpu.memory_space<vmem>>, vector<16xf32>,
        %add3A_704 = arith.constant 608 : i32
        %add3A_705 = arith.addi %mul3A_169, %add3A_704 : i32
        %get3A_706 = arith.index_cast %add3A_705 : i32 to index
        %get3A_707 = tpu.vector_load %arg9[%get3A_706] {strides = array<i32>} : memref<33792xf32, #tpu.memory_space<vmem>>, vector<16xf32>,
        %mul3A_708 = arith.constant 3.200000e+01 : f32
        %mul3A_709 = vector.broadcast %mul3A_708 : f32 to vector<16xf32>
        %mul3A_710 = arith.mulf %get3A_703, %mul3A_709 : vector<16xf32>
        %add3A_711 = arith.addf %mul3A_710, %get3A_707 : vector<16xf32>
        %swap3A_712 = arith.index_cast %scan3A_158 : i32 to index
        %swap3A_713 = arith.constant 608 : index
        %swap3A_714 = tpu.vector_load %arg7[%swap3A_712, %swap3A_713] {strides = array<i32>} : memref<16x1024xf32, #tpu.memory_space<vmem>>, vector<16xf32>,
        tpu.vector_store %arg7[%swap3A_712, %swap3A_713], %add3A_711 {strides = array<i32>} : memref<16x1024xf32, #tpu.memory_space<vmem>>, vector<16xf32>,
        %get3A_715 = arith.index_cast %scan3A_158 : i32 to index
        %get3A_716 = arith.constant 624 : index
        %get3A_717 = tpu.vector_load %arg7[%get3A_715, %get3A_716] {strides = array<i32>} : memref<16x1024xf32, #tpu.memory_space<vmem>>, vector<16xf32>,
        %add3A_718 = arith.constant 624 : i32
        %add3A_719 = arith.addi %mul3A_169, %add3A_718 : i32
        %get3A_720 = arith.index_cast %add3A_719 : i32 to index
        %get3A_721 = tpu.vector_load %arg9[%get3A_720] {strides = array<i32>} : memref<33792xf32, #tpu.memory_space<vmem>>, vector<16xf32>,
        %mul3A_722 = arith.constant 3.200000e+01 : f32
        %mul3A_723 = vector.broadcast %mul3A_722 : f32 to vector<16xf32>
        %mul3A_724 = arith.mulf %get3A_717, %mul3A_723 : vector<16xf32>
        %add3A_725 = arith.addf %mul3A_724, %get3A_721 : vector<16xf32>
        %swap3A_726 = arith.index_cast %scan3A_158 : i32 to index
        %swap3A_727 = arith.constant 624 : index
        %swap3A_728 = tpu.vector_load %arg7[%swap3A_726, %swap3A_727] {strides = array<i32>} : memref<16x1024xf32, #tpu.memory_space<vmem>>, vector<16xf32>,
        tpu.vector_store %arg7[%swap3A_726, %swap3A_727], %add3A_725 {strides = array<i32>} : memref<16x1024xf32, #tpu.memory_space<vmem>>, vector<16xf32>,
        %get3A_729 = arith.index_cast %scan3A_158 : i32 to index
        %get3A_730 = arith.constant 640 : index
        %get3A_731 = tpu.vector_load %arg7[%get3A_729, %get3A_730] {strides = array<i32>} : memref<16x1024xf32, #tpu.memory_space<vmem>>, vector<16xf32>,
        %add3A_732 = arith.constant 640 : i32
        %add3A_733 = arith.addi %mul3A_169, %add3A_732 : i32
        %get3A_734 = arith.index_cast %add3A_733 : i32 to index
        %get3A_735 = tpu.vector_load %arg9[%get3A_734] {strides = array<i32>} : memref<33792xf32, #tpu.memory_space<vmem>>, vector<16xf32>,
        %mul3A_736 = arith.constant 3.200000e+01 : f32
        %mul3A_737 = vector.broadcast %mul3A_736 : f32 to vector<16xf32>
        %mul3A_738 = arith.mulf %get3A_731, %mul3A_737 : vector<16xf32>
        %add3A_739 = arith.addf %mul3A_738, %get3A_735 : vector<16xf32>
        %swap3A_740 = arith.index_cast %scan3A_158 : i32 to index
        %swap3A_741 = arith.constant 640 : index
        %swap3A_742 = tpu.vector_load %arg7[%swap3A_740, %swap3A_741] {strides = array<i32>} : memref<16x1024xf32, #tpu.memory_space<vmem>>, vector<16xf32>,
        tpu.vector_store %arg7[%swap3A_740, %swap3A_741], %add3A_739 {strides = array<i32>} : memref<16x1024xf32, #tpu.memory_space<vmem>>, vector<16xf32>,
        %get3A_743 = arith.index_cast %scan3A_158 : i32 to index
        %get3A_744 = arith.constant 656 : index
        %get3A_745 = tpu.vector_load %arg7[%get3A_743, %get3A_744] {strides = array<i32>} : memref<16x1024xf32, #tpu.memory_space<vmem>>, vector<16xf32>,
        %add3A_746 = arith.constant 656 : i32
        %add3A_747 = arith.addi %mul3A_169, %add3A_746 : i32
        %get3A_748 = arith.index_cast %add3A_747 : i32 to index
        %get3A_749 = tpu.vector_load %arg9[%get3A_748] {strides = array<i32>} : memref<33792xf32, #tpu.memory_space<vmem>>, vector<16xf32>,
        %mul3A_750 = arith.constant 3.200000e+01 : f32
        %mul3A_751 = vector.broadcast %mul3A_750 : f32 to vector<16xf32>
        %mul3A_752 = arith.mulf %get3A_745, %mul3A_751 : vector<16xf32>
        %add3A_753 = arith.addf %mul3A_752, %get3A_749 : vector<16xf32>
        %swap3A_754 = arith.index_cast %scan3A_158 : i32 to index
        %swap3A_755 = arith.constant 656 : index
        %swap3A_756 = tpu.vector_load %arg7[%swap3A_754, %swap3A_755] {strides = array<i32>} : memref<16x1024xf32, #tpu.memory_space<vmem>>, vector<16xf32>,
        tpu.vector_store %arg7[%swap3A_754, %swap3A_755], %add3A_753 {strides = array<i32>} : memref<16x1024xf32, #tpu.memory_space<vmem>>, vector<16xf32>,
        %get3A_757 = arith.index_cast %scan3A_158 : i32 to index
        %get3A_758 = arith.constant 672 : index
        %get3A_759 = tpu.vector_load %arg7[%get3A_757, %get3A_758] {strides = array<i32>} : memref<16x1024xf32, #tpu.memory_space<vmem>>, vector<16xf32>,
        %add3A_760 = arith.constant 672 : i32
        %add3A_761 = arith.addi %mul3A_169, %add3A_760 : i32
        %get3A_762 = arith.index_cast %add3A_761 : i32 to index
        %get3A_763 = tpu.vector_load %arg9[%get3A_762] {strides = array<i32>} : memref<33792xf32, #tpu.memory_space<vmem>>, vector<16xf32>,
        %mul3A_764 = arith.constant 3.200000e+01 : f32
        %mul3A_765 = vector.broadcast %mul3A_764 : f32 to vector<16xf32>
        %mul3A_766 = arith.mulf %get3A_759, %mul3A_765 : vector<16xf32>
        %add3A_767 = arith.addf %mul3A_766, %get3A_763 : vector<16xf32>
        %swap3A_768 = arith.index_cast %scan3A_158 : i32 to index
        %swap3A_769 = arith.constant 672 : index
        %swap3A_770 = tpu.vector_load %arg7[%swap3A_768, %swap3A_769] {strides = array<i32>} : memref<16x1024xf32, #tpu.memory_space<vmem>>, vector<16xf32>,
        tpu.vector_store %arg7[%swap3A_768, %swap3A_769], %add3A_767 {strides = array<i32>} : memref<16x1024xf32, #tpu.memory_space<vmem>>, vector<16xf32>,
        %get3A_771 = arith.index_cast %scan3A_158 : i32 to index
        %get3A_772 = arith.constant 688 : index
        %get3A_773 = tpu.vector_load %arg7[%get3A_771, %get3A_772] {strides = array<i32>} : memref<16x1024xf32, #tpu.memory_space<vmem>>, vector<16xf32>,
        %add3A_774 = arith.constant 688 : i32
        %add3A_775 = arith.addi %mul3A_169, %add3A_774 : i32
        %get3A_776 = arith.index_cast %add3A_775 : i32 to index
        %get3A_777 = tpu.vector_load %arg9[%get3A_776] {strides = array<i32>} : memref<33792xf32, #tpu.memory_space<vmem>>, vector<16xf32>,
        %mul3A_778 = arith.constant 3.200000e+01 : f32
        %mul3A_779 = vector.broadcast %mul3A_778 : f32 to vector<16xf32>
        %mul3A_780 = arith.mulf %get3A_773, %mul3A_779 : vector<16xf32>
        %add3A_781 = arith.addf %mul3A_780, %get3A_777 : vector<16xf32>
        %swap3A_782 = arith.index_cast %scan3A_158 : i32 to index
        %swap3A_783 = arith.constant 688 : index
        %swap3A_784 = tpu.vector_load %arg7[%swap3A_782, %swap3A_783] {strides = array<i32>} : memref<16x1024xf32, #tpu.memory_space<vmem>>, vector<16xf32>,
        tpu.vector_store %arg7[%swap3A_782, %swap3A_783], %add3A_781 {strides = array<i32>} : memref<16x1024xf32, #tpu.memory_space<vmem>>, vector<16xf32>,
        %get3A_785 = arith.index_cast %scan3A_158 : i32 to index
        %get3A_786 = arith.constant 704 : index
        %get3A_787 = tpu.vector_load %arg7[%get3A_785, %get3A_786] {strides = array<i32>} : memref<16x1024xf32, #tpu.memory_space<vmem>>, vector<16xf32>,
        %add3A_788 = arith.constant 704 : i32
        %add3A_789 = arith.addi %mul3A_169, %add3A_788 : i32
        %get3A_790 = arith.index_cast %add3A_789 : i32 to index
        %get3A_791 = tpu.vector_load %arg9[%get3A_790] {strides = array<i32>} : memref<33792xf32, #tpu.memory_space<vmem>>, vector<16xf32>,
        %mul3A_792 = arith.constant 3.200000e+01 : f32
        %mul3A_793 = vector.broadcast %mul3A_792 : f32 to vector<16xf32>
        %mul3A_794 = arith.mulf %get3A_787, %mul3A_793 : vector<16xf32>
        %add3A_795 = arith.addf %mul3A_794, %get3A_791 : vector<16xf32>
        %swap3A_796 = arith.index_cast %scan3A_158 : i32 to index
        %swap3A_797 = arith.constant 704 : index
        %swap3A_798 = tpu.vector_load %arg7[%swap3A_796, %swap3A_797] {strides = array<i32>} : memref<16x1024xf32, #tpu.memory_space<vmem>>, vector<16xf32>,
        tpu.vector_store %arg7[%swap3A_796, %swap3A_797], %add3A_795 {strides = array<i32>} : memref<16x1024xf32, #tpu.memory_space<vmem>>, vector<16xf32>,
        %get3A_799 = arith.index_cast %scan3A_158 : i32 to index
        %get3A_800 = arith.constant 720 : index
        %get3A_801 = tpu.vector_load %arg7[%get3A_799, %get3A_800] {strides = array<i32>} : memref<16x1024xf32, #tpu.memory_space<vmem>>, vector<16xf32>,
        %add3A_802 = arith.constant 720 : i32
        %add3A_803 = arith.addi %mul3A_169, %add3A_802 : i32
        %get3A_804 = arith.index_cast %add3A_803 : i32 to index
        %get3A_805 = tpu.vector_load %arg9[%get3A_804] {strides = array<i32>} : memref<33792xf32, #tpu.memory_space<vmem>>, vector<16xf32>,
        %mul3A_806 = arith.constant 3.200000e+01 : f32
        %mul3A_807 = vector.broadcast %mul3A_806 : f32 to vector<16xf32>
        %mul3A_808 = arith.mulf %get3A_801, %mul3A_807 : vector<16xf32>
        %add3A_809 = arith.addf %mul3A_808, %get3A_805 : vector<16xf32>
        %swap3A_810 = arith.index_cast %scan3A_158 : i32 to index
        %swap3A_811 = arith.constant 720 : index
        %swap3A_812 = tpu.vector_load %arg7[%swap3A_810, %swap3A_811] {strides = array<i32>} : memref<16x1024xf32, #tpu.memory_space<vmem>>, vector<16xf32>,
        tpu.vector_store %arg7[%swap3A_810, %swap3A_811], %add3A_809 {strides = array<i32>} : memref<16x1024xf32, #tpu.memory_space<vmem>>, vector<16xf32>,
        %get3A_813 = arith.index_cast %scan3A_158 : i32 to index
        %get3A_814 = arith.constant 736 : index
        %get3A_815 = tpu.vector_load %arg7[%get3A_813, %get3A_814] {strides = array<i32>} : memref<16x1024xf32, #tpu.memory_space<vmem>>, vector<16xf32>,
        %add3A_816 = arith.constant 736 : i32
        %add3A_817 = arith.addi %mul3A_169, %add3A_816 : i32
        %get3A_818 = arith.index_cast %add3A_817 : i32 to index
        %get3A_819 = tpu.vector_load %arg9[%get3A_818] {strides = array<i32>} : memref<33792xf32, #tpu.memory_space<vmem>>, vector<16xf32>,
        %mul3A_820 = arith.constant 3.200000e+01 : f32
        %mul3A_821 = vector.broadcast %mul3A_820 : f32 to vector<16xf32>
        %mul3A_822 = arith.mulf %get3A_815, %mul3A_821 : vector<16xf32>
        %add3A_823 = arith.addf %mul3A_822, %get3A_819 : vector<16xf32>
        %swap3A_824 = arith.index_cast %scan3A_158 : i32 to index
        %swap3A_825 = arith.constant 736 : index
        %swap3A_826 = tpu.vector_load %arg7[%swap3A_824, %swap3A_825] {strides = array<i32>} : memref<16x1024xf32, #tpu.memory_space<vmem>>, vector<16xf32>,
        tpu.vector_store %arg7[%swap3A_824, %swap3A_825], %add3A_823 {strides = array<i32>} : memref<16x1024xf32, #tpu.memory_space<vmem>>, vector<16xf32>,
        %get3A_827 = arith.index_cast %scan3A_158 : i32 to index
        %get3A_828 = arith.constant 752 : index
        %get3A_829 = tpu.vector_load %arg7[%get3A_827, %get3A_828] {strides = array<i32>} : memref<16x1024xf32, #tpu.memory_space<vmem>>, vector<16xf32>,
        %add3A_830 = arith.constant 752 : i32
        %add3A_831 = arith.addi %mul3A_169, %add3A_830 : i32
        %get3A_832 = arith.index_cast %add3A_831 : i32 to index
        %get3A_833 = tpu.vector_load %arg9[%get3A_832] {strides = array<i32>} : memref<33792xf32, #tpu.memory_space<vmem>>, vector<16xf32>,
        %mul3A_834 = arith.constant 3.200000e+01 : f32
        %mul3A_835 = vector.broadcast %mul3A_834 : f32 to vector<16xf32>
        %mul3A_836 = arith.mulf %get3A_829, %mul3A_835 : vector<16xf32>
        %add3A_837 = arith.addf %mul3A_836, %get3A_833 : vector<16xf32>
        %swap3A_838 = arith.index_cast %scan3A_158 : i32 to index
        %swap3A_839 = arith.constant 752 : index
        %swap3A_840 = tpu.vector_load %arg7[%swap3A_838, %swap3A_839] {strides = array<i32>} : memref<16x1024xf32, #tpu.memory_space<vmem>>, vector<16xf32>,
        tpu.vector_store %arg7[%swap3A_838, %swap3A_839], %add3A_837 {strides = array<i32>} : memref<16x1024xf32, #tpu.memory_space<vmem>>, vector<16xf32>,
        %get3A_841 = arith.index_cast %scan3A_158 : i32 to index
        %get3A_842 = arith.constant 768 : index
        %get3A_843 = tpu.vector_load %arg7[%get3A_841, %get3A_842] {strides = array<i32>} : memref<16x1024xf32, #tpu.memory_space<vmem>>, vector<16xf32>,
        %add3A_844 = arith.constant 768 : i32
        %add3A_845 = arith.addi %mul3A_169, %add3A_844 : i32
        %get3A_846 = arith.index_cast %add3A_845 : i32 to index
        %get3A_847 = tpu.vector_load %arg9[%get3A_846] {strides = array<i32>} : memref<33792xf32, #tpu.memory_space<vmem>>, vector<16xf32>,
        %mul3A_848 = arith.constant 3.200000e+01 : f32
        %mul3A_849 = vector.broadcast %mul3A_848 : f32 to vector<16xf32>
        %mul3A_850 = arith.mulf %get3A_843, %mul3A_849 : vector<16xf32>
        %add3A_851 = arith.addf %mul3A_850, %get3A_847 : vector<16xf32>
        %swap3A_852 = arith.index_cast %scan3A_158 : i32 to index
        %swap3A_853 = arith.constant 768 : index
        %swap3A_854 = tpu.vector_load %arg7[%swap3A_852, %swap3A_853] {strides = array<i32>} : memref<16x1024xf32, #tpu.memory_space<vmem>>, vector<16xf32>,
        tpu.vector_store %arg7[%swap3A_852, %swap3A_853], %add3A_851 {strides = array<i32>} : memref<16x1024xf32, #tpu.memory_space<vmem>>, vector<16xf32>,
        %get3A_855 = arith.index_cast %scan3A_158 : i32 to index
        %get3A_856 = arith.constant 784 : index
        %get3A_857 = tpu.vector_load %arg7[%get3A_855, %get3A_856] {strides = array<i32>} : memref<16x1024xf32, #tpu.memory_space<vmem>>, vector<16xf32>,
        %add3A_858 = arith.constant 784 : i32
        %add3A_859 = arith.addi %mul3A_169, %add3A_858 : i32
        %get3A_860 = arith.index_cast %add3A_859 : i32 to index
        %get3A_861 = tpu.vector_load %arg9[%get3A_860] {strides = array<i32>} : memref<33792xf32, #tpu.memory_space<vmem>>, vector<16xf32>,
        %mul3A_862 = arith.constant 3.200000e+01 : f32
        %mul3A_863 = vector.broadcast %mul3A_862 : f32 to vector<16xf32>
        %mul3A_864 = arith.mulf %get3A_857, %mul3A_863 : vector<16xf32>
        %add3A_865 = arith.addf %mul3A_864, %get3A_861 : vector<16xf32>
        %swap3A_866 = arith.index_cast %scan3A_158 : i32 to index
        %swap3A_867 = arith.constant 784 : index
        %swap3A_868 = tpu.vector_load %arg7[%swap3A_866, %swap3A_867] {strides = array<i32>} : memref<16x1024xf32, #tpu.memory_space<vmem>>, vector<16xf32>,
        tpu.vector_store %arg7[%swap3A_866, %swap3A_867], %add3A_865 {strides = array<i32>} : memref<16x1024xf32, #tpu.memory_space<vmem>>, vector<16xf32>,
        %get3A_869 = arith.index_cast %scan3A_158 : i32 to index
        %get3A_870 = arith.constant 800 : index
        %get3A_871 = tpu.vector_load %arg7[%get3A_869, %get3A_870] {strides = array<i32>} : memref<16x1024xf32, #tpu.memory_space<vmem>>, vector<16xf32>,
        %add3A_872 = arith.constant 800 : i32
        %add3A_873 = arith.addi %mul3A_169, %add3A_872 : i32
        %get3A_874 = arith.index_cast %add3A_873 : i32 to index
        %get3A_875 = tpu.vector_load %arg9[%get3A_874] {strides = array<i32>} : memref<33792xf32, #tpu.memory_space<vmem>>, vector<16xf32>,
        %mul3A_876 = arith.constant 3.200000e+01 : f32
        %mul3A_877 = vector.broadcast %mul3A_876 : f32 to vector<16xf32>
        %mul3A_878 = arith.mulf %get3A_871, %mul3A_877 : vector<16xf32>
        %add3A_879 = arith.addf %mul3A_878, %get3A_875 : vector<16xf32>
        %swap3A_880 = arith.index_cast %scan3A_158 : i32 to index
        %swap3A_881 = arith.constant 800 : index
        %swap3A_882 = tpu.vector_load %arg7[%swap3A_880, %swap3A_881] {strides = array<i32>} : memref<16x1024xf32, #tpu.memory_space<vmem>>, vector<16xf32>,
        tpu.vector_store %arg7[%swap3A_880, %swap3A_881], %add3A_879 {strides = array<i32>} : memref<16x1024xf32, #tpu.memory_space<vmem>>, vector<16xf32>,
        %get3A_883 = arith.index_cast %scan3A_158 : i32 to index
        %get3A_884 = arith.constant 816 : index
        %get3A_885 = tpu.vector_load %arg7[%get3A_883, %get3A_884] {strides = array<i32>} : memref<16x1024xf32, #tpu.memory_space<vmem>>, vector<16xf32>,
        %add3A_886 = arith.constant 816 : i32
        %add3A_887 = arith.addi %mul3A_169, %add3A_886 : i32
        %get3A_888 = arith.index_cast %add3A_887 : i32 to index
        %get3A_889 = tpu.vector_load %arg9[%get3A_888] {strides = array<i32>} : memref<33792xf32, #tpu.memory_space<vmem>>, vector<16xf32>,
        %mul3A_890 = arith.constant 3.200000e+01 : f32
        %mul3A_891 = vector.broadcast %mul3A_890 : f32 to vector<16xf32>
        %mul3A_892 = arith.mulf %get3A_885, %mul3A_891 : vector<16xf32>
        %add3A_893 = arith.addf %mul3A_892, %get3A_889 : vector<16xf32>
        %swap3A_894 = arith.index_cast %scan3A_158 : i32 to index
        %swap3A_895 = arith.constant 816 : index
        %swap3A_896 = tpu.vector_load %arg7[%swap3A_894, %swap3A_895] {strides = array<i32>} : memref<16x1024xf32, #tpu.memory_space<vmem>>, vector<16xf32>,
        tpu.vector_store %arg7[%swap3A_894, %swap3A_895], %add3A_893 {strides = array<i32>} : memref<16x1024xf32, #tpu.memory_space<vmem>>, vector<16xf32>,
        %get3A_897 = arith.index_cast %scan3A_158 : i32 to index
        %get3A_898 = arith.constant 832 : index
        %get3A_899 = tpu.vector_load %arg7[%get3A_897, %get3A_898] {strides = array<i32>} : memref<16x1024xf32, #tpu.memory_space<vmem>>, vector<16xf32>,
        %add3A_900 = arith.constant 832 : i32
        %add3A_901 = arith.addi %mul3A_169, %add3A_900 : i32
        %get3A_902 = arith.index_cast %add3A_901 : i32 to index
        %get3A_903 = tpu.vector_load %arg9[%get3A_902] {strides = array<i32>} : memref<33792xf32, #tpu.memory_space<vmem>>, vector<16xf32>,
        %mul3A_904 = arith.constant 3.200000e+01 : f32
        %mul3A_905 = vector.broadcast %mul3A_904 : f32 to vector<16xf32>
        %mul3A_906 = arith.mulf %get3A_899, %mul3A_905 : vector<16xf32>
        %add3A_907 = arith.addf %mul3A_906, %get3A_903 : vector<16xf32>
        %swap3A_908 = arith.index_cast %scan3A_158 : i32 to index
        %swap3A_909 = arith.constant 832 : index
        %swap3A_910 = tpu.vector_load %arg7[%swap3A_908, %swap3A_909] {strides = array<i32>} : memref<16x1024xf32, #tpu.memory_space<vmem>>, vector<16xf32>,
        tpu.vector_store %arg7[%swap3A_908, %swap3A_909], %add3A_907 {strides = array<i32>} : memref<16x1024xf32, #tpu.memory_space<vmem>>, vector<16xf32>,
        %get3A_911 = arith.index_cast %scan3A_158 : i32 to index
        %get3A_912 = arith.constant 848 : index
        %get3A_913 = tpu.vector_load %arg7[%get3A_911, %get3A_912] {strides = array<i32>} : memref<16x1024xf32, #tpu.memory_space<vmem>>, vector<16xf32>,
        %add3A_914 = arith.constant 848 : i32
        %add3A_915 = arith.addi %mul3A_169, %add3A_914 : i32
        %get3A_916 = arith.index_cast %add3A_915 : i32 to index
        %get3A_917 = tpu.vector_load %arg9[%get3A_916] {strides = array<i32>} : memref<33792xf32, #tpu.memory_space<vmem>>, vector<16xf32>,
        %mul3A_918 = arith.constant 3.200000e+01 : f32
        %mul3A_919 = vector.broadcast %mul3A_918 : f32 to vector<16xf32>
        %mul3A_920 = arith.mulf %get3A_913, %mul3A_919 : vector<16xf32>
        %add3A_921 = arith.addf %mul3A_920, %get3A_917 : vector<16xf32>
        %swap3A_922 = arith.index_cast %scan3A_158 : i32 to index
        %swap3A_923 = arith.constant 848 : index
        %swap3A_924 = tpu.vector_load %arg7[%swap3A_922, %swap3A_923] {strides = array<i32>} : memref<16x1024xf32, #tpu.memory_space<vmem>>, vector<16xf32>,
        tpu.vector_store %arg7[%swap3A_922, %swap3A_923], %add3A_921 {strides = array<i32>} : memref<16x1024xf32, #tpu.memory_space<vmem>>, vector<16xf32>,
        %get3A_925 = arith.index_cast %scan3A_158 : i32 to index
        %get3A_926 = arith.constant 864 : index
        %get3A_927 = tpu.vector_load %arg7[%get3A_925, %get3A_926] {strides = array<i32>} : memref<16x1024xf32, #tpu.memory_space<vmem>>, vector<16xf32>,
        %add3A_928 = arith.constant 864 : i32
        %add3A_929 = arith.addi %mul3A_169, %add3A_928 : i32
        %get3A_930 = arith.index_cast %add3A_929 : i32 to index
        %get3A_931 = tpu.vector_load %arg9[%get3A_930] {strides = array<i32>} : memref<33792xf32, #tpu.memory_space<vmem>>, vector<16xf32>,
        %mul3A_932 = arith.constant 3.200000e+01 : f32
        %mul3A_933 = vector.broadcast %mul3A_932 : f32 to vector<16xf32>
        %mul3A_934 = arith.mulf %get3A_927, %mul3A_933 : vector<16xf32>
        %add3A_935 = arith.addf %mul3A_934, %get3A_931 : vector<16xf32>
        %swap3A_936 = arith.index_cast %scan3A_158 : i32 to index
        %swap3A_937 = arith.constant 864 : index
        %swap3A_938 = tpu.vector_load %arg7[%swap3A_936, %swap3A_937] {strides = array<i32>} : memref<16x1024xf32, #tpu.memory_space<vmem>>, vector<16xf32>,
        tpu.vector_store %arg7[%swap3A_936, %swap3A_937], %add3A_935 {strides = array<i32>} : memref<16x1024xf32, #tpu.memory_space<vmem>>, vector<16xf32>,
        %get3A_939 = arith.index_cast %scan3A_158 : i32 to index
        %get3A_940 = arith.constant 880 : index
        %get3A_941 = tpu.vector_load %arg7[%get3A_939, %get3A_940] {strides = array<i32>} : memref<16x1024xf32, #tpu.memory_space<vmem>>, vector<16xf32>,
        %add3A_942 = arith.constant 880 : i32
        %add3A_943 = arith.addi %mul3A_169, %add3A_942 : i32
        %get3A_944 = arith.index_cast %add3A_943 : i32 to index
        %get3A_945 = tpu.vector_load %arg9[%get3A_944] {strides = array<i32>} : memref<33792xf32, #tpu.memory_space<vmem>>, vector<16xf32>,
        %mul3A_946 = arith.constant 3.200000e+01 : f32
        %mul3A_947 = vector.broadcast %mul3A_946 : f32 to vector<16xf32>
        %mul3A_948 = arith.mulf %get3A_941, %mul3A_947 : vector<16xf32>
        %add3A_949 = arith.addf %mul3A_948, %get3A_945 : vector<16xf32>
        %swap3A_950 = arith.index_cast %scan3A_158 : i32 to index
        %swap3A_951 = arith.constant 880 : index
        %swap3A_952 = tpu.vector_load %arg7[%swap3A_950, %swap3A_951] {strides = array<i32>} : memref<16x1024xf32, #tpu.memory_space<vmem>>, vector<16xf32>,
        tpu.vector_store %arg7[%swap3A_950, %swap3A_951], %add3A_949 {strides = array<i32>} : memref<16x1024xf32, #tpu.memory_space<vmem>>, vector<16xf32>,
        %get3A_953 = arith.index_cast %scan3A_158 : i32 to index
        %get3A_954 = arith.constant 896 : index
        %get3A_955 = tpu.vector_load %arg7[%get3A_953, %get3A_954] {strides = array<i32>} : memref<16x1024xf32, #tpu.memory_space<vmem>>, vector<16xf32>,
        %add3A_956 = arith.constant 896 : i32
        %add3A_957 = arith.addi %mul3A_169, %add3A_956 : i32
        %get3A_958 = arith.index_cast %add3A_957 : i32 to index
        %get3A_959 = tpu.vector_load %arg9[%get3A_958] {strides = array<i32>} : memref<33792xf32, #tpu.memory_space<vmem>>, vector<16xf32>,
        %mul3A_960 = arith.constant 3.200000e+01 : f32
        %mul3A_961 = vector.broadcast %mul3A_960 : f32 to vector<16xf32>
        %mul3A_962 = arith.mulf %get3A_955, %mul3A_961 : vector<16xf32>
        %add3A_963 = arith.addf %mul3A_962, %get3A_959 : vector<16xf32>
        %swap3A_964 = arith.index_cast %scan3A_158 : i32 to index
        %swap3A_965 = arith.constant 896 : index
        %swap3A_966 = tpu.vector_load %arg7[%swap3A_964, %swap3A_965] {strides = array<i32>} : memref<16x1024xf32, #tpu.memory_space<vmem>>, vector<16xf32>,
        tpu.vector_store %arg7[%swap3A_964, %swap3A_965], %add3A_963 {strides = array<i32>} : memref<16x1024xf32, #tpu.memory_space<vmem>>, vector<16xf32>,
        %get3A_967 = arith.index_cast %scan3A_158 : i32 to index
        %get3A_968 = arith.constant 912 : index
        %get3A_969 = tpu.vector_load %arg7[%get3A_967, %get3A_968] {strides = array<i32>} : memref<16x1024xf32, #tpu.memory_space<vmem>>, vector<16xf32>,
        %add3A_970 = arith.constant 912 : i32
        %add3A_971 = arith.addi %mul3A_169, %add3A_970 : i32
        %get3A_972 = arith.index_cast %add3A_971 : i32 to index
        %get3A_973 = tpu.vector_load %arg9[%get3A_972] {strides = array<i32>} : memref<33792xf32, #tpu.memory_space<vmem>>, vector<16xf32>,
        %mul3A_974 = arith.constant 3.200000e+01 : f32
        %mul3A_975 = vector.broadcast %mul3A_974 : f32 to vector<16xf32>
        %mul3A_976 = arith.mulf %get3A_969, %mul3A_975 : vector<16xf32>
        %add3A_977 = arith.addf %mul3A_976, %get3A_973 : vector<16xf32>
        %swap3A_978 = arith.index_cast %scan3A_158 : i32 to index
        %swap3A_979 = arith.constant 912 : index
        %swap3A_980 = tpu.vector_load %arg7[%swap3A_978, %swap3A_979] {strides = array<i32>} : memref<16x1024xf32, #tpu.memory_space<vmem>>, vector<16xf32>,
        tpu.vector_store %arg7[%swap3A_978, %swap3A_979], %add3A_977 {strides = array<i32>} : memref<16x1024xf32, #tpu.memory_space<vmem>>, vector<16xf32>,
        %get3A_981 = arith.index_cast %scan3A_158 : i32 to index
        %get3A_982 = arith.constant 928 : index
        %get3A_983 = tpu.vector_load %arg7[%get3A_981, %get3A_982] {strides = array<i32>} : memref<16x1024xf32, #tpu.memory_space<vmem>>, vector<16xf32>,
        %add3A_984 = arith.constant 928 : i32
        %add3A_985 = arith.addi %mul3A_169, %add3A_984 : i32
        %get3A_986 = arith.index_cast %add3A_985 : i32 to index
        %get3A_987 = tpu.vector_load %arg9[%get3A_986] {strides = array<i32>} : memref<33792xf32, #tpu.memory_space<vmem>>, vector<16xf32>,
        %mul3A_988 = arith.constant 3.200000e+01 : f32
        %mul3A_989 = vector.broadcast %mul3A_988 : f32 to vector<16xf32>
        %mul3A_990 = arith.mulf %get3A_983, %mul3A_989 : vector<16xf32>
        %add3A_991 = arith.addf %mul3A_990, %get3A_987 : vector<16xf32>
        %swap3A_992 = arith.index_cast %scan3A_158 : i32 to index
        %swap3A_993 = arith.constant 928 : index
        %swap3A_994 = tpu.vector_load %arg7[%swap3A_992, %swap3A_993] {strides = array<i32>} : memref<16x1024xf32, #tpu.memory_space<vmem>>, vector<16xf32>,
        tpu.vector_store %arg7[%swap3A_992, %swap3A_993], %add3A_991 {strides = array<i32>} : memref<16x1024xf32, #tpu.memory_space<vmem>>, vector<16xf32>,
        %get3A_995 = arith.index_cast %scan3A_158 : i32 to index
        %get3A_996 = arith.constant 944 : index
        %get3A_997 = tpu.vector_load %arg7[%get3A_995, %get3A_996] {strides = array<i32>} : memref<16x1024xf32, #tpu.memory_space<vmem>>, vector<16xf32>,
        %add3A_998 = arith.constant 944 : i32
        %add3A_999 = arith.addi %mul3A_169, %add3A_998 : i32
        %get3A_1000 = arith.index_cast %add3A_999 : i32 to index
        %get3A_1001 = tpu.vector_load %arg9[%get3A_1000] {strides = array<i32>} : memref<33792xf32, #tpu.memory_space<vmem>>, vector<16xf32>,
        %mul3A_1002 = arith.constant 3.200000e+01 : f32
        %mul3A_1003 = vector.broadcast %mul3A_1002 : f32 to vector<16xf32>
        %mul3A_1004 = arith.mulf %get3A_997, %mul3A_1003 : vector<16xf32>
        %add3A_1005 = arith.addf %mul3A_1004, %get3A_1001 : vector<16xf32>
        %swap3A_1006 = arith.index_cast %scan3A_158 : i32 to index
        %swap3A_1007 = arith.constant 944 : index
        %swap3A_1008 = tpu.vector_load %arg7[%swap3A_1006, %swap3A_1007] {strides = array<i32>} : memref<16x1024xf32, #tpu.memory_space<vmem>>, vector<16xf32>,
        tpu.vector_store %arg7[%swap3A_1006, %swap3A_1007], %add3A_1005 {strides = array<i32>} : memref<16x1024xf32, #tpu.memory_space<vmem>>, vector<16xf32>,
        %get3A_1009 = arith.index_cast %scan3A_158 : i32 to index
        %get3A_1010 = arith.constant 960 : index
        %get3A_1011 = tpu.vector_load %arg7[%get3A_1009, %get3A_1010] {strides = array<i32>} : memref<16x1024xf32, #tpu.memory_space<vmem>>, vector<16xf32>,
        %add3A_1012 = arith.constant 960 : i32
        %add3A_1013 = arith.addi %mul3A_169, %add3A_1012 : i32
        %get3A_1014 = arith.index_cast %add3A_1013 : i32 to index
        %get3A_1015 = tpu.vector_load %arg9[%get3A_1014] {strides = array<i32>} : memref<33792xf32, #tpu.memory_space<vmem>>, vector<16xf32>,
        %mul3A_1016 = arith.constant 3.200000e+01 : f32
        %mul3A_1017 = vector.broadcast %mul3A_1016 : f32 to vector<16xf32>
        %mul3A_1018 = arith.mulf %get3A_1011, %mul3A_1017 : vector<16xf32>
        %add3A_1019 = arith.addf %mul3A_1018, %get3A_1015 : vector<16xf32>
        %swap3A_1020 = arith.index_cast %scan3A_158 : i32 to index
        %swap3A_1021 = arith.constant 960 : index
        %swap3A_1022 = tpu.vector_load %arg7[%swap3A_1020, %swap3A_1021] {strides = array<i32>} : memref<16x1024xf32, #tpu.memory_space<vmem>>, vector<16xf32>,
        tpu.vector_store %arg7[%swap3A_1020, %swap3A_1021], %add3A_1019 {strides = array<i32>} : memref<16x1024xf32, #tpu.memory_space<vmem>>, vector<16xf32>,
        %get3A_1023 = arith.index_cast %scan3A_158 : i32 to index
        %get3A_1024 = arith.constant 976 : index
        %get3A_1025 = tpu.vector_load %arg7[%get3A_1023, %get3A_1024] {strides = array<i32>} : memref<16x1024xf32, #tpu.memory_space<vmem>>, vector<16xf32>,
        %add3A_1026 = arith.constant 976 : i32
        %add3A_1027 = arith.addi %mul3A_169, %add3A_1026 : i32
        %get3A_1028 = arith.index_cast %add3A_1027 : i32 to index
        %get3A_1029 = tpu.vector_load %arg9[%get3A_1028] {strides = array<i32>} : memref<33792xf32, #tpu.memory_space<vmem>>, vector<16xf32>,
        %mul3A_1030 = arith.constant 3.200000e+01 : f32
        %mul3A_1031 = vector.broadcast %mul3A_1030 : f32 to vector<16xf32>
        %mul3A_1032 = arith.mulf %get3A_1025, %mul3A_1031 : vector<16xf32>
        %add3A_1033 = arith.addf %mul3A_1032, %get3A_1029 : vector<16xf32>
        %swap3A_1034 = arith.index_cast %scan3A_158 : i32 to index
        %swap3A_1035 = arith.constant 976 : index
        %swap3A_1036 = tpu.vector_load %arg7[%swap3A_1034, %swap3A_1035] {strides = array<i32>} : memref<16x1024xf32, #tpu.memory_space<vmem>>, vector<16xf32>,
        tpu.vector_store %arg7[%swap3A_1034, %swap3A_1035], %add3A_1033 {strides = array<i32>} : memref<16x1024xf32, #tpu.memory_space<vmem>>, vector<16xf32>,
        %get3A_1037 = arith.index_cast %scan3A_158 : i32 to index
        %get3A_1038 = arith.constant 992 : index
        %get3A_1039 = tpu.vector_load %arg7[%get3A_1037, %get3A_1038] {strides = array<i32>} : memref<16x1024xf32, #tpu.memory_space<vmem>>, vector<16xf32>,
        %add3A_1040 = arith.constant 992 : i32
        %add3A_1041 = arith.addi %mul3A_169, %add3A_1040 : i32
        %get3A_1042 = arith.index_cast %add3A_1041 : i32 to index
        %get3A_1043 = tpu.vector_load %arg9[%get3A_1042] {strides = array<i32>} : memref<33792xf32, #tpu.memory_space<vmem>>, vector<16xf32>,
        %mul3A_1044 = arith.constant 3.200000e+01 : f32
        %mul3A_1045 = vector.broadcast %mul3A_1044 : f32 to vector<16xf32>
        %mul3A_1046 = arith.mulf %get3A_1039, %mul3A_1045 : vector<16xf32>
        %add3A_1047 = arith.addf %mul3A_1046, %get3A_1043 : vector<16xf32>
        %swap3A_1048 = arith.index_cast %scan3A_158 : i32 to index
        %swap3A_1049 = arith.constant 992 : index
        %swap3A_1050 = tpu.vector_load %arg7[%swap3A_1048, %swap3A_1049] {strides = array<i32>} : memref<16x1024xf32, #tpu.memory_space<vmem>>, vector<16xf32>,
        tpu.vector_store %arg7[%swap3A_1048, %swap3A_1049], %add3A_1047 {strides = array<i32>} : memref<16x1024xf32, #tpu.memory_space<vmem>>, vector<16xf32>,
        %get3A_1051 = arith.index_cast %scan3A_158 : i32 to index
        %get3A_1052 = arith.constant 1008 : index
        %get3A_1053 = tpu.vector_load %arg7[%get3A_1051, %get3A_1052] {strides = array<i32>} : memref<16x1024xf32, #tpu.memory_space<vmem>>, vector<16xf32>,
        %add3A_1054 = arith.constant 1008 : i32
        %add3A_1055 = arith.addi %mul3A_169, %add3A_1054 : i32
        %get3A_1056 = arith.index_cast %add3A_1055 : i32 to index
        %get3A_1057 = tpu.vector_load %arg9[%get3A_1056] {strides = array<i32>} : memref<33792xf32, #tpu.memory_space<vmem>>, vector<16xf32>,
        %mul3A_1058 = arith.constant 3.200000e+01 : f32
        %mul3A_1059 = vector.broadcast %mul3A_1058 : f32 to vector<16xf32>
        %mul3A_1060 = arith.mulf %get3A_1053, %mul3A_1059 : vector<16xf32>
        %add3A_1061 = arith.addf %mul3A_1060, %get3A_1057 : vector<16xf32>
        %swap3A_1062 = arith.index_cast %scan3A_158 : i32 to index
        %swap3A_1063 = arith.constant 1008 : index
        %swap3A_1064 = tpu.vector_load %arg7[%swap3A_1062, %swap3A_1063] {strides = array<i32>} : memref<16x1024xf32, #tpu.memory_space<vmem>>, vector<16xf32>,
        tpu.vector_store %arg7[%swap3A_1062, %swap3A_1063], %add3A_1061 {strides = array<i32>} : memref<16x1024xf32, #tpu.memory_space<vmem>>, vector<16xf32>,
      }
      %scan3A_143 = arith.constant 16 : i32
      %add3A_144 = arith.addi %mul3A_2, %add3A_108 : i32
      %mul3A_145 = arith.constant 16 : i32
      %mul3A_146 = arith.muli %add3A_144, %mul3A_145 : i32
      %dma_start3A_147 = arith.constant 0 : i32
      %dma_start3A_148 = tpu.memref_slice %arg5[%mul3A_146, %dma_start3A_147] : memref<16384x1024xf32, #tpu.memory_space<hbm>> -> memref<16x1024xf32, #tpu.memory_space<hbm>>
      %dma_start3A_149 = arith.constant 0 : i32
      %dma_start3A_150 = tpu.memref_slice %arg5[%mul3A_146, %dma_start3A_149] : memref<16384x1024xf32, #tpu.memory_space<hbm>> -> memref<16x1024xf32, #tpu.memory_space<hbm>>
      tpu.enqueue_dma source(%arg7 : memref<16x1024xf32, #tpu.memory_space<vmem>>) target(%dma_start3A_150 : memref<16x1024xf32, #tpu.memory_space<hbm>>) target_semaphore(%arg17 : memref<!tpu.dma_semaphore, #tpu.memory_space<semaphore_mem>>)
      %add3A_151 = arith.constant 2 : i32
      %add3A_152 = arith.addi %add3A_108, %add3A_151 : i32
      %lt3A_153 = arith.constant 6 : i32
      %lt3A_154 = arith.cmpi slt, %add3A_152, %lt3A_153 : i32
      %convert_element_type3A_155 = arith.extui %lt3A_154 : i1 to i32
      %cond3A_156 = arith.constant 0 : i32
      %cond3A_157 = arith.cmpi ne, %convert_element_type3A_155, %cond3A_156 : i32
      scf.if %cond3A_157 {
        %add3A_158 = arith.constant 2 : i32
        %add3A_159 = arith.addi %add3A_108, %add3A_158 : i32
        %add3A_160 = arith.addi %mul3A_2, %add3A_159 : i32
        %mul3A_161 = arith.constant 2 : i32
        %mul3A_162 = arith.muli %add3A_160, %mul3A_161 : i32
        %mul3A_163 = arith.constant 16 : i32
        %mul3A_164 = arith.muli %mul3A_162, %mul3A_163 : i32
        %dma_start3A_165 = tpu.memref_slice %arg3[%mul3A_164] : memref<32768xi32, #tpu.memory_space<hbm>> -> memref<32xi32, #tpu.memory_space<hbm>>
        %dma_start3A_166 = tpu.memref_slice %arg3[%mul3A_164] : memref<32768xi32, #tpu.memory_space<hbm>> -> memref<32xi32, #tpu.memory_space<hbm>>
        tpu.enqueue_dma source(%dma_start3A_166 : memref<32xi32, #tpu.memory_space<hbm>>) target(%arg11 : memref<32xi32, #tpu.memory_space<vmem>>) target_semaphore(%arg19 : memref<!tpu.dma_semaphore, #tpu.memory_space<semaphore_mem>>)
      } else {
      }
    }
    %scan3A_49 = arith.constant 3 : i32
    %add3A_50 = arith.constant 5 : i32
    %add3A_51 = arith.addi %mul3A_2, %add3A_50 : i32
    %mul3A_52 = arith.constant 16 : i32
    %mul3A_53 = arith.muli %add3A_51, %mul3A_52 : i32
    %dma_wait3A_54 = arith.constant 0 : i32
    %dma_wait3A_55 = tpu.memref_slice %arg5[%mul3A_53, %dma_wait3A_54] : memref<16384x1024xf32, #tpu.memory_space<hbm>> -> memref<16x1024xf32, #tpu.memory_space<hbm>>
    %dma_wait3A_56 = arith.constant 0 : i32
    %dma_wait3A_57 = tpu.memref_slice %arg5[%mul3A_53, %dma_wait3A_56] : memref<16384x1024xf32, #tpu.memory_space<hbm>> -> memref<16x1024xf32, #tpu.memory_space<hbm>>
    tpu.wait_dma2 semaphore(%arg17 : memref<!tpu.dma_semaphore, #tpu.memory_space<semaphore_mem>>) src(%arg7 : memref<16x1024xf32, #tpu.memory_space<vmem>>) dst(%dma_wait3A_57 : memref<16x1024xf32, #tpu.memory_space<hbm>>)
    return
  }
}

module attributes {stable_mosaic.version = 14 : i64} {
  func.func @_meta_body(%arg0: memref<1024x16xi32, #tpu.memory_space<vmem>>, %arg1: memref<1024x32xi32, #tpu.memory_space<vmem>>, %arg2: memref<1024x16xi32, #tpu.memory_space<vmem>>) attributes {dimension_semantics = [], scalar_prefetch = 0 : i64, scratch_operands = 0 : i64, tpu.core_type = #tpu.core_type<tc>} {
    %get3A = arith.constant 0 : index
    %get3A_0 = arith.constant 0 : index
    %get3A_1 = vector.load %arg0[%get3A, %get3A_0] : memref<1024x16xi32, #tpu.memory_space<vmem>>, vector<1024x16xi32>
    %broadcast_in_dim3A = arith.constant 0 : i32
    %broadcast_in_dim3A_2 = vector.broadcast %broadcast_in_dim3A : i32 to vector<1024x1xi32>
    %slice3A = vector.extract_strided_slice %get3A_1 {offsets = [0, 0], sizes = [1024, 15], strides = [1, 1]} : vector<1024x16xi32> to vector<1024x15xi32>
    %concatenate3A = tpu.concatenate %broadcast_in_dim3A_2, %slice3A in 1 : vector<1024x1xi32>, vector<1024x15xi32> -> vector<1024x16xi32>
    %add3A = arith.addi %get3A_1, %concatenate3A : vector<1024x16xi32>
    %broadcast_in_dim3A_3 = arith.constant 0 : i32
    %broadcast_in_dim3A_4 = vector.broadcast %broadcast_in_dim3A_3 : i32 to vector<1024x2xi32>
    %slice3A_5 = vector.extract_strided_slice %add3A {offsets = [0, 0], sizes = [1024, 14], strides = [1, 1]} : vector<1024x16xi32> to vector<1024x14xi32>
    %concatenate3A_6 = tpu.concatenate %broadcast_in_dim3A_4, %slice3A_5 in 1 : vector<1024x2xi32>, vector<1024x14xi32> -> vector<1024x16xi32>
    %add3A_7 = arith.addi %add3A, %concatenate3A_6 : vector<1024x16xi32>
    %broadcast_in_dim3A_8 = arith.constant 0 : i32
    %broadcast_in_dim3A_9 = vector.broadcast %broadcast_in_dim3A_8 : i32 to vector<1024x4xi32>
    %slice3A_10 = vector.extract_strided_slice %add3A_7 {offsets = [0, 0], sizes = [1024, 12], strides = [1, 1]} : vector<1024x16xi32> to vector<1024x12xi32>
    %concatenate3A_11 = tpu.concatenate %broadcast_in_dim3A_9, %slice3A_10 in 1 : vector<1024x4xi32>, vector<1024x12xi32> -> vector<1024x16xi32>
    %add3A_12 = arith.addi %add3A_7, %concatenate3A_11 : vector<1024x16xi32>
    %broadcast_in_dim3A_13 = arith.constant 0 : i32
    %broadcast_in_dim3A_14 = vector.broadcast %broadcast_in_dim3A_13 : i32 to vector<1024x8xi32>
    %slice3A_15 = vector.extract_strided_slice %add3A_12 {offsets = [0, 0], sizes = [1024, 8], strides = [1, 1]} : vector<1024x16xi32> to vector<1024x8xi32>
    %concatenate3A_16 = tpu.concatenate %broadcast_in_dim3A_14, %slice3A_15 in 1 : vector<1024x8xi32>, vector<1024x8xi32> -> vector<1024x16xi32>
    %add3A_17 = arith.addi %add3A_12, %concatenate3A_16 : vector<1024x16xi32>
    %slice3A_18 = vector.extract_strided_slice %add3A_17 {offsets = [0, 15], sizes = [1024, 1], strides = [1, 1]} : vector<1024x16xi32> to vector<1024x1xi32>
    %broadcast_in_dim3A_19 = arith.constant 0 : i32
    %broadcast_in_dim3A_20 = vector.broadcast %broadcast_in_dim3A_19 : i32 to vector<1x1xi32>
    %slice3A_21 = vector.extract_strided_slice %slice3A_18 {offsets = [0, 0], sizes = [1023, 1], strides = [1, 1]} : vector<1024x1xi32> to vector<1023x1xi32>
    %concatenate3A_22 = tpu.concatenate %broadcast_in_dim3A_20, %slice3A_21 in 0 : vector<1x1xi32>, vector<1023x1xi32> -> vector<1024x1xi32>
    %add3A_23 = arith.addi %slice3A_18, %concatenate3A_22 : vector<1024x1xi32>
    %broadcast_in_dim3A_24 = arith.constant 0 : i32
    %broadcast_in_dim3A_25 = vector.broadcast %broadcast_in_dim3A_24 : i32 to vector<2x1xi32>
    %slice3A_26 = vector.extract_strided_slice %add3A_23 {offsets = [0, 0], sizes = [1022, 1], strides = [1, 1]} : vector<1024x1xi32> to vector<1022x1xi32>
    %concatenate3A_27 = tpu.concatenate %broadcast_in_dim3A_25, %slice3A_26 in 0 : vector<2x1xi32>, vector<1022x1xi32> -> vector<1024x1xi32>
    %add3A_28 = arith.addi %add3A_23, %concatenate3A_27 : vector<1024x1xi32>
    %broadcast_in_dim3A_29 = arith.constant 0 : i32
    %broadcast_in_dim3A_30 = vector.broadcast %broadcast_in_dim3A_29 : i32 to vector<4x1xi32>
    %slice3A_31 = vector.extract_strided_slice %add3A_28 {offsets = [0, 0], sizes = [1020, 1], strides = [1, 1]} : vector<1024x1xi32> to vector<1020x1xi32>
    %concatenate3A_32 = tpu.concatenate %broadcast_in_dim3A_30, %slice3A_31 in 0 : vector<4x1xi32>, vector<1020x1xi32> -> vector<1024x1xi32>
    %add3A_33 = arith.addi %add3A_28, %concatenate3A_32 : vector<1024x1xi32>
    %broadcast_in_dim3A_34 = arith.constant 0 : i32
    %broadcast_in_dim3A_35 = vector.broadcast %broadcast_in_dim3A_34 : i32 to vector<8x1xi32>
    %slice3A_36 = vector.extract_strided_slice %add3A_33 {offsets = [0, 0], sizes = [1016, 1], strides = [1, 1]} : vector<1024x1xi32> to vector<1016x1xi32>
    %concatenate3A_37 = tpu.concatenate %broadcast_in_dim3A_35, %slice3A_36 in 0 : vector<8x1xi32>, vector<1016x1xi32> -> vector<1024x1xi32>
    %add3A_38 = arith.addi %add3A_33, %concatenate3A_37 : vector<1024x1xi32>
    %broadcast_in_dim3A_39 = arith.constant 0 : i32
    %broadcast_in_dim3A_40 = vector.broadcast %broadcast_in_dim3A_39 : i32 to vector<16x1xi32>
    %slice3A_41 = vector.extract_strided_slice %add3A_38 {offsets = [0, 0], sizes = [1008, 1], strides = [1, 1]} : vector<1024x1xi32> to vector<1008x1xi32>
    %concatenate3A_42 = tpu.concatenate %broadcast_in_dim3A_40, %slice3A_41 in 0 : vector<16x1xi32>, vector<1008x1xi32> -> vector<1024x1xi32>
    %add3A_43 = arith.addi %add3A_38, %concatenate3A_42 : vector<1024x1xi32>
    %broadcast_in_dim3A_44 = arith.constant 0 : i32
    %broadcast_in_dim3A_45 = vector.broadcast %broadcast_in_dim3A_44 : i32 to vector<32x1xi32>
    %slice3A_46 = vector.extract_strided_slice %add3A_43 {offsets = [0, 0], sizes = [992, 1], strides = [1, 1]} : vector<1024x1xi32> to vector<992x1xi32>
    %concatenate3A_47 = tpu.concatenate %broadcast_in_dim3A_45, %slice3A_46 in 0 : vector<32x1xi32>, vector<992x1xi32> -> vector<1024x1xi32>
    %add3A_48 = arith.addi %add3A_43, %concatenate3A_47 : vector<1024x1xi32>
    %broadcast_in_dim3A_49 = arith.constant 0 : i32
    %broadcast_in_dim3A_50 = vector.broadcast %broadcast_in_dim3A_49 : i32 to vector<64x1xi32>
    %slice3A_51 = vector.extract_strided_slice %add3A_48 {offsets = [0, 0], sizes = [960, 1], strides = [1, 1]} : vector<1024x1xi32> to vector<960x1xi32>
    %concatenate3A_52 = tpu.concatenate %broadcast_in_dim3A_50, %slice3A_51 in 0 : vector<64x1xi32>, vector<960x1xi32> -> vector<1024x1xi32>
    %add3A_53 = arith.addi %add3A_48, %concatenate3A_52 : vector<1024x1xi32>
    %broadcast_in_dim3A_54 = arith.constant 0 : i32
    %broadcast_in_dim3A_55 = vector.broadcast %broadcast_in_dim3A_54 : i32 to vector<128x1xi32>
    %slice3A_56 = vector.extract_strided_slice %add3A_53 {offsets = [0, 0], sizes = [896, 1], strides = [1, 1]} : vector<1024x1xi32> to vector<896x1xi32>
    %concatenate3A_57 = tpu.concatenate %broadcast_in_dim3A_55, %slice3A_56 in 0 : vector<128x1xi32>, vector<896x1xi32> -> vector<1024x1xi32>
    %add3A_58 = arith.addi %add3A_53, %concatenate3A_57 : vector<1024x1xi32>
    %broadcast_in_dim3A_59 = arith.constant 0 : i32
    %broadcast_in_dim3A_60 = vector.broadcast %broadcast_in_dim3A_59 : i32 to vector<256x1xi32>
    %slice3A_61 = vector.extract_strided_slice %add3A_58 {offsets = [0, 0], sizes = [768, 1], strides = [1, 1]} : vector<1024x1xi32> to vector<768x1xi32>
    %concatenate3A_62 = tpu.concatenate %broadcast_in_dim3A_60, %slice3A_61 in 0 : vector<256x1xi32>, vector<768x1xi32> -> vector<1024x1xi32>
    %add3A_63 = arith.addi %add3A_58, %concatenate3A_62 : vector<1024x1xi32>
    %broadcast_in_dim3A_64 = arith.constant 0 : i32
    %broadcast_in_dim3A_65 = vector.broadcast %broadcast_in_dim3A_64 : i32 to vector<512x1xi32>
    %slice3A_66 = vector.extract_strided_slice %add3A_63 {offsets = [0, 0], sizes = [512, 1], strides = [1, 1]} : vector<1024x1xi32> to vector<512x1xi32>
    %concatenate3A_67 = tpu.concatenate %broadcast_in_dim3A_65, %slice3A_66 in 0 : vector<512x1xi32>, vector<512x1xi32> -> vector<1024x1xi32>
    %add3A_68 = arith.addi %add3A_63, %concatenate3A_67 : vector<1024x1xi32>
    %sub3A = arith.subi %add3A_68, %slice3A_18 : vector<1024x1xi32>
    %add3A_69 = vector.broadcast %sub3A : vector<1024x1xi32> to vector<1024x16xi32>
    %add3A_70 = arith.addi %add3A_69, %add3A_17 : vector<1024x16xi32>
    %sub3A_71 = arith.constant 1 : i32
    %sub3A_72 = vector.broadcast %sub3A_71 : i32 to vector<1024x16xi32>
    %sub3A_73 = arith.subi %add3A_70, %sub3A_72 : vector<1024x16xi32>
    %iota3A = tpu.iota {dimensions = array<i32: 1>} : vector<1024x16xi32>
    %and3A = arith.constant 7 : i32
    %and3A_74 = vector.broadcast %and3A : i32 to vector<1024x16xi32>
    %and3A_75 = arith.andi %iota3A, %and3A_74 : vector<1024x16xi32>
    %eq3A = arith.constant 0 : i32
    %eq3A_76 = vector.broadcast %eq3A : i32 to vector<1024x16xi32>
    %eq3A_77 = arith.cmpi eq, %and3A_75, %eq3A_76 : vector<1024x16xi32>
    %jit3A = arith.constant 0 : i32
    %broadcast_in_dim3A_78 = vector.broadcast %jit3A : i32 to vector<1024x16xi32>
    %select_n3A = arith.select %eq3A_77, %get3A_1, %broadcast_in_dim3A_78 : vector<1024x16xi1>, vector<1024x16xi32>
    %reduce_sum3A = vector.shape_cast %select_n3A : vector<1024x16xi32> to vector<1x1024x16xi32>
    %reduce_sum3A_79 = arith.constant dense<0> : vector<1xi32>
    %reduce_sum3A_80 = vector.multi_reduction <add>, %reduce_sum3A, %reduce_sum3A_79 [1, 2] : vector<1x1024x16xi32> to vector<1xi32>
    %reduce_sum3A_81 = vector.shape_cast %reduce_sum3A_80 : vector<1xi32> to vector<1x1x1xi32>
    %reduce_sum3A_82 = vector.extract %reduce_sum3A_81[0, 0, 0] : i32 from vector<1x1x1xi32>
    %add3A_83 = arith.constant 0 : i32
    %add3A_84 = arith.addi %add3A_83, %reduce_sum3A_82 : i32
    %eq3A_85 = arith.constant 1 : i32
    %eq3A_86 = vector.broadcast %eq3A_85 : i32 to vector<1024x16xi32>
    %eq3A_87 = arith.cmpi eq, %and3A_75, %eq3A_86 : vector<1024x16xi32>
    %jit3A_88 = arith.constant 0 : i32
    %broadcast_in_dim3A_89 = vector.broadcast %jit3A_88 : i32 to vector<1024x16xi32>
    %select_n3A_90 = arith.select %eq3A_87, %get3A_1, %broadcast_in_dim3A_89 : vector<1024x16xi1>, vector<1024x16xi32>
    %reduce_sum3A_91 = vector.shape_cast %select_n3A_90 : vector<1024x16xi32> to vector<1x1024x16xi32>
    %reduce_sum3A_92 = arith.constant dense<0> : vector<1xi32>
    %reduce_sum3A_93 = vector.multi_reduction <add>, %reduce_sum3A_91, %reduce_sum3A_92 [1, 2] : vector<1x1024x16xi32> to vector<1xi32>
    %reduce_sum3A_94 = vector.shape_cast %reduce_sum3A_93 : vector<1xi32> to vector<1x1x1xi32>
    %reduce_sum3A_95 = vector.extract %reduce_sum3A_94[0, 0, 0] : i32 from vector<1x1x1xi32>
    %add3A_96 = arith.addi %add3A_84, %reduce_sum3A_95 : i32
    %eq3A_97 = arith.constant 2 : i32
    %eq3A_98 = vector.broadcast %eq3A_97 : i32 to vector<1024x16xi32>
    %eq3A_99 = arith.cmpi eq, %and3A_75, %eq3A_98 : vector<1024x16xi32>
    %jit3A_100 = arith.constant 0 : i32
    %broadcast_in_dim3A_101 = vector.broadcast %jit3A_100 : i32 to vector<1024x16xi32>
    %select_n3A_102 = arith.select %eq3A_99, %get3A_1, %broadcast_in_dim3A_101 : vector<1024x16xi1>, vector<1024x16xi32>
    %reduce_sum3A_103 = vector.shape_cast %select_n3A_102 : vector<1024x16xi32> to vector<1x1024x16xi32>
    %reduce_sum3A_104 = arith.constant dense<0> : vector<1xi32>
    %reduce_sum3A_105 = vector.multi_reduction <add>, %reduce_sum3A_103, %reduce_sum3A_104 [1, 2] : vector<1x1024x16xi32> to vector<1xi32>
    %reduce_sum3A_106 = vector.shape_cast %reduce_sum3A_105 : vector<1xi32> to vector<1x1x1xi32>
    %reduce_sum3A_107 = vector.extract %reduce_sum3A_106[0, 0, 0] : i32 from vector<1x1x1xi32>
    %add3A_108 = arith.addi %add3A_96, %reduce_sum3A_107 : i32
    %eq3A_109 = arith.constant 3 : i32
    %eq3A_110 = vector.broadcast %eq3A_109 : i32 to vector<1024x16xi32>
    %eq3A_111 = arith.cmpi eq, %and3A_75, %eq3A_110 : vector<1024x16xi32>
    %jit3A_112 = arith.constant 0 : i32
    %broadcast_in_dim3A_113 = vector.broadcast %jit3A_112 : i32 to vector<1024x16xi32>
    %select_n3A_114 = arith.select %eq3A_111, %get3A_1, %broadcast_in_dim3A_113 : vector<1024x16xi1>, vector<1024x16xi32>
    %reduce_sum3A_115 = vector.shape_cast %select_n3A_114 : vector<1024x16xi32> to vector<1x1024x16xi32>
    %reduce_sum3A_116 = arith.constant dense<0> : vector<1xi32>
    %reduce_sum3A_117 = vector.multi_reduction <add>, %reduce_sum3A_115, %reduce_sum3A_116 [1, 2] : vector<1x1024x16xi32> to vector<1xi32>
    %reduce_sum3A_118 = vector.shape_cast %reduce_sum3A_117 : vector<1xi32> to vector<1x1x1xi32>
    %reduce_sum3A_119 = vector.extract %reduce_sum3A_118[0, 0, 0] : i32 from vector<1x1x1xi32>
    %add3A_120 = arith.addi %add3A_108, %reduce_sum3A_119 : i32
    %eq3A_121 = arith.constant 4 : i32
    %eq3A_122 = vector.broadcast %eq3A_121 : i32 to vector<1024x16xi32>
    %eq3A_123 = arith.cmpi eq, %and3A_75, %eq3A_122 : vector<1024x16xi32>
    %jit3A_124 = arith.constant 0 : i32
    %broadcast_in_dim3A_125 = vector.broadcast %jit3A_124 : i32 to vector<1024x16xi32>
    %select_n3A_126 = arith.select %eq3A_123, %get3A_1, %broadcast_in_dim3A_125 : vector<1024x16xi1>, vector<1024x16xi32>
    %reduce_sum3A_127 = vector.shape_cast %select_n3A_126 : vector<1024x16xi32> to vector<1x1024x16xi32>
    %reduce_sum3A_128 = arith.constant dense<0> : vector<1xi32>
    %reduce_sum3A_129 = vector.multi_reduction <add>, %reduce_sum3A_127, %reduce_sum3A_128 [1, 2] : vector<1x1024x16xi32> to vector<1xi32>
    %reduce_sum3A_130 = vector.shape_cast %reduce_sum3A_129 : vector<1xi32> to vector<1x1x1xi32>
    %reduce_sum3A_131 = vector.extract %reduce_sum3A_130[0, 0, 0] : i32 from vector<1x1x1xi32>
    %add3A_132 = arith.addi %add3A_120, %reduce_sum3A_131 : i32
    %eq3A_133 = arith.constant 5 : i32
    %eq3A_134 = vector.broadcast %eq3A_133 : i32 to vector<1024x16xi32>
    %eq3A_135 = arith.cmpi eq, %and3A_75, %eq3A_134 : vector<1024x16xi32>
    %jit3A_136 = arith.constant 0 : i32
    %broadcast_in_dim3A_137 = vector.broadcast %jit3A_136 : i32 to vector<1024x16xi32>
    %select_n3A_138 = arith.select %eq3A_135, %get3A_1, %broadcast_in_dim3A_137 : vector<1024x16xi1>, vector<1024x16xi32>
    %reduce_sum3A_139 = vector.shape_cast %select_n3A_138 : vector<1024x16xi32> to vector<1x1024x16xi32>
    %reduce_sum3A_140 = arith.constant dense<0> : vector<1xi32>
    %reduce_sum3A_141 = vector.multi_reduction <add>, %reduce_sum3A_139, %reduce_sum3A_140 [1, 2] : vector<1x1024x16xi32> to vector<1xi32>
    %reduce_sum3A_142 = vector.shape_cast %reduce_sum3A_141 : vector<1xi32> to vector<1x1x1xi32>
    %reduce_sum3A_143 = vector.extract %reduce_sum3A_142[0, 0, 0] : i32 from vector<1x1x1xi32>
    %add3A_144 = arith.addi %add3A_132, %reduce_sum3A_143 : i32
    %eq3A_145 = arith.constant 6 : i32
    %eq3A_146 = vector.broadcast %eq3A_145 : i32 to vector<1024x16xi32>
    %eq3A_147 = arith.cmpi eq, %and3A_75, %eq3A_146 : vector<1024x16xi32>
    %jit3A_148 = arith.constant 0 : i32
    %broadcast_in_dim3A_149 = vector.broadcast %jit3A_148 : i32 to vector<1024x16xi32>
    %select_n3A_150 = arith.select %eq3A_147, %get3A_1, %broadcast_in_dim3A_149 : vector<1024x16xi1>, vector<1024x16xi32>
    %reduce_sum3A_151 = vector.shape_cast %select_n3A_150 : vector<1024x16xi32> to vector<1x1024x16xi32>
    %reduce_sum3A_152 = arith.constant dense<0> : vector<1xi32>
    %reduce_sum3A_153 = vector.multi_reduction <add>, %reduce_sum3A_151, %reduce_sum3A_152 [1, 2] : vector<1x1024x16xi32> to vector<1xi32>
    %reduce_sum3A_154 = vector.shape_cast %reduce_sum3A_153 : vector<1xi32> to vector<1x1x1xi32>
    %reduce_sum3A_155 = vector.extract %reduce_sum3A_154[0, 0, 0] : i32 from vector<1x1x1xi32>
    %add3A_156 = arith.addi %add3A_144, %reduce_sum3A_155 : i32
    %eq3A_157 = arith.constant 7 : i32
    %eq3A_158 = vector.broadcast %eq3A_157 : i32 to vector<1024x16xi32>
    %eq3A_159 = arith.cmpi eq, %and3A_75, %eq3A_158 : vector<1024x16xi32>
    %jit3A_160 = arith.constant 0 : i32
    %broadcast_in_dim3A_161 = vector.broadcast %jit3A_160 : i32 to vector<1024x16xi32>
    %select_n3A_162 = arith.select %eq3A_159, %get3A_1, %broadcast_in_dim3A_161 : vector<1024x16xi1>, vector<1024x16xi32>
    %reduce_sum3A_163 = vector.shape_cast %select_n3A_162 : vector<1024x16xi32> to vector<1x1024x16xi32>
    %reduce_sum3A_164 = arith.constant dense<0> : vector<1xi32>
    %reduce_sum3A_165 = vector.multi_reduction <add>, %reduce_sum3A_163, %reduce_sum3A_164 [1, 2] : vector<1x1024x16xi32> to vector<1xi32>
    %reduce_sum3A_166 = vector.shape_cast %reduce_sum3A_165 : vector<1xi32> to vector<1x1x1xi32>
    %reduce_sum3A_167 = vector.extract %reduce_sum3A_166[0, 0, 0] : i32 from vector<1x1x1xi32>
    %add3A_168 = arith.addi %add3A_156, %reduce_sum3A_167 : i32
    %broadcast_in_dim3A_169 = arith.constant 0 : i32
    %broadcast_in_dim3A_170 = vector.broadcast %broadcast_in_dim3A_169 : i32 to vector<1024x16xi32>
    %broadcast_in_dim3A_171 = arith.constant 0 : i32
    %broadcast_in_dim3A_172 = vector.broadcast %broadcast_in_dim3A_171 : i32 to vector<1024x1xi32>
    %ge3A = vector.broadcast %add3A_84 : i32 to vector<1024x16xi32>
    %ge3A_173 = arith.cmpi sge, %sub3A_73, %ge3A : vector<1024x16xi32>
    %convert_element_type3A = arith.extui %ge3A_173 : vector<1024x16xi1> to vector<1024x16xi32>
    %add3A_174 = arith.addi %broadcast_in_dim3A_170, %convert_element_type3A : vector<1024x16xi32>
    %ge3A_175 = vector.broadcast %add3A_84 : i32 to vector<1024x1xi32>
    %ge3A_176 = arith.cmpi sge, %sub3A, %ge3A_175 : vector<1024x1xi32>
    %convert_element_type3A_177 = arith.extui %ge3A_176 : vector<1024x1xi1> to vector<1024x1xi32>
    %add3A_178 = arith.addi %broadcast_in_dim3A_172, %convert_element_type3A_177 : vector<1024x1xi32>
    %ge3A_179 = vector.broadcast %add3A_96 : i32 to vector<1024x16xi32>
    %ge3A_180 = arith.cmpi sge, %sub3A_73, %ge3A_179 : vector<1024x16xi32>
    %convert_element_type3A_181 = arith.extui %ge3A_180 : vector<1024x16xi1> to vector<1024x16xi32>
    %add3A_182 = arith.addi %add3A_174, %convert_element_type3A_181 : vector<1024x16xi32>
    %ge3A_183 = vector.broadcast %add3A_96 : i32 to vector<1024x1xi32>
    %ge3A_184 = arith.cmpi sge, %sub3A, %ge3A_183 : vector<1024x1xi32>
    %convert_element_type3A_185 = arith.extui %ge3A_184 : vector<1024x1xi1> to vector<1024x1xi32>
    %add3A_186 = arith.addi %add3A_178, %convert_element_type3A_185 : vector<1024x1xi32>
    %ge3A_187 = vector.broadcast %add3A_108 : i32 to vector<1024x16xi32>
    %ge3A_188 = arith.cmpi sge, %sub3A_73, %ge3A_187 : vector<1024x16xi32>
    %convert_element_type3A_189 = arith.extui %ge3A_188 : vector<1024x16xi1> to vector<1024x16xi32>
    %add3A_190 = arith.addi %add3A_182, %convert_element_type3A_189 : vector<1024x16xi32>
    %ge3A_191 = vector.broadcast %add3A_108 : i32 to vector<1024x1xi32>
    %ge3A_192 = arith.cmpi sge, %sub3A, %ge3A_191 : vector<1024x1xi32>
    %convert_element_type3A_193 = arith.extui %ge3A_192 : vector<1024x1xi1> to vector<1024x1xi32>
    %add3A_194 = arith.addi %add3A_186, %convert_element_type3A_193 : vector<1024x1xi32>
    %ge3A_195 = vector.broadcast %add3A_120 : i32 to vector<1024x16xi32>
    %ge3A_196 = arith.cmpi sge, %sub3A_73, %ge3A_195 : vector<1024x16xi32>
    %convert_element_type3A_197 = arith.extui %ge3A_196 : vector<1024x16xi1> to vector<1024x16xi32>
    %add3A_198 = arith.addi %add3A_190, %convert_element_type3A_197 : vector<1024x16xi32>
    %ge3A_199 = vector.broadcast %add3A_120 : i32 to vector<1024x1xi32>
    %ge3A_200 = arith.cmpi sge, %sub3A, %ge3A_199 : vector<1024x1xi32>
    %convert_element_type3A_201 = arith.extui %ge3A_200 : vector<1024x1xi1> to vector<1024x1xi32>
    %add3A_202 = arith.addi %add3A_194, %convert_element_type3A_201 : vector<1024x1xi32>
    %ge3A_203 = vector.broadcast %add3A_132 : i32 to vector<1024x16xi32>
    %ge3A_204 = arith.cmpi sge, %sub3A_73, %ge3A_203 : vector<1024x16xi32>
    %convert_element_type3A_205 = arith.extui %ge3A_204 : vector<1024x16xi1> to vector<1024x16xi32>
    %add3A_206 = arith.addi %add3A_198, %convert_element_type3A_205 : vector<1024x16xi32>
    %ge3A_207 = vector.broadcast %add3A_132 : i32 to vector<1024x1xi32>
    %ge3A_208 = arith.cmpi sge, %sub3A, %ge3A_207 : vector<1024x1xi32>
    %convert_element_type3A_209 = arith.extui %ge3A_208 : vector<1024x1xi1> to vector<1024x1xi32>
    %add3A_210 = arith.addi %add3A_202, %convert_element_type3A_209 : vector<1024x1xi32>
    %ge3A_211 = vector.broadcast %add3A_144 : i32 to vector<1024x16xi32>
    %ge3A_212 = arith.cmpi sge, %sub3A_73, %ge3A_211 : vector<1024x16xi32>
    %convert_element_type3A_213 = arith.extui %ge3A_212 : vector<1024x16xi1> to vector<1024x16xi32>
    %add3A_214 = arith.addi %add3A_206, %convert_element_type3A_213 : vector<1024x16xi32>
    %ge3A_215 = vector.broadcast %add3A_144 : i32 to vector<1024x1xi32>
    %ge3A_216 = arith.cmpi sge, %sub3A, %ge3A_215 : vector<1024x1xi32>
    %convert_element_type3A_217 = arith.extui %ge3A_216 : vector<1024x1xi1> to vector<1024x1xi32>
    %add3A_218 = arith.addi %add3A_210, %convert_element_type3A_217 : vector<1024x1xi32>
    %ge3A_219 = vector.broadcast %add3A_156 : i32 to vector<1024x16xi32>
    %ge3A_220 = arith.cmpi sge, %sub3A_73, %ge3A_219 : vector<1024x16xi32>
    %convert_element_type3A_221 = arith.extui %ge3A_220 : vector<1024x16xi1> to vector<1024x16xi32>
    %add3A_222 = arith.addi %add3A_214, %convert_element_type3A_221 : vector<1024x16xi32>
    %ge3A_223 = vector.broadcast %add3A_156 : i32 to vector<1024x1xi32>
    %ge3A_224 = arith.cmpi sge, %sub3A, %ge3A_223 : vector<1024x1xi32>
    %convert_element_type3A_225 = arith.extui %ge3A_224 : vector<1024x1xi1> to vector<1024x1xi32>
    %add3A_226 = arith.addi %add3A_218, %convert_element_type3A_225 : vector<1024x1xi32>
    %ge3A_227 = vector.broadcast %add3A_168 : i32 to vector<1024x16xi32>
    %ge3A_228 = arith.cmpi sge, %sub3A_73, %ge3A_227 : vector<1024x16xi32>
    %convert_element_type3A_229 = arith.extui %ge3A_228 : vector<1024x16xi1> to vector<1024x16xi32>
    %add3A_230 = arith.addi %add3A_222, %convert_element_type3A_229 : vector<1024x16xi32>
    %ge3A_231 = vector.broadcast %add3A_168 : i32 to vector<1024x1xi32>
    %ge3A_232 = arith.cmpi sge, %sub3A, %ge3A_231 : vector<1024x1xi32>
    %convert_element_type3A_233 = arith.extui %ge3A_232 : vector<1024x1xi1> to vector<1024x1xi32>
    %add3A_234 = arith.addi %add3A_226, %convert_element_type3A_233 : vector<1024x1xi32>
    %min3A = arith.constant 7 : i32
    %min3A_235 = vector.broadcast %min3A : i32 to vector<1024x16xi32>
    %min3A_236 = arith.minsi %add3A_230, %min3A_235 : vector<1024x16xi32>
    %min3A_237 = arith.constant 7 : i32
    %min3A_238 = vector.broadcast %min3A_237 : i32 to vector<1024x1xi32>
    %min3A_239 = arith.minsi %add3A_234, %min3A_238 : vector<1024x1xi32>
    %broadcast_in_dim3A_240 = arith.constant 0 : i32
    %broadcast_in_dim3A_241 = vector.broadcast %broadcast_in_dim3A_240 : i32 to vector<1024x16xi32>
    %broadcast_in_dim3A_242 = arith.constant 0 : i32
    %broadcast_in_dim3A_243 = vector.broadcast %broadcast_in_dim3A_242 : i32 to vector<1024x1xi32>
    %eq3A_244 = arith.constant 0 : i32
    %eq3A_245 = vector.broadcast %eq3A_244 : i32 to vector<1024x16xi32>
    %eq3A_246 = arith.cmpi eq, %min3A_236, %eq3A_245 : vector<1024x16xi32>
    %jit3A_247 = arith.constant 0 : i32
    %jit3A_248 = arith.constant 0 : i32
    %broadcast_in_dim3A_249 = vector.broadcast %jit3A_247 : i32 to vector<1024x16xi32>
    %broadcast_in_dim3A_250 = vector.broadcast %jit3A_248 : i32 to vector<1024x16xi32>
    %select_n3A_251 = arith.select %eq3A_246, %broadcast_in_dim3A_249, %broadcast_in_dim3A_250 : vector<1024x16xi1>, vector<1024x16xi32>
    %add3A_252 = arith.addi %broadcast_in_dim3A_241, %select_n3A_251 : vector<1024x16xi32>
    %eq3A_253 = arith.constant 0 : i32
    %eq3A_254 = vector.broadcast %eq3A_253 : i32 to vector<1024x1xi32>
    %eq3A_255 = arith.cmpi eq, %min3A_239, %eq3A_254 : vector<1024x1xi32>
    %jit3A_256 = arith.constant 0 : i32
    %jit3A_257 = arith.constant 0 : i32
    %broadcast_in_dim3A_258 = vector.broadcast %jit3A_256 : i32 to vector<1024x1xi32>
    %broadcast_in_dim3A_259 = vector.broadcast %jit3A_257 : i32 to vector<1024x1xi32>
    %select_n3A_260 = arith.select %eq3A_255, %broadcast_in_dim3A_258, %broadcast_in_dim3A_259 : vector<1024x1xi1>, vector<1024x1xi32>
    %add3A_261 = arith.addi %broadcast_in_dim3A_243, %select_n3A_260 : vector<1024x1xi32>
    %eq3A_262 = arith.constant 1 : i32
    %eq3A_263 = vector.broadcast %eq3A_262 : i32 to vector<1024x16xi32>
    %eq3A_264 = arith.cmpi eq, %min3A_236, %eq3A_263 : vector<1024x16xi32>
    %jit3A_265 = arith.constant 0 : i32
    %broadcast_in_dim3A_266 = vector.broadcast %add3A_84 : i32 to vector<1024x16xi32>
    %broadcast_in_dim3A_267 = vector.broadcast %jit3A_265 : i32 to vector<1024x16xi32>
    %select_n3A_268 = arith.select %eq3A_264, %broadcast_in_dim3A_266, %broadcast_in_dim3A_267 : vector<1024x16xi1>, vector<1024x16xi32>
    %add3A_269 = arith.addi %add3A_252, %select_n3A_268 : vector<1024x16xi32>
    %eq3A_270 = arith.constant 1 : i32
    %eq3A_271 = vector.broadcast %eq3A_270 : i32 to vector<1024x1xi32>
    %eq3A_272 = arith.cmpi eq, %min3A_239, %eq3A_271 : vector<1024x1xi32>
    %jit3A_273 = arith.constant 0 : i32
    %broadcast_in_dim3A_274 = vector.broadcast %add3A_84 : i32 to vector<1024x1xi32>
    %broadcast_in_dim3A_275 = vector.broadcast %jit3A_273 : i32 to vector<1024x1xi32>
    %select_n3A_276 = arith.select %eq3A_272, %broadcast_in_dim3A_274, %broadcast_in_dim3A_275 : vector<1024x1xi1>, vector<1024x1xi32>
    %add3A_277 = arith.addi %add3A_261, %select_n3A_276 : vector<1024x1xi32>
    %eq3A_278 = arith.constant 2 : i32
    %eq3A_279 = vector.broadcast %eq3A_278 : i32 to vector<1024x16xi32>
    %eq3A_280 = arith.cmpi eq, %min3A_236, %eq3A_279 : vector<1024x16xi32>
    %jit3A_281 = arith.constant 0 : i32
    %broadcast_in_dim3A_282 = vector.broadcast %add3A_96 : i32 to vector<1024x16xi32>
    %broadcast_in_dim3A_283 = vector.broadcast %jit3A_281 : i32 to vector<1024x16xi32>
    %select_n3A_284 = arith.select %eq3A_280, %broadcast_in_dim3A_282, %broadcast_in_dim3A_283 : vector<1024x16xi1>, vector<1024x16xi32>
    %add3A_285 = arith.addi %add3A_269, %select_n3A_284 : vector<1024x16xi32>
    %eq3A_286 = arith.constant 2 : i32
    %eq3A_287 = vector.broadcast %eq3A_286 : i32 to vector<1024x1xi32>
    %eq3A_288 = arith.cmpi eq, %min3A_239, %eq3A_287 : vector<1024x1xi32>
    %jit3A_289 = arith.constant 0 : i32
    %broadcast_in_dim3A_290 = vector.broadcast %add3A_96 : i32 to vector<1024x1xi32>
    %broadcast_in_dim3A_291 = vector.broadcast %jit3A_289 : i32 to vector<1024x1xi32>
    %select_n3A_292 = arith.select %eq3A_288, %broadcast_in_dim3A_290, %broadcast_in_dim3A_291 : vector<1024x1xi1>, vector<1024x1xi32>
    %add3A_293 = arith.addi %add3A_277, %select_n3A_292 : vector<1024x1xi32>
    %eq3A_294 = arith.constant 3 : i32
    %eq3A_295 = vector.broadcast %eq3A_294 : i32 to vector<1024x16xi32>
    %eq3A_296 = arith.cmpi eq, %min3A_236, %eq3A_295 : vector<1024x16xi32>
    %jit3A_297 = arith.constant 0 : i32
    %broadcast_in_dim3A_298 = vector.broadcast %add3A_108 : i32 to vector<1024x16xi32>
    %broadcast_in_dim3A_299 = vector.broadcast %jit3A_297 : i32 to vector<1024x16xi32>
    %select_n3A_300 = arith.select %eq3A_296, %broadcast_in_dim3A_298, %broadcast_in_dim3A_299 : vector<1024x16xi1>, vector<1024x16xi32>
    %add3A_301 = arith.addi %add3A_285, %select_n3A_300 : vector<1024x16xi32>
    %eq3A_302 = arith.constant 3 : i32
    %eq3A_303 = vector.broadcast %eq3A_302 : i32 to vector<1024x1xi32>
    %eq3A_304 = arith.cmpi eq, %min3A_239, %eq3A_303 : vector<1024x1xi32>
    %jit3A_305 = arith.constant 0 : i32
    %broadcast_in_dim3A_306 = vector.broadcast %add3A_108 : i32 to vector<1024x1xi32>
    %broadcast_in_dim3A_307 = vector.broadcast %jit3A_305 : i32 to vector<1024x1xi32>
    %select_n3A_308 = arith.select %eq3A_304, %broadcast_in_dim3A_306, %broadcast_in_dim3A_307 : vector<1024x1xi1>, vector<1024x1xi32>
    %add3A_309 = arith.addi %add3A_293, %select_n3A_308 : vector<1024x1xi32>
    %eq3A_310 = arith.constant 4 : i32
    %eq3A_311 = vector.broadcast %eq3A_310 : i32 to vector<1024x16xi32>
    %eq3A_312 = arith.cmpi eq, %min3A_236, %eq3A_311 : vector<1024x16xi32>
    %jit3A_313 = arith.constant 0 : i32
    %broadcast_in_dim3A_314 = vector.broadcast %add3A_120 : i32 to vector<1024x16xi32>
    %broadcast_in_dim3A_315 = vector.broadcast %jit3A_313 : i32 to vector<1024x16xi32>
    %select_n3A_316 = arith.select %eq3A_312, %broadcast_in_dim3A_314, %broadcast_in_dim3A_315 : vector<1024x16xi1>, vector<1024x16xi32>
    %add3A_317 = arith.addi %add3A_301, %select_n3A_316 : vector<1024x16xi32>
    %eq3A_318 = arith.constant 4 : i32
    %eq3A_319 = vector.broadcast %eq3A_318 : i32 to vector<1024x1xi32>
    %eq3A_320 = arith.cmpi eq, %min3A_239, %eq3A_319 : vector<1024x1xi32>
    %jit3A_321 = arith.constant 0 : i32
    %broadcast_in_dim3A_322 = vector.broadcast %add3A_120 : i32 to vector<1024x1xi32>
    %broadcast_in_dim3A_323 = vector.broadcast %jit3A_321 : i32 to vector<1024x1xi32>
    %select_n3A_324 = arith.select %eq3A_320, %broadcast_in_dim3A_322, %broadcast_in_dim3A_323 : vector<1024x1xi1>, vector<1024x1xi32>
    %add3A_325 = arith.addi %add3A_309, %select_n3A_324 : vector<1024x1xi32>
    %eq3A_326 = arith.constant 5 : i32
    %eq3A_327 = vector.broadcast %eq3A_326 : i32 to vector<1024x16xi32>
    %eq3A_328 = arith.cmpi eq, %min3A_236, %eq3A_327 : vector<1024x16xi32>
    %jit3A_329 = arith.constant 0 : i32
    %broadcast_in_dim3A_330 = vector.broadcast %add3A_132 : i32 to vector<1024x16xi32>
    %broadcast_in_dim3A_331 = vector.broadcast %jit3A_329 : i32 to vector<1024x16xi32>
    %select_n3A_332 = arith.select %eq3A_328, %broadcast_in_dim3A_330, %broadcast_in_dim3A_331 : vector<1024x16xi1>, vector<1024x16xi32>
    %add3A_333 = arith.addi %add3A_317, %select_n3A_332 : vector<1024x16xi32>
    %eq3A_334 = arith.constant 5 : i32
    %eq3A_335 = vector.broadcast %eq3A_334 : i32 to vector<1024x1xi32>
    %eq3A_336 = arith.cmpi eq, %min3A_239, %eq3A_335 : vector<1024x1xi32>
    %jit3A_337 = arith.constant 0 : i32
    %broadcast_in_dim3A_338 = vector.broadcast %add3A_132 : i32 to vector<1024x1xi32>
    %broadcast_in_dim3A_339 = vector.broadcast %jit3A_337 : i32 to vector<1024x1xi32>
    %select_n3A_340 = arith.select %eq3A_336, %broadcast_in_dim3A_338, %broadcast_in_dim3A_339 : vector<1024x1xi1>, vector<1024x1xi32>
    %add3A_341 = arith.addi %add3A_325, %select_n3A_340 : vector<1024x1xi32>
    %eq3A_342 = arith.constant 6 : i32
    %eq3A_343 = vector.broadcast %eq3A_342 : i32 to vector<1024x16xi32>
    %eq3A_344 = arith.cmpi eq, %min3A_236, %eq3A_343 : vector<1024x16xi32>
    %jit3A_345 = arith.constant 0 : i32
    %broadcast_in_dim3A_346 = vector.broadcast %add3A_144 : i32 to vector<1024x16xi32>
    %broadcast_in_dim3A_347 = vector.broadcast %jit3A_345 : i32 to vector<1024x16xi32>
    %select_n3A_348 = arith.select %eq3A_344, %broadcast_in_dim3A_346, %broadcast_in_dim3A_347 : vector<1024x16xi1>, vector<1024x16xi32>
    %add3A_349 = arith.addi %add3A_333, %select_n3A_348 : vector<1024x16xi32>
    %eq3A_350 = arith.constant 6 : i32
    %eq3A_351 = vector.broadcast %eq3A_350 : i32 to vector<1024x1xi32>
    %eq3A_352 = arith.cmpi eq, %min3A_239, %eq3A_351 : vector<1024x1xi32>
    %jit3A_353 = arith.constant 0 : i32
    %broadcast_in_dim3A_354 = vector.broadcast %add3A_144 : i32 to vector<1024x1xi32>
    %broadcast_in_dim3A_355 = vector.broadcast %jit3A_353 : i32 to vector<1024x1xi32>
    %select_n3A_356 = arith.select %eq3A_352, %broadcast_in_dim3A_354, %broadcast_in_dim3A_355 : vector<1024x1xi1>, vector<1024x1xi32>
    %add3A_357 = arith.addi %add3A_341, %select_n3A_356 : vector<1024x1xi32>
    %eq3A_358 = arith.constant 7 : i32
    %eq3A_359 = vector.broadcast %eq3A_358 : i32 to vector<1024x16xi32>
    %eq3A_360 = arith.cmpi eq, %min3A_236, %eq3A_359 : vector<1024x16xi32>
    %jit3A_361 = arith.constant 0 : i32
    %broadcast_in_dim3A_362 = vector.broadcast %add3A_156 : i32 to vector<1024x16xi32>
    %broadcast_in_dim3A_363 = vector.broadcast %jit3A_361 : i32 to vector<1024x16xi32>
    %select_n3A_364 = arith.select %eq3A_360, %broadcast_in_dim3A_362, %broadcast_in_dim3A_363 : vector<1024x16xi1>, vector<1024x16xi32>
    %add3A_365 = arith.addi %add3A_349, %select_n3A_364 : vector<1024x16xi32>
    %eq3A_366 = arith.constant 7 : i32
    %eq3A_367 = vector.broadcast %eq3A_366 : i32 to vector<1024x1xi32>
    %eq3A_368 = arith.cmpi eq, %min3A_239, %eq3A_367 : vector<1024x1xi32>
    %jit3A_369 = arith.constant 0 : i32
    %broadcast_in_dim3A_370 = vector.broadcast %add3A_156 : i32 to vector<1024x1xi32>
    %broadcast_in_dim3A_371 = vector.broadcast %jit3A_369 : i32 to vector<1024x1xi32>
    %select_n3A_372 = arith.select %eq3A_368, %broadcast_in_dim3A_370, %broadcast_in_dim3A_371 : vector<1024x1xi1>, vector<1024x1xi32>
    %add3A_373 = arith.addi %add3A_357, %select_n3A_372 : vector<1024x1xi32>
    %sub3A_374 = arith.subi %sub3A_73, %add3A_365 : vector<1024x16xi32>
    %sub3A_375 = arith.subi %sub3A, %add3A_373 : vector<1024x1xi32>
    %jit3A_376 = arith.constant 1 : i32
    %jit3A_377 = arith.constant 2032 : i32
    %max3A = vector.broadcast %jit3A_376 : i32 to vector<1024x1xi32>
    %max3A_378 = arith.maxsi %max3A, %sub3A_375 : vector<1024x1xi32>
    %min3A_379 = vector.broadcast %jit3A_377 : i32 to vector<1024x1xi32>
    %min3A_380 = arith.minsi %min3A_379, %max3A_378 : vector<1024x1xi32>
    %gt3A = arith.constant 0 : i32
    %gt3A_381 = vector.broadcast %gt3A : i32 to vector<1024x16xi32>
    %gt3A_382 = arith.cmpi sgt, %get3A_1, %gt3A_381 : vector<1024x16xi32>
    %ge3A_383 = vector.broadcast %min3A_380 : vector<1024x1xi32> to vector<1024x16xi32>
    %ge3A_384 = arith.cmpi sge, %sub3A_374, %ge3A_383 : vector<1024x16xi32>
    %sub3A_385 = vector.broadcast %min3A_380 : vector<1024x1xi32> to vector<1024x16xi32>
    %sub3A_386 = arith.subi %sub3A_374, %sub3A_385 : vector<1024x16xi32>
    %add3A_387 = arith.constant 16 : i32
    %add3A_388 = vector.broadcast %add3A_387 : i32 to vector<1024x16xi32>
    %add3A_389 = arith.addi %sub3A_386, %add3A_388 : vector<1024x16xi32>
    %select_n3A_390 = arith.select %ge3A_384, %add3A_389, %sub3A_374 : vector<1024x16xi1>, vector<1024x16xi32>
    %jit3A_391 = arith.constant 32 : i32
    %broadcast_in_dim3A_392 = vector.broadcast %jit3A_391 : i32 to vector<1024x16xi32>
    %select_n3A_393 = arith.select %gt3A_382, %select_n3A_390, %broadcast_in_dim3A_392 : vector<1024x16xi1>, vector<1024x16xi32>
    %broadcast_in_dim3A_394 = vector.shape_cast %min3A_380 : vector<1024x1xi32> to vector<1024x1xi32>
    %broadcast_in_dim3A_395 = vector.broadcast %broadcast_in_dim3A_394 : vector<1024x1xi32> to vector<1024x16xi32>
    %concatenate3A_396 = tpu.concatenate %broadcast_in_dim3A_395, %select_n3A_393 in 1 : vector<1024x16xi32>, vector<1024x16xi32> -> vector<1024x32xi32>
    %swap3A = arith.constant 0 : index
    %swap3A_397 = arith.constant 0 : index
    %swap3A_398 = vector.load %arg1[%swap3A, %swap3A_397] : memref<1024x32xi32, #tpu.memory_space<vmem>>, vector<1024x32xi32>
    tpu.vector_store %arg1[%swap3A, %swap3A_397], %concatenate3A_396 {strides = array<i32>} : memref<1024x32xi32, #tpu.memory_space<vmem>>, vector<1024x32xi32>,
    %jit3A_399 = arith.constant 2048 : i32
    %broadcast_in_dim3A_400 = vector.broadcast %jit3A_399 : i32 to vector<1024x16xi32>
    %select_n3A_401 = arith.select %gt3A_382, %sub3A_374, %broadcast_in_dim3A_400 : vector<1024x16xi1>, vector<1024x16xi32>
    %swap3A_402 = arith.constant 0 : index
    %swap3A_403 = arith.constant 0 : index
    %swap3A_404 = vector.load %arg2[%swap3A_402, %swap3A_403] : memref<1024x16xi32, #tpu.memory_space<vmem>>, vector<1024x16xi32>
    tpu.vector_store %arg2[%swap3A_402, %swap3A_403], %select_n3A_401 {strides = array<i32>} : memref<1024x16xi32, #tpu.memory_space<vmem>>, vector<1024x16xi32>,
    return
  }
}

module attributes {stable_mosaic.version = 14 : i64} {
  func.func @_tc_body(%arg0: i32, %arg1: memref<8x128xf32, #tpu.memory_space<vmem>>, %arg2: memref<512x1024xf32, #tpu.memory_space<vmem>>, %arg3: memref<1x1x512xi32, #tpu.memory_space<vmem>>, %arg4: memref<2048x1024xbf16, #tpu.memory_space<vmem>>, %arg5: memref<512x1024xf32, #tpu.memory_space<vmem>>) attributes {dimension_semantics = [#tpu.dimension_semantics<arbitrary>], iteration_bounds = array<i64: 26>, scalar_prefetch = 0 : i64, scratch_operands = 0 : i64, tpu.core_type = #tpu.core_type<tc>, window_params = [{transform_indices = @transform_0, window_bounds = array<i64: 8, 128>}, {transform_indices = @transform_1, window_bounds = array<i64: 512, 1024>}, {transform_indices = @transform_2, window_bounds = array<i64: 1, 1, 512>}, {pipeline_mode = #tpu.pipeline_mode<synchronous>, transform_indices = @transform_3, window_bounds = array<i64: 2048, 1024>}, {transform_indices = @transform_4, window_bounds = array<i64: 512, 1024>}]} {
    %get3A = arith.constant 0 : index
    %get3A_0 = arith.constant 0 : index
    %get3A_1 = arith.constant 0 : index
    %get3A_2 = vector.load %arg3[%get3A, %get3A_0, %get3A_1] : memref<1x1x512xi32, #tpu.memory_space<vmem>>, vector<1x1x512xi32>
    %get3A_3 = vector.shape_cast %get3A_2 : vector<1x1x512xi32> to vector<512xi32>
    %reshape3A = vector.shape_cast %get3A_3 : vector<512xi32> to vector<512x1xi32>
    %iota3A = tpu.iota {dimensions = array<i32: 1>} : vector<512x2048xi32>
    %eq3A = vector.broadcast %reshape3A : vector<512x1xi32> to vector<512x2048xi32>
    %eq3A_4 = arith.cmpi eq, %eq3A, %iota3A : vector<512x2048xi32>
    %convert_element_type3A = arith.extui %eq3A_4 : vector<512x2048xi1> to vector<512x2048xi32>
    %convert_element_type3A_5 = arith.sitofp %convert_element_type3A : vector<512x2048xi32> to vector<512x2048xf32>
    %convert_element_type3A_6 = arith.truncf %convert_element_type3A_5 : vector<512x2048xf32> to vector<512x2048xbf16>
    %get3A_7 = arith.constant 0 : index
    %get3A_8 = arith.constant 0 : index
    %get3A_9 = vector.load %arg4[%get3A_7, %get3A_8] : memref<2048x1024xbf16, #tpu.memory_space<vmem>>, vector<2048x1024xbf16>
    %dot_general3A = arith.constant dense<0.000000e+00> : vector<512x1024xf32>
    %dot_general3A_10 = tpu.matmul %convert_element_type3A_6, %get3A_9, %dot_general3A {dimension_numbers = #tpu.dot_dimension_numbers<[1], [0], [0], [1], [0, 0, 1, 1], [], []>, transpose_lhs_hint = false} : vector<512x2048xbf16>, vector<2048x1024xbf16>, vector<512x1024xf32> -> vector<512x1024xf32>
    %get3A_11 = arith.constant 0 : index
    %get3A_12 = arith.constant 0 : index
    %get3A_13 = vector.load %arg2[%get3A_11, %get3A_12] : memref<512x1024xf32, #tpu.memory_space<vmem>>, vector<512x1024xf32>
    %mul3A = arith.constant 3.200000e+01 : f32
    %mul3A_14 = vector.broadcast %mul3A : f32 to vector<512x1024xf32>
    %mul3A_15 = arith.mulf %get3A_13, %mul3A_14 : vector<512x1024xf32>
    %add3A = arith.addf %mul3A_15, %dot_general3A_10 : vector<512x1024xf32>
    %swap3A = arith.constant 0 : index
    %swap3A_16 = arith.constant 0 : index
    %swap3A_17 = vector.load %arg5[%swap3A, %swap3A_16] : memref<512x1024xf32, #tpu.memory_space<vmem>>, vector<512x1024xf32>
    tpu.vector_store %arg5[%swap3A, %swap3A_16], %add3A {strides = array<i32>} : memref<512x1024xf32, #tpu.memory_space<vmem>>, vector<512x1024xf32>,
    return
  }
  func.func @transform_0(%arg0: i32) -> (i32, i32) {
    %c0_i32 = arith.constant 0 : i32
    %c0_i32_0 = arith.constant 0 : i32
    %c0_i32_1 = arith.constant 0 : i32
    return %c0_i32, %c0_i32_0 : i32, i32
  }
  func.func @transform_1(%arg0: i32) -> (i32, i32) {
    %add3A = arith.constant 6 : i32
    %add3A_0 = arith.addi %add3A, %arg0 : i32
    %c0_i32 = arith.constant 0 : i32
    %c0_i32_1 = arith.constant 0 : i32
    return %add3A_0, %c0_i32 : i32, i32
  }
  func.func @transform_2(%arg0: i32) -> (i32, i32, i32) {
    %add3A = arith.constant 6 : i32
    %add3A_0 = arith.addi %add3A, %arg0 : i32
    %c0_i32 = arith.constant 0 : i32
    %c0_i32_1 = arith.constant 0 : i32
    %c0_i32_2 = arith.constant 0 : i32
    return %add3A_0, %c0_i32, %c0_i32_1 : i32, i32, i32
  }
  func.func @transform_3(%arg0: i32) -> (i32, i32) {
    %c0_i32 = arith.constant 0 : i32
    %c0_i32_0 = arith.constant 0 : i32
    %c0_i32_1 = arith.constant 0 : i32
    return %c0_i32, %c0_i32_0 : i32, i32
  }
  func.func @transform_4(%arg0: i32) -> (i32, i32) {
    %add3A = arith.constant 6 : i32
    %add3A_0 = arith.addi %add3A, %arg0 : i32
    %c0_i32 = arith.constant 0 : i32
    %c0_i32_1 = arith.constant 0 : i32
    return %add3A_0, %c0_i32 : i32, i32
  }
}

</mosaic_0001>

<sc_bundles>
// kernel: kernel.5.cloned.1.call-start
scs
__scs_entry_jumppad:
0x0: {  	(pc) =	sbr.rel $0x88, $3  }
0x1: {  	(tag) =	ssettag $0x0;
	lr =	simm.s32 $0x1  }
0x2: {  	[smem:$0x3F9F] =	sst lr;
	_ =	strace $0xD0000000  }
0x3: {  	_ = 	snop  }
0x4: {  	_ = 	snop  }
0x5: {  	_ = 	snop  }
0x6: {  	_ = 	snop  }
0x7: {  	_ = 	snop  }
__scs_overlays_trampoline_lowered:
0x8: {  	[smem:$0x3FAE] =	sst s0  }
0x9: {  	[smem:$0x3FAF] =	sst s1  }
0xa: {  	[smem:$0x3FB0] =	sst s2  }
0xb: {  	[smem:$0x3FB1] =	sst s3  }
0xc: {  	[smem:$0x3FB2] =	sst s4  }
0xd: {  	[smem:$0x3FB3] =	sst s5  }
0xe: {  	[smem:$0x3FB4] =	sst s6  }
0xf: {  	[smem:$0x3FB5] =	sst s7  }
0x10: {  	[smem:$0x3FB6] =	sst s8  }
0x11: {  	[smem:$0x3FB7] =	sst s9;
	s0 =	simm.s32 @!p0 $0x0  }
0x12: {  	s1 =	sld [smem:$0x3F9D];
	s0 =	simm.s32 @p0 $0x1  }
0x13: {  	[smem:$0x3FB8] =	sst s0;
	s0 =	simm.s32 @!p1 $0x0  }
0x14: {  	s2 =	sld [smem:$0x3F9C];
	s0 =	simm.s32 @p1 $0x1  }
0x15: {  	[smem:$0x3FB9] =	sst s0;
	s0 =	simm.s32 @!p2 $0x0  }
0x16: {  	s3 =	sld [smem:$0x3FDB];
	s0 =	simm.s32 @p2 $0x1  }
0x17: {  	s4 =	simm.s32 $0x1BF5;
	[smem:$0x3FBB] =	sst s0  }
0x18: {  	s0 =	sld [smem:$0x3F9E];
	_ =	swait.ge [sflag:s4], $0x0  }
0x19: {  	s7 =	sld [smem:$0x3F9F]  }
0x1a: {  	s8 =	sadd.s32 $0xFFFFE003, lr  }
0x1b: {  	s9 =	sadd.s32 $0xFFFFFEF7, lr;
	s5 =	simm.s32 $0xFFFFFFFF;
	p2 =	slt.u32 s8, $0xFFFFF086  }
0x1c: {  	p1 =	slt.u32 s9, $0xF7A;
	s5 =	simm.s32 @!p2 $0x0  }
0x1d: {  	s5 =	simm.s32 @p1 $0x1;
	p0 =	seq.s32 s7, s2  }
0x1e: {  	s7 =	smul.u32 @!p0 $0xF7A, s2;
	p2 =	seq.s32 @!p0 s5, $0x0  }
0x1f: {  	s9 =	smul.u32 $0xF7A, s1;
	s8 =	simm.s32 @!p0 $0x1BF5;
	p2 =	por !p2, p0  }
0x20: {  	[sflag:s8] =	ssyncset.s32 @!p0 $0xFFFFF086;
	s6 =	sadd.s32 @!p0 s3, s7;
	s7 =	simm.s32 @!p0 $0x108  }
0x21: {  	s3 =	sadd.s32 s3, s9;
	s6 =	sadd.s32 @!p0 $0x88, s6;
	s7 =	simm.s32 @p2 $0x1082  }
0x22: {  	[simem:s7], [sflag:s8] =	dma.local @!p0 [hbm:s6], $0xF7A  }
0x23: {  	s9 =	sor.u32 $0xD0000000, s2;
	s6 =	simm.s32 $0x108;
	_ =	swait.ge @!p0 [sflag:s8], $0x0  }
0x24: {  	s3 =	sadd.s32 $0x88, s3;
	s6 =	simm.s32 @!p1 $0x1082;
	[sflag:s4] =	ssyncset.s32 $0xFFFFF086  }
0x25: {  	[simem:s6], [sflag:s4] =	dma.local [hbm:s3], $0xF7A  }
0x26: {  	[smem:$0x3F9F] =	sst s1;
	(tag) =	ssettag s2;
	_ =	strace s9  }
0x27: {  	s1 =	sld [smem:$0x3FAF]  }
0x28: {  	s2 =	sld [smem:$0x3FB0]  }
0x29: {  	s4 =	sld [smem:$0x3FB2]  }
0x2a: {  	p0 =	seq.s32 s5, $0x0;
	s5 =	sld [smem:$0x3FB3]  }
0x2b: {  	s6 =	sld [smem:$0x3FB4]  }
0x2c: {  	s7 =	sld [smem:$0x3FB5]  }
0x2d: {  	s3 =	simm.s32 $0x108;
	s8 =	sld [smem:$0x3FB6]  }
0x2e: {  	s3 =	simm.s32 @!p0 $0x1082;
	s9 =	sld [smem:$0x3FB7]  }
0x2f: {  	lr =	sadd.s32 s0, s3;
	s0 =	sld [smem:$0x3FAE]  }
0x30: {  	s3 =	sld [smem:$0x3FB1]  }
0x31: {  	[smem:$0x3FBA] =	sst s10  }
0x32: {  	s10 =	sld [smem:$0x3FB8];
	_ =	sdelay $0x3  }
0x33: {  	p0 =	seq.s32 s10, $0x1;
	s10 =	sld [smem:$0x3FBA];
	_ =	sdelay $0x3  }
0x34: {  	[smem:$0x3FBA] =	sst s10  }
0x35: {  	s10 =	sld [smem:$0x3FB9];
	_ =	sdelay $0x3  }
0x36: {  	p1 =	seq.s32 s10, $0x1;
	s10 =	sld [smem:$0x3FBA];
	_ =	sdelay $0x3  }
0x37: {  	[smem:$0x3FBA] =	sst s10  }
0x38: {  	s10 =	sld [smem:$0x3FBB]  }
0x39: {  	_ = 	snop;
	(pc) =	sbr.ind lr, $3  }
0x3a: {  	_ = 	snop  }
0x3b: {  	_ = 	snop  }
0x3c: {  	p2 =	seq.s32 s10, $0x1;
	s10 =	sld [smem:$0x3FBA]  }
0x3d: {  	_ =	shalt  }
0x3e: {  	_ =	shalt  }
0x3f: {  	_ =	shalt  }
0x40: {  	_ =	shalt  }
0x41: {  	_ =	shalt  }
0x42: {  	_ =	shalt  }
0x43: {  	_ =	shalt  }
0x44: {  	_ =	shalt  }
0x45: {  	_ =	shalt  }
0x46: {  	_ =	shalt  }
0x47: {  	_ =	shalt  }
0x48: {  	_ =	shalt  }
0x49: {  	_ =	shalt  }
0x4a: {  	_ =	shalt  }
0x4b: {  	_ =	shalt  }
0x4c: {  	_ =	shalt  }
0x4d: {  	_ =	shalt  }
0x4e: {  	_ =	shalt  }
0x4f: {  	_ =	shalt  }
0x50: {  	_ =	shalt  }
0x51: {  	_ =	shalt  }
0x52: {  	_ =	shalt  }
0x53: {  	_ =	shalt  }
0x54: {  	_ =	shalt  }
0x55: {  	_ =	shalt  }
0x56: {  	_ =	shalt  }
0x57: {  	_ =	shalt  }
0x58: {  	_ =	shalt  }
0x59: {  	_ =	shalt  }
0x5a: {  	_ =	shalt  }
0x5b: {  	_ =	shalt  }
0x5c: {  	_ =	shalt  }
0x5d: {  	_ =	shalt  }
0x5e: {  	_ =	shalt  }
0x5f: {  	_ =	shalt  }
0x60: {  	_ =	shalt  }
0x61: {  	_ =	shalt  }
0x62: {  	_ =	shalt  }
0x63: {  	_ =	shalt  }
0x64: {  	_ =	shalt  }
0x65: {  	_ =	shalt  }
0x66: {  	_ =	shalt  }
0x67: {  	_ =	shalt  }
0x68: {  	_ =	shalt  }
0x69: {  	_ =	shalt  }
0x6a: {  	_ =	shalt  }
0x6b: {  	_ =	shalt  }
0x6c: {  	_ =	shalt  }
0x6d: {  	_ =	shalt  }
0x6e: {  	_ =	shalt  }
0x6f: {  	_ =	shalt  }
0x70: {  	_ =	shalt  }
0x71: {  	_ =	shalt  }
0x72: {  	_ =	shalt  }
0x73: {  	_ =	shalt  }
0x74: {  	_ =	shalt  }
0x75: {  	_ =	shalt  }
0x76: {  	_ =	shalt  }
0x77: {  	_ =	shalt  }
0x78: {  	_ =	shalt  }
0x79: {  	_ =	shalt  }
0x7a: {  	_ =	shalt  }
0x7b: {  	_ =	shalt  }
0x7c: {  	_ =	shalt  }
0x7d: {  	_ =	shalt  }
0x7e: {  	_ =	shalt  }
0x7f: {  	_ =	shalt  }
0x80: {  	_ =	shalt  }
0x81: {  	_ =	shalt  }
0x82: {  	_ =	shalt  }
0x83: {  	_ =	shalt  }
0x84: {  	_ =	shalt  }
0x85: {  	_ =	shalt  }
0x86: {  	_ =	shalt  }
0x87: {  	_ =	shalt  }
.Lfunc_end0:
.L_simem_size_0:
called_computation_lowered:
.L_overlay_start_0:
0x88: {  	s2 =	sld [smem:$0x3FD9]  }
0x89: {  	s3 =	sld [smem:$0x3FFE];
	_ =	sdelay $0x1  }
0x8a: {  	s1 =	srdreg.scid  }
0x8b: {  	s0 =	sand.u32 $0x1, s1  }
0x8c: {  	s17 =	sshll.u32 s0, $0xA;
	s2 =	sadd.s32 s3, s2  }
0x8d: {  	s2 =	sadd.s32 s2, s17  }
0x8e: {  	[smem:$0x3FC6] =	sst s2  }
0x8f: {  	_ = 	snop  }
0x90: {  	s2 =	sld [smem:$0x3FC9]  }
0x91: {  	s18 =	sld [smem:$0x3FD0];
	(tm) =	ssettm $0x1  }
0x92: {  	s4 =	sld [smem:$0x3FFB];
	_ =	sdelay $0x3  }
0x93: {  	_ =	strace s4  }
0x94: {  	s4 =	sld [smem:$0x3FFC];
	_ =	sdelay $0x3  }
0x95: {  	_ =	strace s4  }
0x96: {  	s4 =	sld [smem:$0x3FFD];
	_ =	sdelay $0x3  }
0x97: {  	_ =	strace s4  }
0x98: {  	_ =	strace $0x8FFFFFFF  }
0x99: {  	s19 =	sld [smem:$0x3FDB];
	_ =	sdelay $0x1  }
0x9a: {  	s5 =	simm.s32 $_scs_section_size  }
0x9b: {  	s6 =	simm.s32 $_size__tile_overlayer_lowered;
	s7 =	simm.s32 $_tile_overlayer_lowered  }
0x9c: {  	s22 =	simm.s32 $0x1BFF;
	s21 =	sshll.u32 s7, $0x1;
	s4 =	sadd.s32 s5, s19  }
0x9d: {  	s8 =	simm.s32 $0x0;
	s20 =	sshll.u32 s6, $0x1;
	s6 =	sadd.s32 s21, s4  }
0x9e: {  	[timem:s8], [sflag:s22] =	dma.local [hbm:s6], s20  }
0x9f: {  	_ =	swait.ge [sflag:s22], s20  }
0xa0: {  	s5 =	ssub.s32 $0x0, s20;
	[sflag:s22] =	ssyncset.done $0x0  }
0xa1: {  	[sflag:s22] =	ssyncadd.s32 s5;
	_ =	sdelay $0x1  }
0xa2: {  	s23 =	simm.s32 $0x1B8B  }
0xa3: {  	_ =	swait.ge [sflag:s23], $0x1  }
0xa4: {  	[sflag:s23] =	ssyncset.done $0x0  }
0xa5: {  	s25 =	simm.s32 $0x1B8E;
	s24 =	sld [smem:$0x3FFE];
	[sflag:s23] =	ssyncadd.s32 $0xFFFFFFFF  }
0xa6: {  	s26 =	simm.s32 $execute0_lowered;
	[smem:$0x3FD2] =	sst s25  }
0xa7: {  	s6 =	sshll.u32 s26, $0x1;
	_ =	strace $0x80000046;
	[dreg:$0x1] =	wrdreg $0xFFFFFFFF  }
0xa8: {  	s28 =	simm.s32 $_size_execute0_lowered;
	s4 =	sadd.s32 s4, s6;
	[dreg:$0x0] =	wrdreg $0x0  }
0xa9: {  	s6 =	sshll.u32 s28, $0x1;
	[dreg:$0x2] =	wrdreg s4  }
0xaa: {  	[dreg:$0x3] =	wrdreg s6  }
0xab: {  	[dreg:$0x4] =	wrdreg $0xC0  }
0xac: {  	_ =	task [dreg:s8], $0x5FFFF  }
0xad: {  	[dreg:$0x1] =	wrdreg $0xFFFFFFFF  }
0xae: {  	[dreg:$0x0] =	wrdreg $0x60  }
0xaf: {  	[dreg:$0x2] =	wrdreg s2  }
0xb0: {  	[dreg:$0x3] =	wrdreg s24  }
0xb1: {  	[dreg:$0x4] =	wrdreg s18  }
0xb2: {  	[dreg:$0x5] =	wrdreg $0x9  }
0xb3: {  	_ =	task.clear_ibuf [dreg:s8], $0x6FFFF;
	_ =	strace $0x90000046  }
0xb4: {  	s29 =	simm.s32 $0x9;
	_ =	strace $0x80000048  }
0xb5: {  	_ =	swait.ge [sflag:s29], $0x1  }
0xb6: {  	[sflag:s29] =	ssyncadd.s32 $0xFFFFFFFF  }
0xb7: {  	_ =	strace $0x90000048  }
0xb8: {  	_ =	sfence  }
0xb9: {  	s30 =	sld [smem:$0x0];
	_ =	sdelay $0x2  }
0xba: {  	s31 =	sshll.u32 s1, $0xD;
	s1 =	sshrl.u32 s1, $0x2  }
0xbb: {  	s3 =	sand.u32 $0x4000, s31;
	s1 =	sadd.s32 s1, s30  }
0xbc: {  	s0 =	sor.u32 s3, s0;
	s1 =	sshll.u32 s1, $0x11  }
0xbd: {  	s0 =	sor.u32 s1, s0  }
0xbe: {  	s0 =	sadd.s32 $0x8F2B, s0  }
0xbf: {  	[sflag:s0] =	ssyncadd.remote.s32 $0x1  }
0xc0: {  	_ =	sfence.sel $0xFFFF  }
0xc1: {  	[dreg:$0x0] =	wrdreg $0xFFFFFFFF;
	(pc) =	sbr.abs _section_cstart, $3  }
0xc2: {  	[dreg:$0x1] =	wrdreg $0xFFFFFFFF  }
0xc3: {  	_ =	task.clear_ibuf [dreg:s8], $0x2FFFF;
	_ =	strace $0x9FFFFFFF  }
0xc4: {  	(tm) =	ssettm $0x7FFFFFFF  }
0xc5: {  	_ =	shalt  }
tec
execute0_lowered:
.L_overlay_start_1:
0x0: {  	(tag) =	ssettag $0x1  }
0x1: {  	s1 =	rddreg [dreg:$0x0]  }
0x2: {  	s0 =	rddreg [dreg:$0x1]  }
0x3: {  	s3 =	rddreg [dreg:$0x2];
	s2 =	srdreg.scid  }
0x4: {  	s5 =	stileid.u32;
	s4 =	simm.s32 $0x0;
	s17 =	simm.s32 $0x9  }
0x5: {  	s22 =	simm.s32 $0x18880;
	s28 =	simm.s32 $0x14400;
	s29 =	simm.s32 $0x1  }
0x6: {  	s30 =	simm.s32 $0x3;
	s2 =	sand.u32 $0x1, s2;
	s5 =	sshll.u32 s5, $0x1  }
0x7: {  	s31 =	simm.s32 $0x2;
	s16 =	simm.s32 $0x0;
	s8 =	sor.u32 s2, s5  }
0x8: {  	[smem:$0x7FF] =	sst s4;
	s6 =	sadd.s32 $0x4C00, s0;
	s5 =	smul.u32 $0x6, s8  }
0x9: {  	s7 =	sadd.s32 $0x5C00, s0;
	s2 =	ssub.s32 $0x2, s2;
	s9 =	smul.u32 $0x18, s8  }
0xa: {  	_ =	strace $0x80000047;
	s10 =	sshrl.u32 s2, $0x1;
	s11 =	smul.u32 $0x3000, s8  }
0xb: {  	s8 =	sadd.s32 $0xA2000, s0;
	s2 =	ssub.s32 s2, s10;
	s24 =	sadd.s32 s6, s9  }
.Ltmp0:
0xc: {  	s25 =	sadd.s32 s1, s11;
	s12 =	sor.u32 $0x1, s5;
	(pc) =	sbr.rel .LBB2_1-.Ltmp0, $4  }
0xd: {  	s13 =	sadd.s32 $0x2, s5;
	s14 =	sadd.s32 $0x3, s5;
	[dreg:$0x4] =	wrdreg s24  }
0xe: {  	s26 =	smax.u32 s2, $0x1;
	s2 =	simm.s32 $0x6;
	[dreg:$0x6] =	wrdreg s25  }
0xf: {  	s0 =	sadd.s32 $0x4, s24;
	[dreg:$0x7] =	wrdreg s26;
	s25 =	simm.s32 $0x4000  }
0x10: {  	v0 =	vlaneseq.u32;
	s26 =	simm.s32 $0x8;
	[dreg:$0x5] =	wrdreg s0;
	s0 =	simm.s32 $0x4  }
.LBB2_8:
0x11: {  	_ =	swait.ge [sflag:s2], $0x4000  }
0x12: {  	s16 =	sadd.s32 $0x1, s16;
	s9 =	rddreg [dreg:$0x7]  }
0x13: {  	p0 =	sne.s32 s16, s9  }
.Ltmp1:
0x14: {  	_ = 	snop;
	(pc) =	sbr.rel @!p0 .LBB2_9-.Ltmp1, $3  }
0x15: {  	_ =	sdelay $0x1  }
0x16: {  	[sflag:s2] =	ssyncset.done $0x0  }
0x17: {  	[sflag:s2] =	ssyncadd.s32 $0xFFFFC000  }
.LBB2_1:
0x18: {  	s9 =	simm.s32 $0x8000  }
0x19: {  	[tilespmem:s9], [sflag:$0x9] =	stream.linear.gather [hbm4b:s7+s4], $0x4000, $0x38;
	[tilespmem:$0x18900] =	vst v63  }
0x1a: {  	_ =	swait.ge [sflag:s17], $0x4000  }
0x1b: {  	[sflag:s17] =	ssyncset.done $0x0  }
0x1c: {  	s10 =	simm.s32 $0x10000;
	[sflag:s17] =	ssyncadd.s32 $0xFFFFC000  }
0x1d: {  	[tilespmem:s10], [sflag:$0x9] =	stream.linear.gather [hbm4b:s8+s4], $0x400, $0x38;
	[tilespmem:$0x18900] =	vst v63  }
0x1e: {  	_ =	swait.ge [sflag:s17], $0x400  }
0x1f: {  	[sflag:s17] =	ssyncset.done $0x0  }
0x20: {  	s11 =	simm.s32 $0x10400;
	[sflag:s17] =	ssyncadd.s32 $0xFFFFFC00  }
0x21: {  	[tilespmem:s11], [sflag:$0x9] =	stream.linear.gather [hbm4b:s7+s4], $0x4000, $0x38;
	[tilespmem:$0x18900] =	vst v63  }
0x22: {  	_ =	swait.ge [sflag:s17], $0x4000  }
0x23: {  	[sflag:s17] =	ssyncset.done $0x0  }
0x24: {  	s15 =	simm.s32 $0x18400;
	[sflag:s17] =	ssyncadd.s32 $0xFFFFC000  }
0x25: {  	[tilespmem:s15], [sflag:$0x9] =	stream.linear.gather [hbm4b:s8+s4], $0x400, $0x38;
	[tilespmem:$0x18900] =	vst v63  }
0x26: {  	_ =	swait.ge [sflag:s17], $0x400  }
0x27: {  	[sflag:s17] =	ssyncset.done $0x0  }
0x28: {  	s10 =	simm.s32 $0x18800;
	s18 =	rddreg [dreg:$0x4];
	[sflag:s17] =	ssyncadd.s32 $0xFFFFFC00  }
0x29: {  	[tilespmem:s10], [sflag:$0x7] =	stream.linear.gather [hbm4b:s18+s4], $0x20, $0x38;
	[tilespmem:$0x18900] =	vst v63  }
0x2a: {  	s19 =	rddreg [dreg:$0x5]  }
0x2b: {  	[tilespmem:s22], [sflag:$0x8] =	stream.linear.gather [hbm4b:s19+s4], $0x20, $0x38;
	[tilespmem:$0x18900] =	vst v63  }
0x2c: {  	s21 =	simm.s32 $0x7;
	s20 =	rddreg [dreg:$0x6]  }
0x2d: {  	[tilespmem:s4], [sflag:$0x1] =	stream.linear.gather [hbm4b:s20+s4], $0x4000, $0x38;
	[tilespmem:$0x18900] =	vst v63  }
0x2e: {  	_ =	swait.ge [sflag:s21], $0x20  }
0x2f: {  	[sflag:s21] =	ssyncset.done $0x0  }
0x30: {  	[sflag:s21] =	ssyncadd.s32 $0xFFFFFFE0  }
0x31: {  	v1 =	vld [tilespmem:$0x18800];
	_ =	sdelay $0x4  }
0x32: {  	v1 =	vxor.u32 $0x80000000, v1  }
0x33: {  	(xrf0) =	vmax.scan.msk.u32 $0xffff, v1;
	_ =	sdelay $0x5  }
0x34: {  	v1, _, _ =	vpop (xrf0)  }
0x35: {  	(v2sf) =	vpush v1, $0xF;
	_ =	sdelay $0xe  }
0x36: {  	s23 =	spop (v2sf)  }
0x37: {  	s9 =	sshll.u32 s23, $0x7  }
0x38: {  	s9 =	sand.u32 $0x1FFFFF80, s9  }
0x39: {  	s24 =	simm.s32 $0xC000;
	s18 =	simm.s32 $0x0;
	s9 =	sadd.s32 s7, s9  }
0x3a: {  	[tilespmem:s24], [sflag:$0x3] =	stream.linear.gather [hbm4b:s9+s4], $0x4000, $0x38;
	[tilespmem:$0x18900] =	vst v63  }
.LBB2_2:
0x3b: {  	s19 =	sshll.u32 s18, $0x1;
	p0 =	seq.s32 s18, $0x0  }
0x3c: {  	s9 =	simm.s32 @!p0 $0x6;
	s10 =	sadd.s32 s19, s12  }
0x3d: {  	_ =	swait.ge @!p0 [sflag:s9], $0x4000;
	s10 =	sshll.u32 s10, $0xB  }
0x3e: {  	[sflag:s9] =	ssyncset.done @!p0 $0x0;
	s20 =	sand.u32 $0x1FFFF800, s10  }
0x3f: {  	s21 =	simm.s32 $0x0;
	[sflag:s9] =	ssyncadd.s32 @!p0 $0xFFFFC000;
	s23 =	sadd.s32 s1, s20  }
0x40: {  	[tilespmem:s25], [sflag:$0x2] =	stream.linear.gather [hbm4b:s23+s21], $0x4000, $0x38;
	[tilespmem:$0x18900] =	vst v63  }
0x41: {  	_ =	swait.ge [sflag:s26], $0x20  }
0x42: {  	[sflag:s26] =	ssyncset.done $0x0  }
0x43: {  	[sflag:s26] =	ssyncadd.s32 $0xFFFFFFE0  }
0x44: {  	v1 =	vld [tilespmem:$0x18880];
	_ =	sdelay $0x4  }
0x45: {  	v1 =	vxor.u32 $0x80000000, v1  }
0x46: {  	(xrf0) =	vmax.scan.msk.u32 $0xffff, v1;
	_ =	sdelay $0x5  }
0x47: {  	v1, _, _ =	vpop (xrf0)  }
0x48: {  	(v2sf) =	vpush v1, $0xF;
	_ =	sdelay $0xe  }
0x49: {  	s24 =	spop (v2sf)  }
0x4a: {  	s9 =	sshll.u32 s24, $0x7  }
0x4b: {  	s9 =	sand.u32 $0x1FFFFF80, s9  }
0x4c: {  	s9 =	sadd.s32 s7, s9  }
0x4d: {  	[tilespmem:s28], [sflag:$0x4] =	stream.linear.gather [hbm4b:s9+s21], $0x4000, $0x38;
	[tilespmem:$0x18900] =	vst v63  }
0x4e: {  	_ =	swait.ge [sflag:s29], $0x4000  }
0x4f: {  	[sflag:s29] =	ssyncset.done $0x0  }
0x50: {  	[sflag:s29] =	ssyncadd.s32 $0xFFFFC000  }
0x51: {  	_ =	swait.ge [sflag:s30], $0x4000  }
0x52: {  	[sflag:s30] =	ssyncset.done $0x0  }
0x53: {  	[sflag:s30] =	ssyncadd.s32 $0xFFFFC000  }
0x54: {  	v1 =	vld [tilespmem:$0x18810];
	_ =	sdelay $0x4  }
0x55: {  	s11 =	simm.s32 $0x0;
	s10 =	simm.s32 $0x0;
	s24 =	simm.s32 $0x0;
	v1 =	vxor.u32 $0x80000000, v1  }
.LBB2_3:
0x56: {  	v2 =	vmov s11  }
0x57: {  	vm0 =	veq.s32 v2, v0  }
0x58: {  	v2 =	vnsel vm0, $0x80000000, v1  }
0x59: {  	(xrf0) =	vmax.scan.msk.u32 $0xffff, v2;
	_ =	sdelay $0x5  }
0x5a: {  	v2, _, _ =	vpop (xrf0)  }
0x5b: {  	(v2sf) =	vpush v2, $0xF;
	_ =	sdelay $0xd  }
0x5c: {  	s9 =	sand.u32 $0x2000, s24;
	s15 =	sand.u32 $0x380, s10  }
0x5d: {  	s9 =	sor.u32 s15, s9;
	s23 =	spop (v2sf)  }
0x5e: {  	v2 =	vld [tilespmem:s9+$0x0];
	s23 =	sshll.u32 s23, $0xC  }
0x5f: {  	s15 =	sshra.s32 s23, $0x2  }
0x60: {  	v3 =	vld [tilespmem:s15+$0x8000];
	_ =	sdelay $0x2  }
0x61: {  	v2 =	vmul.f32 $3.200000000e+01, v2;
	_ =	sdelay $0x1  }
0x62: {  	v2 =	vadd.f32 v3, v2  }
0x63: {  	v3 =	vld [tilespmem:s9+$0x10]  }
0x64: {  	[tilespmem:s9+$0x0] =	vst v2  }
0x65: {  	v2 =	vld [tilespmem:s15+$0x8010];
	_ =	sdelay $0x2  }
0x66: {  	v3 =	vmul.f32 $3.200000000e+01, v3;
	_ =	sdelay $0x1  }
0x67: {  	v2 =	vadd.f32 v2, v3  }
0x68: {  	v3 =	vld [tilespmem:s9+$0x20]  }
0x69: {  	[tilespmem:s9+$0x10] =	vst v2  }
0x6a: {  	v2 =	vld [tilespmem:s15+$0x8020];
	_ =	sdelay $0x2  }
0x6b: {  	v3 =	vmul.f32 $3.200000000e+01, v3;
	_ =	sdelay $0x1  }
0x6c: {  	v2 =	vadd.f32 v2, v3  }
0x6d: {  	v3 =	vld [tilespmem:s9+$0x30]  }
0x6e: {  	[tilespmem:s9+$0x20] =	vst v2  }
0x6f: {  	v2 =	vld [tilespmem:s15+$0x8030];
	_ =	sdelay $0x2  }
0x70: {  	v3 =	vmul.f32 $3.200000000e+01, v3;
	_ =	sdelay $0x1  }
0x71: {  	v2 =	vadd.f32 v2, v3  }
0x72: {  	v3 =	vld [tilespmem:s9+$0x40]  }
0x73: {  	[tilespmem:s9+$0x30] =	vst v2  }
0x74: {  	v2 =	vld [tilespmem:s15+$0x8040];
	_ =	sdelay $0x2  }
0x75: {  	v3 =	vmul.f32 $3.200000000e+01, v3;
	_ =	sdelay $0x1  }
0x76: {  	v2 =	vadd.f32 v2, v3  }
0x77: {  	v3 =	vld [tilespmem:s9+$0x50]  }
0x78: {  	[tilespmem:s9+$0x40] =	vst v2  }
0x79: {  	v2 =	vld [tilespmem:s15+$0x8050];
	_ =	sdelay $0x2  }
0x7a: {  	v3 =	vmul.f32 $3.200000000e+01, v3;
	_ =	sdelay $0x1  }
0x7b: {  	v2 =	vadd.f32 v2, v3  }
0x7c: {  	v3 =	vld [tilespmem:s9+$0x60]  }
0x7d: {  	[tilespmem:s9+$0x50] =	vst v2  }
0x7e: {  	v2 =	vld [tilespmem:s15+$0x8060];
	_ =	sdelay $0x2  }
0x7f: {  	v3 =	vmul.f32 $3.200000000e+01, v3;
	_ =	sdelay $0x1  }
0x80: {  	v2 =	vadd.f32 v2, v3  }
0x81: {  	v3 =	vld [tilespmem:s9+$0x70]  }
0x82: {  	[tilespmem:s9+$0x60] =	vst v2  }
0x83: {  	v2 =	vld [tilespmem:s15+$0x8070];
	_ =	sdelay $0x2  }
0x84: {  	v3 =	vmul.f32 $3.200000000e+01, v3;
	_ =	sdelay $0x1  }
0x85: {  	v2 =	vadd.f32 v2, v3  }
0x86: {  	v3 =	vld [tilespmem:s9+$0x400]  }
0x87: {  	[tilespmem:s9+$0x70] =	vst v2  }
0x88: {  	v2 =	vld [tilespmem:s15+$0x8080];
	_ =	sdelay $0x2  }
0x89: {  	v3 =	vmul.f32 $3.200000000e+01, v3;
	_ =	sdelay $0x1  }
0x8a: {  	v2 =	vadd.f32 v2, v3  }
0x8b: {  	v3 =	vld [tilespmem:s9+$0x410]  }
0x8c: {  	[tilespmem:s9+$0x400] =	vst v2  }
0x8d: {  	v2 =	vld [tilespmem:s15+$0x8090];
	_ =	sdelay $0x2  }
0x8e: {  	v3 =	vmul.f32 $3.200000000e+01, v3;
	_ =	sdelay $0x1  }
0x8f: {  	v2 =	vadd.f32 v2, v3  }
0x90: {  	v3 =	vld [tilespmem:s9+$0x420]  }
0x91: {  	[tilespmem:s9+$0x410] =	vst v2  }
0x92: {  	v2 =	vld [tilespmem:s15+$0x80A0];
	_ =	sdelay $0x2  }
0x93: {  	v3 =	vmul.f32 $3.200000000e+01, v3;
	_ =	sdelay $0x1  }
0x94: {  	v2 =	vadd.f32 v2, v3  }
0x95: {  	v3 =	vld [tilespmem:s9+$0x430]  }
0x96: {  	[tilespmem:s9+$0x420] =	vst v2  }
0x97: {  	v2 =	vld [tilespmem:s15+$0x80B0];
	_ =	sdelay $0x2  }
0x98: {  	v3 =	vmul.f32 $3.200000000e+01, v3;
	_ =	sdelay $0x1  }
0x99: {  	v2 =	vadd.f32 v2, v3  }
0x9a: {  	v3 =	vld [tilespmem:s9+$0x440]  }
0x9b: {  	[tilespmem:s9+$0x430] =	vst v2  }
0x9c: {  	v2 =	vld [tilespmem:s15+$0x80C0];
	_ =	sdelay $0x2  }
0x9d: {  	v3 =	vmul.f32 $3.200000000e+01, v3;
	_ =	sdelay $0x1  }
0x9e: {  	v2 =	vadd.f32 v2, v3  }
0x9f: {  	v3 =	vld [tilespmem:s9+$0x450]  }
0xa0: {  	[tilespmem:s9+$0x440] =	vst v2  }
0xa1: {  	v2 =	vld [tilespmem:s15+$0x80D0];
	_ =	sdelay $0x2  }
0xa2: {  	v3 =	vmul.f32 $3.200000000e+01, v3;
	_ =	sdelay $0x1  }
0xa3: {  	v2 =	vadd.f32 v2, v3  }
0xa4: {  	v3 =	vld [tilespmem:s9+$0x460]  }
0xa5: {  	[tilespmem:s9+$0x450] =	vst v2  }
0xa6: {  	v2 =	vld [tilespmem:s15+$0x80E0];
	_ =	sdelay $0x2  }
0xa7: {  	v3 =	vmul.f32 $3.200000000e+01, v3;
	_ =	sdelay $0x1  }
0xa8: {  	v2 =	vadd.f32 v2, v3  }
0xa9: {  	v3 =	vld [tilespmem:s9+$0x470]  }
0xaa: {  	[tilespmem:s9+$0x460] =	vst v2  }
0xab: {  	v2 =	vld [tilespmem:s15+$0x80F0];
	_ =	sdelay $0x2  }
0xac: {  	v3 =	vmul.f32 $3.200000000e+01, v3;
	_ =	sdelay $0x1  }
0xad: {  	v2 =	vadd.f32 v2, v3  }
0xae: {  	v3 =	vld [tilespmem:s9+$0x800]  }
0xaf: {  	[tilespmem:s9+$0x470] =	vst v2  }
0xb0: {  	v2 =	vld [tilespmem:s15+$0x8100];
	_ =	sdelay $0x2  }
0xb1: {  	v3 =	vmul.f32 $3.200000000e+01, v3;
	_ =	sdelay $0x1  }
0xb2: {  	v2 =	vadd.f32 v2, v3  }
0xb3: {  	v3 =	vld [tilespmem:s9+$0x810]  }
0xb4: {  	[tilespmem:s9+$0x800] =	vst v2  }
0xb5: {  	v2 =	vld [tilespmem:s15+$0x8110];
	_ =	sdelay $0x2  }
0xb6: {  	v3 =	vmul.f32 $3.200000000e+01, v3;
	_ =	sdelay $0x1  }
0xb7: {  	v2 =	vadd.f32 v2, v3  }
0xb8: {  	v3 =	vld [tilespmem:s9+$0x820]  }
0xb9: {  	[tilespmem:s9+$0x810] =	vst v2  }
0xba: {  	v2 =	vld [tilespmem:s15+$0x8120];
	_ =	sdelay $0x2  }
0xbb: {  	v3 =	vmul.f32 $3.200000000e+01, v3;
	_ =	sdelay $0x1  }
0xbc: {  	v2 =	vadd.f32 v2, v3  }
0xbd: {  	v3 =	vld [tilespmem:s9+$0x830]  }
0xbe: {  	[tilespmem:s9+$0x820] =	vst v2  }
0xbf: {  	v2 =	vld [tilespmem:s15+$0x8130];
	_ =	sdelay $0x2  }
0xc0: {  	v3 =	vmul.f32 $3.200000000e+01, v3;
	_ =	sdelay $0x1  }
0xc1: {  	v2 =	vadd.f32 v2, v3  }
0xc2: {  	v3 =	vld [tilespmem:s9+$0x840]  }
0xc3: {  	[tilespmem:s9+$0x830] =	vst v2  }
0xc4: {  	v2 =	vld [tilespmem:s15+$0x8140];
	_ =	sdelay $0x2  }
0xc5: {  	v3 =	vmul.f32 $3.200000000e+01, v3;
	_ =	sdelay $0x1  }
0xc6: {  	v2 =	vadd.f32 v2, v3  }
0xc7: {  	v3 =	vld [tilespmem:s9+$0x850]  }
0xc8: {  	[tilespmem:s9+$0x840] =	vst v2  }
0xc9: {  	v2 =	vld [tilespmem:s15+$0x8150];
	_ =	sdelay $0x2  }
0xca: {  	v3 =	vmul.f32 $3.200000000e+01, v3;
	_ =	sdelay $0x1  }
0xcb: {  	v2 =	vadd.f32 v2, v3  }
0xcc: {  	v3 =	vld [tilespmem:s9+$0x860]  }
0xcd: {  	[tilespmem:s9+$0x850] =	vst v2  }
0xce: {  	v2 =	vld [tilespmem:s15+$0x8160];
	_ =	sdelay $0x2  }
0xcf: {  	v3 =	vmul.f32 $3.200000000e+01, v3;
	_ =	sdelay $0x1  }
0xd0: {  	v2 =	vadd.f32 v2, v3  }
0xd1: {  	v3 =	vld [tilespmem:s9+$0x870]  }
0xd2: {  	[tilespmem:s9+$0x860] =	vst v2  }
0xd3: {  	v2 =	vld [tilespmem:s15+$0x8170];
	_ =	sdelay $0x2  }
0xd4: {  	v3 =	vmul.f32 $3.200000000e+01, v3;
	_ =	sdelay $0x1  }
0xd5: {  	v2 =	vadd.f32 v2, v3  }
0xd6: {  	v3 =	vld [tilespmem:s9+$0xC00]  }
0xd7: {  	[tilespmem:s9+$0x870] =	vst v2  }
0xd8: {  	v2 =	vld [tilespmem:s15+$0x8180];
	_ =	sdelay $0x2  }
0xd9: {  	v3 =	vmul.f32 $3.200000000e+01, v3;
	_ =	sdelay $0x1  }
0xda: {  	v2 =	vadd.f32 v2, v3  }
0xdb: {  	v3 =	vld [tilespmem:s9+$0xC10]  }
0xdc: {  	[tilespmem:s9+$0xC00] =	vst v2  }
0xdd: {  	v2 =	vld [tilespmem:s15+$0x8190];
	_ =	sdelay $0x2  }
0xde: {  	v3 =	vmul.f32 $3.200000000e+01, v3;
	_ =	sdelay $0x1  }
0xdf: {  	v2 =	vadd.f32 v2, v3  }
0xe0: {  	v3 =	vld [tilespmem:s9+$0xC20]  }
0xe1: {  	[tilespmem:s9+$0xC10] =	vst v2  }
0xe2: {  	v2 =	vld [tilespmem:s15+$0x81A0];
	_ =	sdelay $0x2  }
0xe3: {  	v3 =	vmul.f32 $3.200000000e+01, v3;
	_ =	sdelay $0x1  }
0xe4: {  	v2 =	vadd.f32 v2, v3  }
0xe5: {  	v3 =	vld [tilespmem:s9+$0xC30]  }
0xe6: {  	[tilespmem:s9+$0xC20] =	vst v2  }
0xe7: {  	v2 =	vld [tilespmem:s15+$0x81B0];
	_ =	sdelay $0x2  }
0xe8: {  	v3 =	vmul.f32 $3.200000000e+01, v3;
	_ =	sdelay $0x1  }
0xe9: {  	v2 =	vadd.f32 v2, v3  }
0xea: {  	v3 =	vld [tilespmem:s9+$0xC40]  }
0xeb: {  	[tilespmem:s9+$0xC30] =	vst v2  }
0xec: {  	v2 =	vld [tilespmem:s15+$0x81C0];
	_ =	sdelay $0x2  }
0xed: {  	v3 =	vmul.f32 $3.200000000e+01, v3;
	_ =	sdelay $0x1  }
0xee: {  	v2 =	vadd.f32 v2, v3  }
0xef: {  	v3 =	vld [tilespmem:s9+$0xC50]  }
0xf0: {  	[tilespmem:s9+$0xC40] =	vst v2  }
0xf1: {  	v2 =	vld [tilespmem:s15+$0x81D0];
	_ =	sdelay $0x2  }
0xf2: {  	v3 =	vmul.f32 $3.200000000e+01, v3;
	_ =	sdelay $0x1  }
0xf3: {  	v2 =	vadd.f32 v2, v3  }
0xf4: {  	v3 =	vld [tilespmem:s9+$0xC60]  }
0xf5: {  	[tilespmem:s9+$0xC50] =	vst v2  }
0xf6: {  	v2 =	vld [tilespmem:s15+$0x81E0];
	_ =	sdelay $0x2  }
0xf7: {  	v3 =	vmul.f32 $3.200000000e+01, v3;
	_ =	sdelay $0x1  }
0xf8: {  	v2 =	vadd.f32 v2, v3  }
0xf9: {  	v3 =	vld [tilespmem:s9+$0xC70]  }
0xfa: {  	[tilespmem:s9+$0xC60] =	vst v2  }
0xfb: {  	v2 =	vld [tilespmem:s15+$0x81F0];
	_ =	sdelay $0x2  }
0xfc: {  	v3 =	vmul.f32 $3.200000000e+01, v3;
	_ =	sdelay $0x1  }
0xfd: {  	v2 =	vadd.f32 v2, v3  }
0xfe: {  	v3 =	vld [tilespmem:s9+$0x1000]  }
0xff: {  	[tilespmem:s9+$0xC70] =	vst v2  }
0x100: {  	v2 =	vld [tilespmem:s15+$0x8200];
	_ =	sdelay $0x2  }
0x101: {  	v3 =	vmul.f32 $3.200000000e+01, v3;
	_ =	sdelay $0x1  }
0x102: {  	v2 =	vadd.f32 v2, v3  }
0x103: {  	v3 =	vld [tilespmem:s9+$0x1010]  }
0x104: {  	[tilespmem:s9+$0x1000] =	vst v2  }
0x105: {  	v2 =	vld [tilespmem:s15+$0x8210];
	_ =	sdelay $0x2  }
0x106: {  	v3 =	vmul.f32 $3.200000000e+01, v3;
	_ =	sdelay $0x1  }
0x107: {  	v2 =	vadd.f32 v2, v3  }
0x108: {  	v3 =	vld [tilespmem:s9+$0x1020]  }
0x109: {  	[tilespmem:s9+$0x1010] =	vst v2  }
0x10a: {  	v2 =	vld [tilespmem:s15+$0x8220];
	_ =	sdelay $0x2  }
0x10b: {  	v3 =	vmul.f32 $3.200000000e+01, v3;
	_ =	sdelay $0x1  }
0x10c: {  	v2 =	vadd.f32 v2, v3  }
0x10d: {  	v3 =	vld [tilespmem:s9+$0x1030]  }
0x10e: {  	[tilespmem:s9+$0x1020] =	vst v2  }
0x10f: {  	v2 =	vld [tilespmem:s15+$0x8230];
	_ =	sdelay $0x2  }
0x110: {  	v3 =	vmul.f32 $3.200000000e+01, v3;
	_ =	sdelay $0x1  }
0x111: {  	v2 =	vadd.f32 v2, v3  }
0x112: {  	v3 =	vld [tilespmem:s9+$0x1040]  }
0x113: {  	[tilespmem:s9+$0x1030] =	vst v2  }
0x114: {  	v2 =	vld [tilespmem:s15+$0x8240];
	_ =	sdelay $0x2  }
0x115: {  	v3 =	vmul.f32 $3.200000000e+01, v3;
	_ =	sdelay $0x1  }
0x116: {  	v2 =	vadd.f32 v2, v3  }
0x117: {  	v3 =	vld [tilespmem:s9+$0x1050]  }
0x118: {  	[tilespmem:s9+$0x1040] =	vst v2  }
0x119: {  	v2 =	vld [tilespmem:s15+$0x8250];
	_ =	sdelay $0x2  }
0x11a: {  	v3 =	vmul.f32 $3.200000000e+01, v3;
	_ =	sdelay $0x1  }
0x11b: {  	v2 =	vadd.f32 v2, v3  }
0x11c: {  	v3 =	vld [tilespmem:s9+$0x1060]  }
0x11d: {  	[tilespmem:s9+$0x1050] =	vst v2  }
0x11e: {  	v2 =	vld [tilespmem:s15+$0x8260];
	_ =	sdelay $0x2  }
0x11f: {  	v3 =	vmul.f32 $3.200000000e+01, v3;
	_ =	sdelay $0x1  }
0x120: {  	v2 =	vadd.f32 v2, v3  }
0x121: {  	v3 =	vld [tilespmem:s9+$0x1070]  }
0x122: {  	[tilespmem:s9+$0x1060] =	vst v2  }
0x123: {  	v2 =	vld [tilespmem:s15+$0x8270];
	_ =	sdelay $0x2  }
0x124: {  	v3 =	vmul.f32 $3.200000000e+01, v3;
	_ =	sdelay $0x1  }
0x125: {  	v2 =	vadd.f32 v2, v3  }
0x126: {  	v3 =	vld [tilespmem:s9+$0x1400]  }
0x127: {  	[tilespmem:s9+$0x1070] =	vst v2  }
0x128: {  	v2 =	vld [tilespmem:s15+$0x8280];
	_ =	sdelay $0x2  }
0x129: {  	v3 =	vmul.f32 $3.200000000e+01, v3;
	_ =	sdelay $0x1  }
0x12a: {  	v2 =	vadd.f32 v2, v3  }
0x12b: {  	v3 =	vld [tilespmem:s9+$0x1410]  }
0x12c: {  	[tilespmem:s9+$0x1400] =	vst v2  }
0x12d: {  	v2 =	vld [tilespmem:s15+$0x8290];
	_ =	sdelay $0x2  }
0x12e: {  	v3 =	vmul.f32 $3.200000000e+01, v3;
	_ =	sdelay $0x1  }
0x12f: {  	v2 =	vadd.f32 v2, v3  }
0x130: {  	v3 =	vld [tilespmem:s9+$0x1420]  }
0x131: {  	[tilespmem:s9+$0x1410] =	vst v2  }
0x132: {  	v2 =	vld [tilespmem:s15+$0x82A0];
	_ =	sdelay $0x2  }
0x133: {  	v3 =	vmul.f32 $3.200000000e+01, v3;
	_ =	sdelay $0x1  }
0x134: {  	v2 =	vadd.f32 v2, v3  }
0x135: {  	v3 =	vld [tilespmem:s9+$0x1430]  }
0x136: {  	[tilespmem:s9+$0x1420] =	vst v2  }
0x137: {  	v2 =	vld [tilespmem:s15+$0x82B0];
	_ =	sdelay $0x2  }
0x138: {  	v3 =	vmul.f32 $3.200000000e+01, v3;
	_ =	sdelay $0x1  }
0x139: {  	v2 =	vadd.f32 v2, v3  }
0x13a: {  	v3 =	vld [tilespmem:s9+$0x1440]  }
0x13b: {  	[tilespmem:s9+$0x1430] =	vst v2  }
0x13c: {  	v2 =	vld [tilespmem:s15+$0x82C0];
	_ =	sdelay $0x2  }
0x13d: {  	v3 =	vmul.f32 $3.200000000e+01, v3;
	_ =	sdelay $0x1  }
0x13e: {  	v2 =	vadd.f32 v2, v3  }
0x13f: {  	v3 =	vld [tilespmem:s9+$0x1450]  }
0x140: {  	[tilespmem:s9+$0x1440] =	vst v2  }
0x141: {  	v2 =	vld [tilespmem:s15+$0x82D0];
	_ =	sdelay $0x2  }
0x142: {  	v3 =	vmul.f32 $3.200000000e+01, v3;
	_ =	sdelay $0x1  }
0x143: {  	v2 =	vadd.f32 v2, v3  }
0x144: {  	v3 =	vld [tilespmem:s9+$0x1460]  }
0x145: {  	[tilespmem:s9+$0x1450] =	vst v2  }
0x146: {  	v2 =	vld [tilespmem:s15+$0x82E0];
	_ =	sdelay $0x2  }
0x147: {  	v3 =	vmul.f32 $3.200000000e+01, v3;
	_ =	sdelay $0x1  }
0x148: {  	v2 =	vadd.f32 v2, v3  }
0x149: {  	v3 =	vld [tilespmem:s9+$0x1470]  }
0x14a: {  	[tilespmem:s9+$0x1460] =	vst v2  }
0x14b: {  	v2 =	vld [tilespmem:s15+$0x82F0];
	_ =	sdelay $0x2  }
0x14c: {  	v3 =	vmul.f32 $3.200000000e+01, v3;
	_ =	sdelay $0x1  }
0x14d: {  	v2 =	vadd.f32 v2, v3  }
0x14e: {  	v3 =	vld [tilespmem:s9+$0x1800]  }
0x14f: {  	[tilespmem:s9+$0x1470] =	vst v2  }
0x150: {  	v2 =	vld [tilespmem:s15+$0x8300];
	_ =	sdelay $0x2  }
0x151: {  	v3 =	vmul.f32 $3.200000000e+01, v3;
	_ =	sdelay $0x1  }
0x152: {  	v2 =	vadd.f32 v2, v3  }
0x153: {  	v3 =	vld [tilespmem:s9+$0x1810]  }
0x154: {  	[tilespmem:s9+$0x1800] =	vst v2  }
0x155: {  	v2 =	vld [tilespmem:s15+$0x8310];
	_ =	sdelay $0x2  }
0x156: {  	v3 =	vmul.f32 $3.200000000e+01, v3;
	_ =	sdelay $0x1  }
0x157: {  	v2 =	vadd.f32 v2, v3  }
0x158: {  	v3 =	vld [tilespmem:s9+$0x1820]  }
0x159: {  	[tilespmem:s9+$0x1810] =	vst v2  }
0x15a: {  	v2 =	vld [tilespmem:s15+$0x8320];
	_ =	sdelay $0x2  }
0x15b: {  	v3 =	vmul.f32 $3.200000000e+01, v3;
	_ =	sdelay $0x1  }
0x15c: {  	v2 =	vadd.f32 v2, v3  }
0x15d: {  	v3 =	vld [tilespmem:s9+$0x1830]  }
0x15e: {  	[tilespmem:s9+$0x1820] =	vst v2  }
0x15f: {  	v2 =	vld [tilespmem:s15+$0x8330];
	_ =	sdelay $0x2  }
0x160: {  	v3 =	vmul.f32 $3.200000000e+01, v3;
	_ =	sdelay $0x1  }
0x161: {  	v2 =	vadd.f32 v2, v3  }
0x162: {  	v3 =	vld [tilespmem:s9+$0x1840]  }
0x163: {  	[tilespmem:s9+$0x1830] =	vst v2  }
0x164: {  	v2 =	vld [tilespmem:s15+$0x8340];
	_ =	sdelay $0x2  }
0x165: {  	v3 =	vmul.f32 $3.200000000e+01, v3;
	_ =	sdelay $0x1  }
0x166: {  	v2 =	vadd.f32 v2, v3  }
0x167: {  	v3 =	vld [tilespmem:s9+$0x1850]  }
0x168: {  	[tilespmem:s9+$0x1840] =	vst v2  }
0x169: {  	v2 =	vld [tilespmem:s15+$0x8350];
	_ =	sdelay $0x2  }
0x16a: {  	v3 =	vmul.f32 $3.200000000e+01, v3;
	_ =	sdelay $0x1  }
0x16b: {  	v2 =	vadd.f32 v2, v3  }
0x16c: {  	v3 =	vld [tilespmem:s9+$0x1860]  }
0x16d: {  	[tilespmem:s9+$0x1850] =	vst v2  }
0x16e: {  	v2 =	vld [tilespmem:s15+$0x8360];
	_ =	sdelay $0x2  }
0x16f: {  	v3 =	vmul.f32 $3.200000000e+01, v3;
	_ =	sdelay $0x1  }
0x170: {  	v2 =	vadd.f32 v2, v3  }
0x171: {  	v3 =	vld [tilespmem:s9+$0x1870]  }
0x172: {  	[tilespmem:s9+$0x1860] =	vst v2  }
0x173: {  	v2 =	vld [tilespmem:s15+$0x8370];
	_ =	sdelay $0x2  }
0x174: {  	v3 =	vmul.f32 $3.200000000e+01, v3  }
0x175: {  	s23 =	sand.u32 $0x7, s21  }
0x176: {  	s23 =	sshll.u32 s23, $0x7;
	v2 =	vadd.f32 v2, v3  }
0x177: {  	s23 =	sadd.s32 s23, s24  }
0x178: {  	[tilespmem:s9+$0x1870] =	vst v2;
	s9 =	sor.u32 $0x1C00, s23  }
0x179: {  	v2 =	vld [tilespmem:s9+$0x0];
	_ =	sdelay $0x1  }
0x17a: {  	v3 =	vld [tilespmem:s15+$0x8380];
	_ =	sdelay $0x2  }
0x17b: {  	v2 =	vmul.f32 $3.200000000e+01, v2;
	_ =	sdelay $0x1  }
0x17c: {  	v2 =	vadd.f32 v3, v2;
	_ =	sdelay $0x1  }
0x17d: {  	[tilespmem:s9+$0x0] =	vst v2;
	s9 =	sor.u32 $0x1C10, s23  }
0x17e: {  	v2 =	vld [tilespmem:s9+$0x0];
	_ =	sdelay $0x1  }
0x17f: {  	v3 =	vld [tilespmem:s15+$0x8390];
	_ =	sdelay $0x2  }
0x180: {  	v2 =	vmul.f32 $3.200000000e+01, v2;
	_ =	sdelay $0x1  }
0x181: {  	v2 =	vadd.f32 v3, v2;
	_ =	sdelay $0x1  }
0x182: {  	[tilespmem:s9+$0x0] =	vst v2;
	s9 =	sor.u32 $0x1C20, s23  }
0x183: {  	v2 =	vld [tilespmem:s9+$0x0];
	_ =	sdelay $0x1  }
0x184: {  	v3 =	vld [tilespmem:s15+$0x83A0];
	_ =	sdelay $0x2  }
0x185: {  	v2 =	vmul.f32 $3.200000000e+01, v2;
	_ =	sdelay $0x1  }
0x186: {  	v2 =	vadd.f32 v3, v2;
	_ =	sdelay $0x1  }
0x187: {  	[tilespmem:s9+$0x0] =	vst v2;
	s9 =	sor.u32 $0x1C30, s23  }
0x188: {  	v2 =	vld [tilespmem:s9+$0x0];
	_ =	sdelay $0x1  }
0x189: {  	v3 =	vld [tilespmem:s15+$0x83B0];
	_ =	sdelay $0x2  }
0x18a: {  	v2 =	vmul.f32 $3.200000000e+01, v2;
	_ =	sdelay $0x1  }
0x18b: {  	v2 =	vadd.f32 v3, v2;
	_ =	sdelay $0x1  }
0x18c: {  	[tilespmem:s9+$0x0] =	vst v2;
	s9 =	sor.u32 $0x1C40, s23  }
0x18d: {  	v2 =	vld [tilespmem:s9+$0x0];
	_ =	sdelay $0x1  }
0x18e: {  	v3 =	vld [tilespmem:s15+$0x83C0];
	_ =	sdelay $0x2  }
0x18f: {  	v2 =	vmul.f32 $3.200000000e+01, v2;
	_ =	sdelay $0x1  }
0x190: {  	v2 =	vadd.f32 v3, v2;
	_ =	sdelay $0x1  }
0x191: {  	[tilespmem:s9+$0x0] =	vst v2;
	s9 =	sor.u32 $0x1C50, s23  }
0x192: {  	v2 =	vld [tilespmem:s9+$0x0];
	_ =	sdelay $0x1  }
0x193: {  	v3 =	vld [tilespmem:s15+$0x83D0];
	_ =	sdelay $0x2  }
0x194: {  	v2 =	vmul.f32 $3.200000000e+01, v2;
	_ =	sdelay $0x1  }
0x195: {  	v2 =	vadd.f32 v3, v2;
	_ =	sdelay $0x1  }
0x196: {  	[tilespmem:s9+$0x0] =	vst v2;
	s9 =	sor.u32 $0x1C60, s23  }
0x197: {  	v2 =	vld [tilespmem:s9+$0x0];
	_ =	sdelay $0x1  }
0x198: {  	v3 =	vld [tilespmem:s15+$0x83E0];
	_ =	sdelay $0x2  }
0x199: {  	v2 =	vmul.f32 $3.200000000e+01, v2;
	_ =	sdelay $0x1  }
0x19a: {  	v2 =	vadd.f32 v3, v2;
	_ =	sdelay $0x1  }
0x19b: {  	s23 =	sor.u32 $0x1C70, s23;
	[tilespmem:s9+$0x0] =	vst v2  }
0x19c: {  	v2 =	vld [tilespmem:s23+$0x0];
	_ =	sdelay $0x1  }
0x19d: {  	v3 =	vld [tilespmem:s15+$0x83F0];
	_ =	sdelay $0x1  }
0x19e: {  	p0 =	sne.s32 s11, $0xF  }
.Ltmp2:
0x19f: {  	v2 =	vmul.f32 $3.200000000e+01, v2;
	(pc) =	sbr.rel @p0 .LBB2_3-.Ltmp2, $4  }
0x1a0: {  	_ = 	snop  }
0x1a1: {  	v2 =	vadd.f32 v3, v2  }
0x1a2: {  	s10 =	sadd.s32 $0x80, s10  }
0x1a3: {  	s11 =	sadd.s32 $0x1, s11;
	s21 =	sadd.s32 $0x1, s21;
	s24 =	sadd.s32 $0x400, s24;
	[tilespmem:s23+$0x0] =	vst v2  }
0x1a4: {  	s9 =	sadd.s32 s5, s19  }
0x1a5: {  	s9 =	sshll.u32 s9, $0xB  }
0x1a6: {  	p0 =	seq.s32 s18, $0x2;
	s9 =	sadd.s32 s3, s9  }
0x1a7: {  	[hbm4b:s9+s4] =	stream.linear.scatter [tilespmem:s4], [sflag:$0x5], $0x4000, $0x38;
	[tilespmem:$0x18900] =	vst v63  }
0x1a8: {  	s9 =	simm.s32 @p0 $0x5  }
0x1a9: {  	s10 =	sadd.s32 @!p0 s19, s13;
	_ =	swait.ge @p0 [sflag:s9], $0x4000  }
0x1aa: {  	s11 =	sshll.u32 @!p0 s10, $0x2;
	[sflag:s9] =	ssyncset.done @p0 $0x0  }
0x1ab: {  	[sflag:s9] =	ssyncadd.s32 @p0 $0xFFFFC000;
	s9 =	sand.u32 @!p0 $0x1FFFFFF8, s11  }
0x1ac: {  	s15 =	simm.s32 @!p0 $0x18800;
	s11 =	simm.s32 @!p0 $0x0;
	s9 =	sadd.s32 @!p0 s6, s9  }
0x1ad: {  	[tilespmem:s15], [sflag:$0x7] =	stream.linear.gather @!p0 [hbm4b:s9+s11], $0x20, $0x38;
	[tilespmem:$0x18900] =	vst v63  }
0x1ae: {  	s9 =	simm.s32 @!p0 $0x5  }
0x1af: {  	s10 =	sshll.u32 @!p0 s10, $0xB;
	_ =	swait.ge @!p0 [sflag:s9], $0x4000  }
0x1b0: {  	s10 =	sand.u32 @!p0 $0x1FFFF000, s10;
	[sflag:s9] =	ssyncset.done @!p0 $0x0  }
0x1b1: {  	[sflag:s9] =	ssyncadd.s32 @!p0 $0xFFFFC000;
	s9 =	sadd.s32 @!p0 s1, s10  }
0x1b2: {  	[tilespmem:s11], [sflag:$0x1] =	stream.linear.gather @!p0 [hbm4b:s9+s11], $0x4000, $0x38;
	[tilespmem:$0x18900] =	vst v63  }
0x1b3: {  	s9 =	simm.s32 @!p0 $0x7  }
0x1b4: {  	_ =	swait.ge @!p0 [sflag:s9], $0x20  }
0x1b5: {  	[sflag:s9] =	ssyncset.done @!p0 $0x0  }
0x1b6: {  	[sflag:s9] =	ssyncadd.s32 @!p0 $0xFFFFFFE0  }
0x1b7: {  	v1 =	vld @!p0 [tilespmem:$0x18800];
	_ =	sdelay $0x4  }
0x1b8: {  	v1 =	vxor.u32 @!p0 $0x80000000, v1  }
0x1b9: {  	(xrf0) =	vmax.scan.msk.u32 @!p0 $0xffff, v1;
	_ =	sdelay $0x5  }
0x1ba: {  	v1, _, _ =	vpop @!p0 (xrf0)  }
0x1bb: {  	(v2sf) =	vpush @!p0 v1, $0xF;
	_ =	sdelay $0xe  }
0x1bc: {  	s9 =	spop @!p0 (v2sf)  }
0x1bd: {  	s9 =	sshll.u32 @!p0 s9, $0x7  }
0x1be: {  	s9 =	sand.u32 @!p0 $0x1FFFFF80, s9  }
0x1bf: {  	s10 =	simm.s32 @!p0 $0xC000;
	s9 =	sadd.s32 @!p0 s7, s9  }
0x1c0: {  	[tilespmem:s10], [sflag:$0x3] =	stream.linear.gather @!p0 [hbm4b:s9+s11], $0x4000, $0x38;
	[tilespmem:$0x18900] =	vst v63  }
0x1c1: {  	_ =	swait.ge [sflag:s31], $0x4000  }
0x1c2: {  	[sflag:s31] =	ssyncset.done $0x0  }
0x1c3: {  	[sflag:s31] =	ssyncadd.s32 $0xFFFFC000  }
0x1c4: {  	_ =	swait.ge [sflag:s0], $0x4000  }
0x1c5: {  	[sflag:s0] =	ssyncset.done $0x0  }
0x1c6: {  	[sflag:s0] =	ssyncadd.s32 $0xFFFFC000  }
0x1c7: {  	v1 =	vld [tilespmem:$0x18890];
	_ =	sdelay $0x3  }
0x1c8: {  	s21 =	simm.s32 $0x0  }
0x1c9: {  	s24 =	simm.s32 $0x0;
	s10 =	simm.s32 $0x0;
	s11 =	simm.s32 $0x0;
	v1 =	vxor.u32 $0x80000000, v1  }
.LBB2_5:
0x1ca: {  	v2 =	vmov s11  }
0x1cb: {  	vm0 =	veq.s32 v2, v0  }
0x1cc: {  	v2 =	vnsel vm0, $0x80000000, v1  }
0x1cd: {  	(xrf0) =	vmax.scan.msk.u32 $0xffff, v2;
	_ =	sdelay $0x5  }
0x1ce: {  	v2, _, _ =	vpop (xrf0)  }
0x1cf: {  	(v2sf) =	vpush v2, $0xF;
	_ =	sdelay $0xd  }
0x1d0: {  	s9 =	sand.u32 $0x2000, s24;
	s15 =	sand.u32 $0x380, s10  }
0x1d1: {  	s9 =	sor.u32 s15, s9;
	s23 =	spop (v2sf)  }
0x1d2: {  	v2 =	vld [tilespmem:s9+$0x4000];
	s23 =	sshll.u32 s23, $0xC  }
0x1d3: {  	s15 =	sshra.s32 s23, $0x2  }
0x1d4: {  	v3 =	vld [tilespmem:s15+$0x10400];
	_ =	sdelay $0x2  }
0x1d5: {  	v2 =	vmul.f32 $3.200000000e+01, v2;
	_ =	sdelay $0x1  }
0x1d6: {  	v2 =	vadd.f32 v3, v2  }
0x1d7: {  	v3 =	vld [tilespmem:s9+$0x4010]  }
0x1d8: {  	[tilespmem:s9+$0x4000] =	vst v2  }
0x1d9: {  	v2 =	vld [tilespmem:s15+$0x10410];
	_ =	sdelay $0x2  }
0x1da: {  	v3 =	vmul.f32 $3.200000000e+01, v3;
	_ =	sdelay $0x1  }
0x1db: {  	v2 =	vadd.f32 v2, v3  }
0x1dc: {  	v3 =	vld [tilespmem:s9+$0x4020]  }
0x1dd: {  	[tilespmem:s9+$0x4010] =	vst v2  }
0x1de: {  	v2 =	vld [tilespmem:s15+$0x10420];
	_ =	sdelay $0x2  }
0x1df: {  	v3 =	vmul.f32 $3.200000000e+01, v3;
	_ =	sdelay $0x1  }
0x1e0: {  	v2 =	vadd.f32 v2, v3  }
0x1e1: {  	v3 =	vld [tilespmem:s9+$0x4030]  }
0x1e2: {  	[tilespmem:s9+$0x4020] =	vst v2  }
0x1e3: {  	v2 =	vld [tilespmem:s15+$0x10430];
	_ =	sdelay $0x2  }
0x1e4: {  	v3 =	vmul.f32 $3.200000000e+01, v3;
	_ =	sdelay $0x1  }
0x1e5: {  	v2 =	vadd.f32 v2, v3  }
0x1e6: {  	v3 =	vld [tilespmem:s9+$0x4040]  }
0x1e7: {  	[tilespmem:s9+$0x4030] =	vst v2  }
0x1e8: {  	v2 =	vld [tilespmem:s15+$0x10440];
	_ =	sdelay $0x2  }
0x1e9: {  	v3 =	vmul.f32 $3.200000000e+01, v3;
	_ =	sdelay $0x1  }
0x1ea: {  	v2 =	vadd.f32 v2, v3  }
0x1eb: {  	v3 =	vld [tilespmem:s9+$0x4050]  }
0x1ec: {  	[tilespmem:s9+$0x4040] =	vst v2  }
0x1ed: {  	v2 =	vld [tilespmem:s15+$0x10450];
	_ =	sdelay $0x2  }
0x1ee: {  	v3 =	vmul.f32 $3.200000000e+01, v3;
	_ =	sdelay $0x1  }
0x1ef: {  	v2 =	vadd.f32 v2, v3  }
0x1f0: {  	v3 =	vld [tilespmem:s9+$0x4060]  }
0x1f1: {  	[tilespmem:s9+$0x4050] =	vst v2  }
0x1f2: {  	v2 =	vld [tilespmem:s15+$0x10460];
	_ =	sdelay $0x2  }
0x1f3: {  	v3 =	vmul.f32 $3.200000000e+01, v3;
	_ =	sdelay $0x1  }
0x1f4: {  	v2 =	vadd.f32 v2, v3  }
0x1f5: {  	v3 =	vld [tilespmem:s9+$0x4070]  }
0x1f6: {  	[tilespmem:s9+$0x4060] =	vst v2  }
0x1f7: {  	v2 =	vld [tilespmem:s15+$0x10470];
	_ =	sdelay $0x2  }
0x1f8: {  	v3 =	vmul.f32 $3.200000000e+01, v3;
	_ =	sdelay $0x1  }
0x1f9: {  	v2 =	vadd.f32 v2, v3  }
0x1fa: {  	v3 =	vld [tilespmem:s9+$0x4400]  }
0x1fb: {  	[tilespmem:s9+$0x4070] =	vst v2  }
0x1fc: {  	v2 =	vld [tilespmem:s15+$0x10480];
	_ =	sdelay $0x2  }
0x1fd: {  	v3 =	vmul.f32 $3.200000000e+01, v3;
	_ =	sdelay $0x1  }
0x1fe: {  	v2 =	vadd.f32 v2, v3  }
0x1ff: {  	v3 =	vld [tilespmem:s9+$0x4410]  }
0x200: {  	[tilespmem:s9+$0x4400] =	vst v2  }
0x201: {  	v2 =	vld [tilespmem:s15+$0x10490];
	_ =	sdelay $0x2  }
0x202: {  	v3 =	vmul.f32 $3.200000000e+01, v3;
	_ =	sdelay $0x1  }
0x203: {  	v2 =	vadd.f32 v2, v3  }
0x204: {  	v3 =	vld [tilespmem:s9+$0x4420]  }
0x205: {  	[tilespmem:s9+$0x4410] =	vst v2  }
0x206: {  	v2 =	vld [tilespmem:s15+$0x104A0];
	_ =	sdelay $0x2  }
0x207: {  	v3 =	vmul.f32 $3.200000000e+01, v3;
	_ =	sdelay $0x1  }
0x208: {  	v2 =	vadd.f32 v2, v3  }
0x209: {  	v3 =	vld [tilespmem:s9+$0x4430]  }
0x20a: {  	[tilespmem:s9+$0x4420] =	vst v2  }
0x20b: {  	v2 =	vld [tilespmem:s15+$0x104B0];
	_ =	sdelay $0x2  }
0x20c: {  	v3 =	vmul.f32 $3.200000000e+01, v3;
	_ =	sdelay $0x1  }
0x20d: {  	v2 =	vadd.f32 v2, v3  }
0x20e: {  	v3 =	vld [tilespmem:s9+$0x4440]  }
0x20f: {  	[tilespmem:s9+$0x4430] =	vst v2  }
0x210: {  	v2 =	vld [tilespmem:s15+$0x104C0];
	_ =	sdelay $0x2  }
0x211: {  	v3 =	vmul.f32 $3.200000000e+01, v3;
	_ =	sdelay $0x1  }
0x212: {  	v2 =	vadd.f32 v2, v3  }
0x213: {  	v3 =	vld [tilespmem:s9+$0x4450]  }
0x214: {  	[tilespmem:s9+$0x4440] =	vst v2  }
0x215: {  	v2 =	vld [tilespmem:s15+$0x104D0];
	_ =	sdelay $0x2  }
0x216: {  	v3 =	vmul.f32 $3.200000000e+01, v3;
	_ =	sdelay $0x1  }
0x217: {  	v2 =	vadd.f32 v2, v3  }
0x218: {  	v3 =	vld [tilespmem:s9+$0x4460]  }
0x219: {  	[tilespmem:s9+$0x4450] =	vst v2  }
0x21a: {  	v2 =	vld [tilespmem:s15+$0x104E0];
	_ =	sdelay $0x2  }
0x21b: {  	v3 =	vmul.f32 $3.200000000e+01, v3;
	_ =	sdelay $0x1  }
0x21c: {  	v2 =	vadd.f32 v2, v3  }
0x21d: {  	v3 =	vld [tilespmem:s9+$0x4470]  }
0x21e: {  	[tilespmem:s9+$0x4460] =	vst v2  }
0x21f: {  	v2 =	vld [tilespmem:s15+$0x104F0];
	_ =	sdelay $0x2  }
0x220: {  	v3 =	vmul.f32 $3.200000000e+01, v3;
	_ =	sdelay $0x1  }
0x221: {  	v2 =	vadd.f32 v2, v3  }
0x222: {  	v3 =	vld [tilespmem:s9+$0x4800]  }
0x223: {  	[tilespmem:s9+$0x4470] =	vst v2  }
0x224: {  	v2 =	vld [tilespmem:s15+$0x10500];
	_ =	sdelay $0x2  }
0x225: {  	v3 =	vmul.f32 $3.200000000e+01, v3;
	_ =	sdelay $0x1  }
0x226: {  	v2 =	vadd.f32 v2, v3  }
0x227: {  	v3 =	vld [tilespmem:s9+$0x4810]  }
0x228: {  	[tilespmem:s9+$0x4800] =	vst v2  }
0x229: {  	v2 =	vld [tilespmem:s15+$0x10510];
	_ =	sdelay $0x2  }
0x22a: {  	v3 =	vmul.f32 $3.200000000e+01, v3;
	_ =	sdelay $0x1  }
0x22b: {  	v2 =	vadd.f32 v2, v3  }
0x22c: {  	v3 =	vld [tilespmem:s9+$0x4820]  }
0x22d: {  	[tilespmem:s9+$0x4810] =	vst v2  }
0x22e: {  	v2 =	vld [tilespmem:s15+$0x10520];
	_ =	sdelay $0x2  }
0x22f: {  	v3 =	vmul.f32 $3.200000000e+01, v3;
	_ =	sdelay $0x1  }
0x230: {  	v2 =	vadd.f32 v2, v3  }
0x231: {  	v3 =	vld [tilespmem:s9+$0x4830]  }
0x232: {  	[tilespmem:s9+$0x4820] =	vst v2  }
0x233: {  	v2 =	vld [tilespmem:s15+$0x10530];
	_ =	sdelay $0x2  }
0x234: {  	v3 =	vmul.f32 $3.200000000e+01, v3;
	_ =	sdelay $0x1  }
0x235: {  	v2 =	vadd.f32 v2, v3  }
0x236: {  	v3 =	vld [tilespmem:s9+$0x4840]  }
0x237: {  	[tilespmem:s9+$0x4830] =	vst v2  }
0x238: {  	v2 =	vld [tilespmem:s15+$0x10540];
	_ =	sdelay $0x2  }
0x239: {  	v3 =	vmul.f32 $3.200000000e+01, v3;
	_ =	sdelay $0x1  }
0x23a: {  	v2 =	vadd.f32 v2, v3  }
0x23b: {  	v3 =	vld [tilespmem:s9+$0x4850]  }
0x23c: {  	[tilespmem:s9+$0x4840] =	vst v2  }
0x23d: {  	v2 =	vld [tilespmem:s15+$0x10550];
	_ =	sdelay $0x2  }
0x23e: {  	v3 =	vmul.f32 $3.200000000e+01, v3;
	_ =	sdelay $0x1  }
0x23f: {  	v2 =	vadd.f32 v2, v3  }
0x240: {  	v3 =	vld [tilespmem:s9+$0x4860]  }
0x241: {  	[tilespmem:s9+$0x4850] =	vst v2  }
0x242: {  	v2 =	vld [tilespmem:s15+$0x10560];
	_ =	sdelay $0x2  }
0x243: {  	v3 =	vmul.f32 $3.200000000e+01, v3;
	_ =	sdelay $0x1  }
0x244: {  	v2 =	vadd.f32 v2, v3  }
0x245: {  	v3 =	vld [tilespmem:s9+$0x4870]  }
0x246: {  	[tilespmem:s9+$0x4860] =	vst v2  }
0x247: {  	v2 =	vld [tilespmem:s15+$0x10570];
	_ =	sdelay $0x2  }
0x248: {  	v3 =	vmul.f32 $3.200000000e+01, v3;
	_ =	sdelay $0x1  }
0x249: {  	v2 =	vadd.f32 v2, v3  }
0x24a: {  	v3 =	vld [tilespmem:s9+$0x4C00]  }
0x24b: {  	[tilespmem:s9+$0x4870] =	vst v2  }
0x24c: {  	v2 =	vld [tilespmem:s15+$0x10580];
	_ =	sdelay $0x2  }
0x24d: {  	v3 =	vmul.f32 $3.200000000e+01, v3;
	_ =	sdelay $0x1  }
0x24e: {  	v2 =	vadd.f32 v2, v3  }
0x24f: {  	v3 =	vld [tilespmem:s9+$0x4C10]  }
0x250: {  	[tilespmem:s9+$0x4C00] =	vst v2  }
0x251: {  	v2 =	vld [tilespmem:s15+$0x10590];
	_ =	sdelay $0x2  }
0x252: {  	v3 =	vmul.f32 $3.200000000e+01, v3;
	_ =	sdelay $0x1  }
0x253: {  	v2 =	vadd.f32 v2, v3  }
0x254: {  	v3 =	vld [tilespmem:s9+$0x4C20]  }
0x255: {  	[tilespmem:s9+$0x4C10] =	vst v2  }
0x256: {  	v2 =	vld [tilespmem:s15+$0x105A0];
	_ =	sdelay $0x2  }
0x257: {  	v3 =	vmul.f32 $3.200000000e+01, v3;
	_ =	sdelay $0x1  }
0x258: {  	v2 =	vadd.f32 v2, v3  }
0x259: {  	v3 =	vld [tilespmem:s9+$0x4C30]  }
0x25a: {  	[tilespmem:s9+$0x4C20] =	vst v2  }
0x25b: {  	v2 =	vld [tilespmem:s15+$0x105B0];
	_ =	sdelay $0x2  }
0x25c: {  	v3 =	vmul.f32 $3.200000000e+01, v3;
	_ =	sdelay $0x1  }
0x25d: {  	v2 =	vadd.f32 v2, v3  }
0x25e: {  	v3 =	vld [tilespmem:s9+$0x4C40]  }
0x25f: {  	[tilespmem:s9+$0x4C30] =	vst v2  }
0x260: {  	v2 =	vld [tilespmem:s15+$0x105C0];
	_ =	sdelay $0x2  }
0x261: {  	v3 =	vmul.f32 $3.200000000e+01, v3;
	_ =	sdelay $0x1  }
0x262: {  	v2 =	vadd.f32 v2, v3  }
0x263: {  	v3 =	vld [tilespmem:s9+$0x4C50]  }
0x264: {  	[tilespmem:s9+$0x4C40] =	vst v2  }
0x265: {  	v2 =	vld [tilespmem:s15+$0x105D0];
	_ =	sdelay $0x2  }
0x266: {  	v3 =	vmul.f32 $3.200000000e+01, v3;
	_ =	sdelay $0x1  }
0x267: {  	v2 =	vadd.f32 v2, v3  }
0x268: {  	v3 =	vld [tilespmem:s9+$0x4C60]  }
0x269: {  	[tilespmem:s9+$0x4C50] =	vst v2  }
0x26a: {  	v2 =	vld [tilespmem:s15+$0x105E0];
	_ =	sdelay $0x2  }
0x26b: {  	v3 =	vmul.f32 $3.200000000e+01, v3;
	_ =	sdelay $0x1  }
0x26c: {  	v2 =	vadd.f32 v2, v3  }
0x26d: {  	v3 =	vld [tilespmem:s9+$0x4C70]  }
0x26e: {  	[tilespmem:s9+$0x4C60] =	vst v2  }
0x26f: {  	v2 =	vld [tilespmem:s15+$0x105F0];
	_ =	sdelay $0x2  }
0x270: {  	v3 =	vmul.f32 $3.200000000e+01, v3;
	_ =	sdelay $0x1  }
0x271: {  	v2 =	vadd.f32 v2, v3  }
0x272: {  	v3 =	vld [tilespmem:s9+$0x5000]  }
0x273: {  	[tilespmem:s9+$0x4C70] =	vst v2  }
0x274: {  	v2 =	vld [tilespmem:s15+$0x10600];
	_ =	sdelay $0x2  }
0x275: {  	v3 =	vmul.f32 $3.200000000e+01, v3;
	_ =	sdelay $0x1  }
0x276: {  	v2 =	vadd.f32 v2, v3  }
0x277: {  	v3 =	vld [tilespmem:s9+$0x5010]  }
0x278: {  	[tilespmem:s9+$0x5000] =	vst v2  }
0x279: {  	v2 =	vld [tilespmem:s15+$0x10610];
	_ =	sdelay $0x2  }
0x27a: {  	v3 =	vmul.f32 $3.200000000e+01, v3;
	_ =	sdelay $0x1  }
0x27b: {  	v2 =	vadd.f32 v2, v3  }
0x27c: {  	v3 =	vld [tilespmem:s9+$0x5020]  }
0x27d: {  	[tilespmem:s9+$0x5010] =	vst v2  }
0x27e: {  	v2 =	vld [tilespmem:s15+$0x10620];
	_ =	sdelay $0x2  }
0x27f: {  	v3 =	vmul.f32 $3.200000000e+01, v3;
	_ =	sdelay $0x1  }
0x280: {  	v2 =	vadd.f32 v2, v3  }
0x281: {  	v3 =	vld [tilespmem:s9+$0x5030]  }
0x282: {  	[tilespmem:s9+$0x5020] =	vst v2  }
0x283: {  	v2 =	vld [tilespmem:s15+$0x10630];
	_ =	sdelay $0x2  }
0x284: {  	v3 =	vmul.f32 $3.200000000e+01, v3;
	_ =	sdelay $0x1  }
0x285: {  	v2 =	vadd.f32 v2, v3  }
0x286: {  	v3 =	vld [tilespmem:s9+$0x5040]  }
0x287: {  	[tilespmem:s9+$0x5030] =	vst v2  }
0x288: {  	v2 =	vld [tilespmem:s15+$0x10640];
	_ =	sdelay $0x2  }
0x289: {  	v3 =	vmul.f32 $3.200000000e+01, v3;
	_ =	sdelay $0x1  }
0x28a: {  	v2 =	vadd.f32 v2, v3  }
0x28b: {  	v3 =	vld [tilespmem:s9+$0x5050]  }
0x28c: {  	[tilespmem:s9+$0x5040] =	vst v2  }
0x28d: {  	v2 =	vld [tilespmem:s15+$0x10650];
	_ =	sdelay $0x2  }
0x28e: {  	v3 =	vmul.f32 $3.200000000e+01, v3;
	_ =	sdelay $0x1  }
0x28f: {  	v2 =	vadd.f32 v2, v3  }
0x290: {  	v3 =	vld [tilespmem:s9+$0x5060]  }
0x291: {  	[tilespmem:s9+$0x5050] =	vst v2  }
0x292: {  	v2 =	vld [tilespmem:s15+$0x10660];
	_ =	sdelay $0x2  }
0x293: {  	v3 =	vmul.f32 $3.200000000e+01, v3;
	_ =	sdelay $0x1  }
0x294: {  	v2 =	vadd.f32 v2, v3  }
0x295: {  	v3 =	vld [tilespmem:s9+$0x5070]  }
0x296: {  	[tilespmem:s9+$0x5060] =	vst v2  }
0x297: {  	v2 =	vld [tilespmem:s15+$0x10670];
	_ =	sdelay $0x2  }
0x298: {  	v3 =	vmul.f32 $3.200000000e+01, v3;
	_ =	sdelay $0x1  }
0x299: {  	v2 =	vadd.f32 v2, v3  }
0x29a: {  	v3 =	vld [tilespmem:s9+$0x5400]  }
0x29b: {  	[tilespmem:s9+$0x5070] =	vst v2  }
0x29c: {  	v2 =	vld [tilespmem:s15+$0x10680];
	_ =	sdelay $0x2  }
0x29d: {  	v3 =	vmul.f32 $3.200000000e+01, v3;
	_ =	sdelay $0x1  }
0x29e: {  	v2 =	vadd.f32 v2, v3  }
0x29f: {  	v3 =	vld [tilespmem:s9+$0x5410]  }
0x2a0: {  	[tilespmem:s9+$0x5400] =	vst v2  }
0x2a1: {  	v2 =	vld [tilespmem:s15+$0x10690];
	_ =	sdelay $0x2  }
0x2a2: {  	v3 =	vmul.f32 $3.200000000e+01, v3;
	_ =	sdelay $0x1  }
0x2a3: {  	v2 =	vadd.f32 v2, v3  }
0x2a4: {  	v3 =	vld [tilespmem:s9+$0x5420]  }
0x2a5: {  	[tilespmem:s9+$0x5410] =	vst v2  }
0x2a6: {  	v2 =	vld [tilespmem:s15+$0x106A0];
	_ =	sdelay $0x2  }
0x2a7: {  	v3 =	vmul.f32 $3.200000000e+01, v3;
	_ =	sdelay $0x1  }
0x2a8: {  	v2 =	vadd.f32 v2, v3  }
0x2a9: {  	v3 =	vld [tilespmem:s9+$0x5430]  }
0x2aa: {  	[tilespmem:s9+$0x5420] =	vst v2  }
0x2ab: {  	v2 =	vld [tilespmem:s15+$0x106B0];
	_ =	sdelay $0x2  }
0x2ac: {  	v3 =	vmul.f32 $3.200000000e+01, v3;
	_ =	sdelay $0x1  }
0x2ad: {  	v2 =	vadd.f32 v2, v3  }
0x2ae: {  	v3 =	vld [tilespmem:s9+$0x5440]  }
0x2af: {  	[tilespmem:s9+$0x5430] =	vst v2  }
0x2b0: {  	v2 =	vld [tilespmem:s15+$0x106C0];
	_ =	sdelay $0x2  }
0x2b1: {  	v3 =	vmul.f32 $3.200000000e+01, v3;
	_ =	sdelay $0x1  }
0x2b2: {  	v2 =	vadd.f32 v2, v3  }
0x2b3: {  	v3 =	vld [tilespmem:s9+$0x5450]  }
0x2b4: {  	[tilespmem:s9+$0x5440] =	vst v2  }
0x2b5: {  	v2 =	vld [tilespmem:s15+$0x106D0];
	_ =	sdelay $0x2  }
0x2b6: {  	v3 =	vmul.f32 $3.200000000e+01, v3;
	_ =	sdelay $0x1  }
0x2b7: {  	v2 =	vadd.f32 v2, v3  }
0x2b8: {  	v3 =	vld [tilespmem:s9+$0x5460]  }
0x2b9: {  	[tilespmem:s9+$0x5450] =	vst v2  }
0x2ba: {  	v2 =	vld [tilespmem:s15+$0x106E0];
	_ =	sdelay $0x2  }
0x2bb: {  	v3 =	vmul.f32 $3.200000000e+01, v3;
	_ =	sdelay $0x1  }
0x2bc: {  	v2 =	vadd.f32 v2, v3  }
0x2bd: {  	v3 =	vld [tilespmem:s9+$0x5470]  }
0x2be: {  	[tilespmem:s9+$0x5460] =	vst v2  }
0x2bf: {  	v2 =	vld [tilespmem:s15+$0x106F0];
	_ =	sdelay $0x2  }
0x2c0: {  	v3 =	vmul.f32 $3.200000000e+01, v3;
	_ =	sdelay $0x1  }
0x2c1: {  	v2 =	vadd.f32 v2, v3  }
0x2c2: {  	v3 =	vld [tilespmem:s9+$0x5800]  }
0x2c3: {  	[tilespmem:s9+$0x5470] =	vst v2  }
0x2c4: {  	v2 =	vld [tilespmem:s15+$0x10700];
	_ =	sdelay $0x2  }
0x2c5: {  	v3 =	vmul.f32 $3.200000000e+01, v3;
	_ =	sdelay $0x1  }
0x2c6: {  	v2 =	vadd.f32 v2, v3  }
0x2c7: {  	v3 =	vld [tilespmem:s9+$0x5810]  }
0x2c8: {  	[tilespmem:s9+$0x5800] =	vst v2  }
0x2c9: {  	v2 =	vld [tilespmem:s15+$0x10710];
	_ =	sdelay $0x2  }
0x2ca: {  	v3 =	vmul.f32 $3.200000000e+01, v3;
	_ =	sdelay $0x1  }
0x2cb: {  	v2 =	vadd.f32 v2, v3  }
0x2cc: {  	v3 =	vld [tilespmem:s9+$0x5820]  }
0x2cd: {  	[tilespmem:s9+$0x5810] =	vst v2  }
0x2ce: {  	v2 =	vld [tilespmem:s15+$0x10720];
	_ =	sdelay $0x2  }
0x2cf: {  	v3 =	vmul.f32 $3.200000000e+01, v3;
	_ =	sdelay $0x1  }
0x2d0: {  	v2 =	vadd.f32 v2, v3  }
0x2d1: {  	v3 =	vld [tilespmem:s9+$0x5830]  }
0x2d2: {  	[tilespmem:s9+$0x5820] =	vst v2  }
0x2d3: {  	v2 =	vld [tilespmem:s15+$0x10730];
	_ =	sdelay $0x2  }
0x2d4: {  	v3 =	vmul.f32 $3.200000000e+01, v3;
	_ =	sdelay $0x1  }
0x2d5: {  	v2 =	vadd.f32 v2, v3  }
0x2d6: {  	v3 =	vld [tilespmem:s9+$0x5840]  }
0x2d7: {  	[tilespmem:s9+$0x5830] =	vst v2  }
0x2d8: {  	v2 =	vld [tilespmem:s15+$0x10740];
	_ =	sdelay $0x2  }
0x2d9: {  	v3 =	vmul.f32 $3.200000000e+01, v3;
	_ =	sdelay $0x1  }
0x2da: {  	v2 =	vadd.f32 v2, v3  }
0x2db: {  	v3 =	vld [tilespmem:s9+$0x5850]  }
0x2dc: {  	[tilespmem:s9+$0x5840] =	vst v2  }
0x2dd: {  	v2 =	vld [tilespmem:s15+$0x10750];
	_ =	sdelay $0x2  }
0x2de: {  	v3 =	vmul.f32 $3.200000000e+01, v3;
	_ =	sdelay $0x1  }
0x2df: {  	v2 =	vadd.f32 v2, v3  }
0x2e0: {  	v3 =	vld [tilespmem:s9+$0x5860]  }
0x2e1: {  	[tilespmem:s9+$0x5850] =	vst v2  }
0x2e2: {  	v2 =	vld [tilespmem:s15+$0x10760];
	_ =	sdelay $0x2  }
0x2e3: {  	v3 =	vmul.f32 $3.200000000e+01, v3;
	_ =	sdelay $0x1  }
0x2e4: {  	v2 =	vadd.f32 v2, v3  }
0x2e5: {  	v3 =	vld [tilespmem:s9+$0x5870]  }
0x2e6: {  	[tilespmem:s9+$0x5860] =	vst v2  }
0x2e7: {  	v2 =	vld [tilespmem:s15+$0x10770];
	_ =	sdelay $0x2  }
0x2e8: {  	v3 =	vmul.f32 $3.200000000e+01, v3  }
0x2e9: {  	s23 =	sand.u32 $0x7, s21  }
0x2ea: {  	s23 =	sshll.u32 s23, $0x7;
	v2 =	vadd.f32 v2, v3  }
0x2eb: {  	s23 =	sadd.s32 s23, s24  }
0x2ec: {  	[tilespmem:s9+$0x5870] =	vst v2;
	s9 =	sor.u32 $0x1C00, s23  }
0x2ed: {  	v2 =	vld [tilespmem:s9+$0x4000];
	_ =	sdelay $0x1  }
0x2ee: {  	v3 =	vld [tilespmem:s15+$0x10780];
	_ =	sdelay $0x2  }
0x2ef: {  	v2 =	vmul.f32 $3.200000000e+01, v2;
	_ =	sdelay $0x1  }
0x2f0: {  	v2 =	vadd.f32 v3, v2;
	_ =	sdelay $0x1  }
0x2f1: {  	[tilespmem:s9+$0x4000] =	vst v2;
	s9 =	sor.u32 $0x1C10, s23  }
0x2f2: {  	v2 =	vld [tilespmem:s9+$0x4000];
	_ =	sdelay $0x1  }
0x2f3: {  	v3 =	vld [tilespmem:s15+$0x10790];
	_ =	sdelay $0x2  }
0x2f4: {  	v2 =	vmul.f32 $3.200000000e+01, v2;
	_ =	sdelay $0x1  }
0x2f5: {  	v2 =	vadd.f32 v3, v2;
	_ =	sdelay $0x1  }
0x2f6: {  	[tilespmem:s9+$0x4000] =	vst v2;
	s9 =	sor.u32 $0x1C20, s23  }
0x2f7: {  	v2 =	vld [tilespmem:s9+$0x4000];
	_ =	sdelay $0x1  }
0x2f8: {  	v3 =	vld [tilespmem:s15+$0x107A0];
	_ =	sdelay $0x2  }
0x2f9: {  	v2 =	vmul.f32 $3.200000000e+01, v2;
	_ =	sdelay $0x1  }
0x2fa: {  	v2 =	vadd.f32 v3, v2;
	_ =	sdelay $0x1  }
0x2fb: {  	[tilespmem:s9+$0x4000] =	vst v2;
	s9 =	sor.u32 $0x1C30, s23  }
0x2fc: {  	v2 =	vld [tilespmem:s9+$0x4000];
	_ =	sdelay $0x1  }
0x2fd: {  	v3 =	vld [tilespmem:s15+$0x107B0];
	_ =	sdelay $0x2  }
0x2fe: {  	v2 =	vmul.f32 $3.200000000e+01, v2;
	_ =	sdelay $0x1  }
0x2ff: {  	v2 =	vadd.f32 v3, v2;
	_ =	sdelay $0x1  }
0x300: {  	[tilespmem:s9+$0x4000] =	vst v2;
	s9 =	sor.u32 $0x1C40, s23  }
0x301: {  	v2 =	vld [tilespmem:s9+$0x4000];
	_ =	sdelay $0x1  }
0x302: {  	v3 =	vld [tilespmem:s15+$0x107C0];
	_ =	sdelay $0x2  }
0x303: {  	v2 =	vmul.f32 $3.200000000e+01, v2;
	_ =	sdelay $0x1  }
0x304: {  	v2 =	vadd.f32 v3, v2;
	_ =	sdelay $0x1  }
0x305: {  	[tilespmem:s9+$0x4000] =	vst v2;
	s9 =	sor.u32 $0x1C50, s23  }
0x306: {  	v2 =	vld [tilespmem:s9+$0x4000];
	_ =	sdelay $0x1  }
0x307: {  	v3 =	vld [tilespmem:s15+$0x107D0];
	_ =	sdelay $0x2  }
0x308: {  	v2 =	vmul.f32 $3.200000000e+01, v2;
	_ =	sdelay $0x1  }
0x309: {  	v2 =	vadd.f32 v3, v2;
	_ =	sdelay $0x1  }
0x30a: {  	[tilespmem:s9+$0x4000] =	vst v2;
	s9 =	sor.u32 $0x1C60, s23  }
0x30b: {  	v2 =	vld [tilespmem:s9+$0x4000];
	_ =	sdelay $0x1  }
0x30c: {  	v3 =	vld [tilespmem:s15+$0x107E0];
	_ =	sdelay $0x2  }
0x30d: {  	v2 =	vmul.f32 $3.200000000e+01, v2;
	_ =	sdelay $0x1  }
0x30e: {  	v2 =	vadd.f32 v3, v2;
	_ =	sdelay $0x1  }
0x30f: {  	s23 =	sor.u32 $0x1C70, s23;
	[tilespmem:s9+$0x4000] =	vst v2  }
0x310: {  	v2 =	vld [tilespmem:s23+$0x4000];
	_ =	sdelay $0x1  }
0x311: {  	v3 =	vld [tilespmem:s15+$0x107F0];
	_ =	sdelay $0x1  }
0x312: {  	p1 =	sne.s32 s11, $0xF  }
.Ltmp3:
0x313: {  	v2 =	vmul.f32 $3.200000000e+01, v2;
	(pc) =	sbr.rel @p1 .LBB2_5-.Ltmp3, $4  }
0x314: {  	_ = 	snop  }
0x315: {  	v2 =	vadd.f32 v3, v2  }
0x316: {  	s10 =	sadd.s32 $0x80, s10  }
0x317: {  	s11 =	sadd.s32 $0x1, s11;
	s21 =	sadd.s32 $0x1, s21;
	s24 =	sadd.s32 $0x400, s24;
	[tilespmem:s23+$0x4000] =	vst v2  }
.Ltmp4:
0x318: {  	(pc) =	sbr.rel @p0 .LBB2_8-.Ltmp4, $3  }
0x319: {  	_ =	sdelay $0x1  }
0x31a: {  	s9 =	sadd.s32 s3, s20  }
0x31b: {  	[hbm4b:s9+s4] =	stream.linear.scatter [tilespmem:s25], [sflag:$0x6], $0x4000, $0x38;
	[tilespmem:$0x18900] =	vst v63  }
.Ltmp5:
0x31c: {  	s9 =	sadd.s32 s19, s14;
	(pc) =	sbr.rel .LBB2_2-.Ltmp5, $4  }
0x31d: {  	s9 =	sshll.u32 s9, $0x2  }
0x31e: {  	s9 =	sand.u32 $0x1FFFFFFC, s9  }
0x31f: {  	s18 =	sadd.s32 $0x1, s18;
	s9 =	sadd.s32 s6, s9  }
0x320: {  	[tilespmem:s22], [sflag:$0x8] =	stream.linear.gather [hbm4b:s9+s4], $0x20, $0x38;
	[tilespmem:$0x18900] =	vst v63  }
.LBB2_9:
0x321: {  	_ =	sfence.sel $0x180000  }
0x322: {  	[bflag:$0x0] =	sbarrier.arrive $0xFFFF  }
0x323: {  	_ =	strace $0x90000047  }
0x324: {  	s0 =	stileid.u32;
	[bflag:$0x2] =	sbarrier.arrive $0xFFFF  }
0x325: {  	p0 =	sne.s32 s0, $0x0;
	s0 =	rddreg [dreg:$0x3]  }
0x326: {  	s0 =	sadd.s32 @!p0 $0x100000, s0  }
0x327: {  	[sflag:s0] =	ssyncadd.tile.s32 @!p0 $0x1;
	_ =	shalt  }
.Lfunc_end2:
_tile_overlayer_lowered:
.L_overlay_start_2:
0x328: {  	(tag) =	ssettag $0x2  }
0x329: {  	s0 =	rddreg [dreg:$0x0];
	s2 =	stileid.u32  }
0x32a: {  	s1 =	rddreg [dreg:$0x1];
	p0 =	sne.s32 s2, $0x0  }
0x32b: {  	s3 =	rddreg [dreg:$0x2];
	[bflag:$0x3] =	sbarrier.arrive $0xFFFF;
	s2 =	simm.s32 @!p0 $0x1C09  }
0x32c: {  	[timem:s3], [sflag:s2] =	dma.local @!p0 [hbm:s0], s1  }
0x32d: {  	s0 =	simm.s32 @!p0 $0x9  }
0x32e: {  	_ =	swait.ge @!p0 [sflag:s0], s1  }
0x32f: {  	s1 =	ssub.s32 @!p0 $0x0, s1;
	[sflag:s0] =	ssyncset.done @!p0 $0x0  }
0x330: {  	[sflag:s0] =	ssyncadd.s32 @!p0 s1  }
0x331: {  	[bflag:$0x3] =	sbarrier.arrive $0xFFFF  }
0x332: {  	_ =	shalt  }

</sc_bundles>
